<compile_context>
chip_gen: v7x
topology: tpu7x:2x2x1
jax: 0.10.2.dev20260603
libtpu: 0.0.44.dev20260713+nightly
codegen_flags: <defaults>
</compile_context>

<pallas_src>
import functools

import jax
import jax.numpy as jnp
from jax import lax
from jax.experimental import pallas as pl
from jax.experimental.pallas import tpu as pltpu
from jax.experimental.pallas import tpu_sc as plsc

B, H, W = 16, 512, 512
N = B * H * W
ROWS = N // W
NC, NS, L = 2, 16, 16
NW = NC * NS

SC_CHUNKS = 2
SC_ROWS = NW * SC_CHUNKS * 32
TC_ROWS = ROWS - SC_ROWS
ROWS_PER_W = SC_ROWS // NW
GROUPS = 32

_mesh = plsc.VectorSubcoreMesh(core_axis_name="c", subcore_axis_name="s")


@functools.partial(
    pl.kernel,
    out_type=jax.ShapeDtypeStruct((NW, 2, L), jnp.float32),
    mesh=_mesh,
    scratch_types=[
        pltpu.VMEM((32, W), jnp.float32),
        pltpu.VMEM((32, W), jnp.float32),
        pltpu.VMEM((32, W), jnp.float32),
        pltpu.VMEM((32, W), jnp.float32),
        pltpu.VMEM((W,), jnp.uint32),
        pltpu.VMEM((W,), jnp.uint32),
        pltpu.VMEM((2, L), jnp.float32),
        pltpu.SemaphoreType.DMA,
        pltpu.SemaphoreType.DMA,
    ],
)
def _sc_loss(x_hbm, t_hbm, mw_hbm, out_hbm,
             xb0, xb1, tb0, tb1, mb0, mb1, res, sem0, sem1):
    wid = lax.axis_index("s") * NC + lax.axis_index("c")
    base_row = wid * ROWS_PER_W
    base_band = wid * SC_CHUNKS
    xbs, tbs, mbs, sems = (xb0, xb1), (tb0, tb1), (mb0, mb1), (sem0, sem1)

    def start(g):
        slot = g % 2
        r0 = pl.multiple_of(TC_ROWS + base_row + g * 32, 32)
        ow = pl.multiple_of((base_band + g) * W, W)
        return [
            pltpu.async_copy(x_hbm.at[pl.ds(r0, 32), :], xbs[slot], sems[slot]),
            pltpu.async_copy(t_hbm.at[pl.ds(r0, 32), :], tbs[slot], sems[slot]),
            pltpu.async_copy(mw_hbm.at[pl.ds(ow, W)], mbs[slot], sems[slot]),
        ]

    acc = jnp.zeros((L,), jnp.float32)
    cnt = jnp.zeros((L,), jnp.float32)

    pend = start(0)
    for g in range(SC_CHUNKS):
        nxt = start(g + 1) if g + 1 < SC_CHUNKS else None
        for c in pend:
            c.wait()
        xb, tb, mb = xbs[g % 2], tbs[g % 2], mbs[g % 2]

        def body(i, carry, xb=xb, tb=tb, mb=mb):
            a, n = carry
            col = i * 16
            w = mb[pl.ds(col, 16)]
            for b in range(32):
                xg = xb[b, pl.ds(col, 16)]
                tg = tb[b, pl.ds(col, 16)]
                d = xg - tg
                ad = jnp.abs(d)
                c1 = jnp.minimum(ad, 1.0)
                loss = c1 * (ad - 0.5 * c1)
                mf = ((w >> jnp.uint32(b)) & jnp.uint32(1)).astype(jnp.float32)
                a = a + loss * mf
                n = n + mf
            return a, n

        acc, cnt = lax.fori_loop(0, GROUPS, body, (acc, cnt))
        pend = nxt

    res[0, :] = acc
    res[1, :] = cnt
    pltpu.sync_copy(res, out_hbm.at[wid])


TC_BLK = 1024


def _tc_body(x_ref, t_ref, w_ref, sum_ref, cnt_ref, tot_ref):
    i = pl.program_id(0)

    @pl.when(i == 0)
    def _init():
        sum_ref[...] = jnp.zeros((1, W), jnp.float32)
        cnt_ref[...] = jnp.zeros((1, W), jnp.float32)

    d = x_ref[...] - t_ref[...]
    ad = jnp.abs(d)
    c1 = jnp.minimum(ad, 1.0)
    loss = c1 * (ad - 0.5 * c1)
    mf = w_ref[...].astype(jnp.float32)
    sum_ref[...] += jnp.sum(loss * mf, axis=0, keepdims=True)
    cnt_ref[...] += jnp.sum(mf, axis=0, keepdims=True)

    @pl.when(i == TC_ROWS // TC_BLK - 1)
    def _finalize():
        tot_ref[...] = jnp.stack(
            [jnp.sum(sum_ref[...]), jnp.sum(cnt_ref[...])]
        ).reshape(1, 2)


def _tc_loss(x, t, mw):
    return pl.pallas_call(
        _tc_body,
        grid=(TC_ROWS // TC_BLK,),
        in_specs=[
            pl.BlockSpec((TC_BLK, W), lambda i: (i, 0)),
            pl.BlockSpec((TC_BLK, W), lambda i: (i, 0)),
            pl.BlockSpec((TC_BLK, W), lambda i: (i, 0)),
        ],
        out_specs=[
            pl.BlockSpec((1, W), lambda i: (0, 0)),
            pl.BlockSpec((1, W), lambda i: (0, 0)),
            pl.BlockSpec((1, 2), lambda i: (0, 0)),
        ],
        out_shape=[
            jax.ShapeDtypeStruct((1, W), jnp.float32),
            jax.ShapeDtypeStruct((1, W), jnp.float32),
            jax.ShapeDtypeStruct((1, 2), jnp.float32),
        ],
    )(x, t, mw)


def kernel(inputs, targets, mask):
    x = inputs.reshape(ROWS, W)
    t = targets.reshape(ROWS, W)
    m = mask.reshape(ROWS, W)

    msc = m[TC_ROWS:].reshape(SC_ROWS // 32, 32, W).astype(jnp.uint32)
    mw = jnp.sum(msc << jnp.arange(32, dtype=jnp.uint32)[None, :, None], axis=1)

    sc_out = _sc_loss(x, t, mw.reshape(SC_ROWS // 32 * W))
    _, _, tc_tot = _tc_loss(x, t, m.view(jnp.uint8))

    s = jnp.sum(sc_out[:, 0, :]) + tc_tot[0, 0]
    c = jnp.sum(sc_out[:, 1, :]) + tc_tot[0, 1]
    return s / jnp.maximum(c, 1.0)

# --- scband reference (transcript-rebuilt; emitter-appended) ---
"""Pipeline reference for scband-sl1-loss-24266565222535 (READ-ONLY COPY).

The authoritative reference and input builder live on the scoring server;
editing this copy changes nothing except your own understanding.
"""

import jax, jax.numpy as jnp
import numpy as np

B, H, W = 16, 512, 512

def setup_inputs(seed: int = 0) -> dict:
    key = jax.random.key(seed)
    k1, k2, k3 = jax.random.split(key, 3)
    inputs = jax.random.normal(k1, (B, H, W), dtype=jnp.float32)
    targets = jax.random.normal(k2, (B, H, W), dtype=jnp.float32)
    mask = jax.random.randint(k3, (B, H, W), 0, 2).astype(jnp.bool_)
    return {"inputs": inputs, "targets": targets, "mask": mask}

def _smooth_l1(x, t):
    # torch.nn.SmoothL1Loss with default beta=1.0, reduction='none'
    d = x - t
    ad = jnp.abs(d)
    return jnp.where(ad < 1.0, 0.5 * d * d, ad - 0.5)

def reference(inputs, targets, mask):
    # Boolean-mask selection + mean is equivalent to a weighted mean:
    # mean(loss[mask]) == sum(loss * mask) / sum(mask)
    # (ohem=False, so the top-k branch is not taken)
    loss = _smooth_l1(inputs, targets)
    m = mask.astype(loss.dtype)
    denom = jnp.maximum(jnp.sum(m), 1.0)
    return jnp.sum(loss * m) / denom

if __name__ == "__main__":
    import jax
    _d = setup_inputs()
    print(jax.jit(kernel)(*tuple(_d.values())))

</pallas_src>

<mosaic_0001>
#map = affine_map<(d0, d1) -> (0, 0)>
#map1 = affine_map<(d0, d1) -> (0)>
#map2 = affine_map<(d0, d1) -> (0, 0, 0)>
module attributes {stable_mosaic.version = 14 : i64} {
  func.func @_sc_loss(%arg0: i32, %arg1: i32, %arg2: memref<8192x512xf32, #tpu.memory_space<hbm>>, %arg3: memref<8192x512xf32, #tpu.memory_space<hbm>>, %arg4: memref<32768xi32, #tpu.memory_space<hbm>>, %arg5: memref<32x2x16xf32, #tpu.memory_space<hbm>>, %arg6: memref<32x512xf32, #tpu.memory_space<vmem>>, %arg7: memref<32x512xf32, #tpu.memory_space<vmem>>, %arg8: memref<32x512xf32, #tpu.memory_space<vmem>>, %arg9: memref<32x512xf32, #tpu.memory_space<vmem>>, %arg10: memref<512xi32, #tpu.memory_space<vmem>>, %arg11: memref<512xi32, #tpu.memory_space<vmem>>, %arg12: memref<2x16xf32, #tpu.memory_space<vmem>>, %arg13: memref<!tpu.dma_semaphore, #tpu.memory_space<semaphore_mem>>, %arg14: memref<!tpu.dma_semaphore, #tpu.memory_space<semaphore_mem>>) attributes {dimension_semantics = [#tpu.dimension_semantics<core_parallel>, #tpu.dimension_semantics<subcore_parallel>], iteration_bounds = array<i64: 2, 16>, scalar_prefetch = 0 : i64, scratch_operands = 9 : i64, tpu.core_type = #tpu.core_type<sc_vector_subcore>, window_params = [{transform_indices = #map}, {transform_indices = #map}, {transform_indices = #map1}, {transform_indices = #map2}]} {
    %mul3A = arith.constant 2 : i32
    %mul3A_0 = arith.muli %arg1, %mul3A : i32
    %add3A = arith.addi %mul3A_0, %arg0 : i32
    %mul3A_1 = arith.constant 64 : i32
    %mul3A_2 = arith.muli %add3A, %mul3A_1 : i32
    %mul3A_3 = arith.constant 2 : i32
    %mul3A_4 = arith.muli %add3A, %mul3A_3 : i32
    %broadcast_in_dim3A = arith.constant 0.000000e+00 : f32
    %broadcast_in_dim3A_5 = vector.broadcast %broadcast_in_dim3A : f32 to vector<16xf32>
    %broadcast_in_dim3A_6 = arith.constant 0.000000e+00 : f32
    %broadcast_in_dim3A_7 = vector.broadcast %broadcast_in_dim3A_6 : f32 to vector<16xf32>
    %add3A_8 = arith.constant 6144 : i32
    %add3A_9 = arith.addi %add3A_8, %mul3A_2 : i32
    %add3A_10 = arith.constant 0 : i32
    %add3A_11 = arith.addi %add3A_9, %add3A_10 : i32
    %multiple_of3A = tpu.assume_multiple %add3A_11, 32 : i32
    %add3A_12 = arith.constant 0 : i32
    %add3A_13 = arith.addi %mul3A_4, %add3A_12 : i32
    %mul3A_14 = arith.constant 512 : i32
    %mul3A_15 = arith.muli %add3A_13, %mul3A_14 : i32
    %multiple_of3A_16 = tpu.assume_multiple %mul3A_15, 512 : i32
    %dma_start3A = arith.constant 0 : i32
    %dma_start3A_17 = tpu.memref_slice %arg2[%multiple_of3A, %dma_start3A] : memref<8192x512xf32, #tpu.memory_space<hbm>> -> memref<32x512xf32, #tpu.memory_space<hbm>>
    %dma_start3A_18 = arith.constant 0 : i32
    %dma_start3A_19 = tpu.memref_slice %arg2[%multiple_of3A, %dma_start3A_18] : memref<8192x512xf32, #tpu.memory_space<hbm>> -> memref<32x512xf32, #tpu.memory_space<hbm>>
    tpu.enqueue_dma source(%dma_start3A_19 : memref<32x512xf32, #tpu.memory_space<hbm>>) target(%arg6 : memref<32x512xf32, #tpu.memory_space<vmem>>) target_semaphore(%arg13 : memref<!tpu.dma_semaphore, #tpu.memory_space<semaphore_mem>>)
    %dma_start3A_20 = arith.constant 0 : i32
    %dma_start3A_21 = tpu.memref_slice %arg3[%multiple_of3A, %dma_start3A_20] : memref<8192x512xf32, #tpu.memory_space<hbm>> -> memref<32x512xf32, #tpu.memory_space<hbm>>
    %dma_start3A_22 = arith.constant 0 : i32
    %dma_start3A_23 = tpu.memref_slice %arg3[%multiple_of3A, %dma_start3A_22] : memref<8192x512xf32, #tpu.memory_space<hbm>> -> memref<32x512xf32, #tpu.memory_space<hbm>>
    tpu.enqueue_dma source(%dma_start3A_23 : memref<32x512xf32, #tpu.memory_space<hbm>>) target(%arg8 : memref<32x512xf32, #tpu.memory_space<vmem>>) target_semaphore(%arg13 : memref<!tpu.dma_semaphore, #tpu.memory_space<semaphore_mem>>)
    %dma_start3A_24 = tpu.memref_slice %arg4[%multiple_of3A_16] : memref<32768xi32, #tpu.memory_space<hbm>> -> memref<512xi32, #tpu.memory_space<hbm>>
    %dma_start3A_25 = tpu.memref_slice %arg4[%multiple_of3A_16] : memref<32768xi32, #tpu.memory_space<hbm>> -> memref<512xi32, #tpu.memory_space<hbm>>
    tpu.enqueue_dma source(%dma_start3A_25 : memref<512xi32, #tpu.memory_space<hbm>>) target(%arg10 : memref<512xi32, #tpu.memory_space<vmem>>) target_semaphore(%arg13 : memref<!tpu.dma_semaphore, #tpu.memory_space<semaphore_mem>>)
    %add3A_26 = arith.constant 6144 : i32
    %add3A_27 = arith.addi %add3A_26, %mul3A_2 : i32
    %add3A_28 = arith.constant 32 : i32
    %add3A_29 = arith.addi %add3A_27, %add3A_28 : i32
    %multiple_of3A_30 = tpu.assume_multiple %add3A_29, 32 : i32
    %add3A_31 = arith.constant 1 : i32
    %add3A_32 = arith.addi %mul3A_4, %add3A_31 : i32
    %mul3A_33 = arith.constant 512 : i32
    %mul3A_34 = arith.muli %add3A_32, %mul3A_33 : i32
    %multiple_of3A_35 = tpu.assume_multiple %mul3A_34, 512 : i32
    %dma_start3A_36 = arith.constant 0 : i32
    %dma_start3A_37 = tpu.memref_slice %arg2[%multiple_of3A_30, %dma_start3A_36] : memref<8192x512xf32, #tpu.memory_space<hbm>> -> memref<32x512xf32, #tpu.memory_space<hbm>>
    %dma_start3A_38 = arith.constant 0 : i32
    %dma_start3A_39 = tpu.memref_slice %arg2[%multiple_of3A_30, %dma_start3A_38] : memref<8192x512xf32, #tpu.memory_space<hbm>> -> memref<32x512xf32, #tpu.memory_space<hbm>>
    tpu.enqueue_dma source(%dma_start3A_39 : memref<32x512xf32, #tpu.memory_space<hbm>>) target(%arg7 : memref<32x512xf32, #tpu.memory_space<vmem>>) target_semaphore(%arg14 : memref<!tpu.dma_semaphore, #tpu.memory_space<semaphore_mem>>)
    %dma_start3A_40 = arith.constant 0 : i32
    %dma_start3A_41 = tpu.memref_slice %arg3[%multiple_of3A_30, %dma_start3A_40] : memref<8192x512xf32, #tpu.memory_space<hbm>> -> memref<32x512xf32, #tpu.memory_space<hbm>>
    %dma_start3A_42 = arith.constant 0 : i32
    %dma_start3A_43 = tpu.memref_slice %arg3[%multiple_of3A_30, %dma_start3A_42] : memref<8192x512xf32, #tpu.memory_space<hbm>> -> memref<32x512xf32, #tpu.memory_space<hbm>>
    tpu.enqueue_dma source(%dma_start3A_43 : memref<32x512xf32, #tpu.memory_space<hbm>>) target(%arg9 : memref<32x512xf32, #tpu.memory_space<vmem>>) target_semaphore(%arg14 : memref<!tpu.dma_semaphore, #tpu.memory_space<semaphore_mem>>)
    %dma_start3A_44 = tpu.memref_slice %arg4[%multiple_of3A_35] : memref<32768xi32, #tpu.memory_space<hbm>> -> memref<512xi32, #tpu.memory_space<hbm>>
    %dma_start3A_45 = tpu.memref_slice %arg4[%multiple_of3A_35] : memref<32768xi32, #tpu.memory_space<hbm>> -> memref<512xi32, #tpu.memory_space<hbm>>
    tpu.enqueue_dma source(%dma_start3A_45 : memref<512xi32, #tpu.memory_space<hbm>>) target(%arg11 : memref<512xi32, #tpu.memory_space<vmem>>) target_semaphore(%arg14 : memref<!tpu.dma_semaphore, #tpu.memory_space<semaphore_mem>>)
    %dma_wait3A = arith.constant 0 : i32
    %dma_wait3A_46 = tpu.memref_slice %arg2[%multiple_of3A, %dma_wait3A] : memref<8192x512xf32, #tpu.memory_space<hbm>> -> memref<32x512xf32, #tpu.memory_space<hbm>>
    %dma_wait3A_47 = arith.constant 0 : i32
    %dma_wait3A_48 = tpu.memref_slice %arg2[%multiple_of3A, %dma_wait3A_47] : memref<8192x512xf32, #tpu.memory_space<hbm>> -> memref<32x512xf32, #tpu.memory_space<hbm>>
    tpu.wait_dma2 semaphore(%arg13 : memref<!tpu.dma_semaphore, #tpu.memory_space<semaphore_mem>>) src(%dma_wait3A_48 : memref<32x512xf32, #tpu.memory_space<hbm>>) dst(%arg6 : memref<32x512xf32, #tpu.memory_space<vmem>>)
    %dma_wait3A_49 = arith.constant 0 : i32
    %dma_wait3A_50 = tpu.memref_slice %arg3[%multiple_of3A, %dma_wait3A_49] : memref<8192x512xf32, #tpu.memory_space<hbm>> -> memref<32x512xf32, #tpu.memory_space<hbm>>
    %dma_wait3A_51 = arith.constant 0 : i32
    %dma_wait3A_52 = tpu.memref_slice %arg3[%multiple_of3A, %dma_wait3A_51] : memref<8192x512xf32, #tpu.memory_space<hbm>> -> memref<32x512xf32, #tpu.memory_space<hbm>>
    tpu.wait_dma2 semaphore(%arg13 : memref<!tpu.dma_semaphore, #tpu.memory_space<semaphore_mem>>) src(%dma_wait3A_52 : memref<32x512xf32, #tpu.memory_space<hbm>>) dst(%arg8 : memref<32x512xf32, #tpu.memory_space<vmem>>)
    %dma_wait3A_53 = tpu.memref_slice %arg4[%multiple_of3A_16] : memref<32768xi32, #tpu.memory_space<hbm>> -> memref<512xi32, #tpu.memory_space<hbm>>
    %dma_wait3A_54 = tpu.memref_slice %arg4[%multiple_of3A_16] : memref<32768xi32, #tpu.memory_space<hbm>> -> memref<512xi32, #tpu.memory_space<hbm>>
    tpu.wait_dma2 semaphore(%arg13 : memref<!tpu.dma_semaphore, #tpu.memory_space<semaphore_mem>>) src(%dma_wait3A_54 : memref<512xi32, #tpu.memory_space<hbm>>) dst(%arg10 : memref<512xi32, #tpu.memory_space<vmem>>)
    %scan3A = arith.constant 0 : i32
    %scan3A_55 = arith.constant 32 : i32
    %scan3A_56 = arith.addi %scan3A, %scan3A_55 : i32
    %scan3A_57 = arith.constant 1 : i32
    %scan3A_58:2 = scf.for %scan3A_87 = %scan3A to %scan3A_56 step %scan3A_57 iter_args(%scan3A_88 = %broadcast_in_dim3A_5, %scan3A_89 = %broadcast_in_dim3A_7) -> (vector<16xf32>, vector<16xf32>)  : i32 {
      %mul3A_90 = arith.constant 16 : i32
      %mul3A_91 = arith.muli %scan3A_87, %mul3A_90 : i32
      %get3A = arith.index_cast %mul3A_91 : i32 to index
      %get3A_92 = tpu.vector_load %arg10[%get3A] {strides = array<i32>} : memref<512xi32, #tpu.memory_space<vmem>>, vector<16xi32>,
      %get3A_93 = vector.shape_cast %get3A_92 : vector<16xi32> to vector<16xi32>
      %get3A_94 = arith.constant 0 : i32
      %get3A_95 = arith.index_cast %get3A_94 : i32 to index
      %get3A_96 = arith.index_cast %mul3A_91 : i32 to index
      %get3A_97 = tpu.vector_load %arg6[%get3A_95, %get3A_96] {strides = array<i32>} : memref<32x512xf32, #tpu.memory_space<vmem>>, vector<1x16xf32>,
      %get3A_98 = vector.shape_cast %get3A_97 : vector<1x16xf32> to vector<16xf32>
      %get3A_99 = arith.constant 0 : i32
      %get3A_100 = arith.index_cast %get3A_99 : i32 to index
      %get3A_101 = arith.index_cast %mul3A_91 : i32 to index
      %get3A_102 = tpu.vector_load %arg8[%get3A_100, %get3A_101] {strides = array<i32>} : memref<32x512xf32, #tpu.memory_space<vmem>>, vector<1x16xf32>,
      %get3A_103 = vector.shape_cast %get3A_102 : vector<1x16xf32> to vector<16xf32>
      %sub3A = arith.subf %get3A_98, %get3A_103 : vector<16xf32>
      %abs3A = math.absf %sub3A : vector<16xf32>
      %min3A = arith.constant 1.000000e+00 : f32
      %min3A_104 = vector.broadcast %min3A : f32 to vector<16xf32>
      %min3A_105 = arith.minimumf %abs3A, %min3A_104 : vector<16xf32>
      %mul3A_106 = arith.constant 5.000000e-01 : f32
      %mul3A_107 = vector.broadcast %mul3A_106 : f32 to vector<16xf32>
      %mul3A_108 = arith.mulf %mul3A_107, %min3A_105 : vector<16xf32>
      %sub3A_109 = arith.subf %abs3A, %mul3A_108 : vector<16xf32>
      %mul3A_110 = arith.mulf %min3A_105, %sub3A_109 : vector<16xf32>
      %shift_right_logical3A = arith.constant 0 : i32
      %shift_right_logical3A_111 = vector.broadcast %shift_right_logical3A : i32 to vector<16xi32>
      %shift_right_logical3A_112 = arith.shrui %get3A_93, %shift_right_logical3A_111 : vector<16xi32>
      %and3A = arith.constant 1 : i32
      %and3A_113 = vector.broadcast %and3A : i32 to vector<16xi32>
      %and3A_114 = arith.andi %shift_right_logical3A_112, %and3A_113 : vector<16xi32>
      %convert_element_type3A = arith.uitofp %and3A_114 : vector<16xi32> to vector<16xf32>
      %mul3A_115 = arith.mulf %mul3A_110, %convert_element_type3A : vector<16xf32>
      %add3A_116 = arith.addf %scan3A_88, %mul3A_115 : vector<16xf32>
      %add3A_117 = arith.addf %scan3A_89, %convert_element_type3A : vector<16xf32>
      %get3A_118 = arith.constant 1 : i32
      %get3A_119 = arith.index_cast %get3A_118 : i32 to index
      %get3A_120 = arith.index_cast %mul3A_91 : i32 to index
      %get3A_121 = tpu.vector_load %arg6[%get3A_119, %get3A_120] {strides = array<i32>} : memref<32x512xf32, #tpu.memory_space<vmem>>, vector<1x16xf32>,
      %get3A_122 = vector.shape_cast %get3A_121 : vector<1x16xf32> to vector<16xf32>
      %get3A_123 = arith.constant 1 : i32
      %get3A_124 = arith.index_cast %get3A_123 : i32 to index
      %get3A_125 = arith.index_cast %mul3A_91 : i32 to index
      %get3A_126 = tpu.vector_load %arg8[%get3A_124, %get3A_125] {strides = array<i32>} : memref<32x512xf32, #tpu.memory_space<vmem>>, vector<1x16xf32>,
      %get3A_127 = vector.shape_cast %get3A_126 : vector<1x16xf32> to vector<16xf32>
      %sub3A_128 = arith.subf %get3A_122, %get3A_127 : vector<16xf32>
      %abs3A_129 = math.absf %sub3A_128 : vector<16xf32>
      %min3A_130 = arith.constant 1.000000e+00 : f32
      %min3A_131 = vector.broadcast %min3A_130 : f32 to vector<16xf32>
      %min3A_132 = arith.minimumf %abs3A_129, %min3A_131 : vector<16xf32>
      %mul3A_133 = arith.constant 5.000000e-01 : f32
      %mul3A_134 = vector.broadcast %mul3A_133 : f32 to vector<16xf32>
      %mul3A_135 = arith.mulf %mul3A_134, %min3A_132 : vector<16xf32>
      %sub3A_136 = arith.subf %abs3A_129, %mul3A_135 : vector<16xf32>
      %mul3A_137 = arith.mulf %min3A_132, %sub3A_136 : vector<16xf32>
      %shift_right_logical3A_138 = arith.constant 1 : i32
      %shift_right_logical3A_139 = vector.broadcast %shift_right_logical3A_138 : i32 to vector<16xi32>
      %shift_right_logical3A_140 = arith.shrui %get3A_93, %shift_right_logical3A_139 : vector<16xi32>
      %and3A_141 = arith.constant 1 : i32
      %and3A_142 = vector.broadcast %and3A_141 : i32 to vector<16xi32>
      %and3A_143 = arith.andi %shift_right_logical3A_140, %and3A_142 : vector<16xi32>
      %convert_element_type3A_144 = arith.uitofp %and3A_143 : vector<16xi32> to vector<16xf32>
      %mul3A_145 = arith.mulf %mul3A_137, %convert_element_type3A_144 : vector<16xf32>
      %add3A_146 = arith.addf %add3A_116, %mul3A_145 : vector<16xf32>
      %add3A_147 = arith.addf %add3A_117, %convert_element_type3A_144 : vector<16xf32>
      %get3A_148 = arith.constant 2 : i32
      %get3A_149 = arith.index_cast %get3A_148 : i32 to index
      %get3A_150 = arith.index_cast %mul3A_91 : i32 to index
      %get3A_151 = tpu.vector_load %arg6[%get3A_149, %get3A_150] {strides = array<i32>} : memref<32x512xf32, #tpu.memory_space<vmem>>, vector<1x16xf32>,
      %get3A_152 = vector.shape_cast %get3A_151 : vector<1x16xf32> to vector<16xf32>
      %get3A_153 = arith.constant 2 : i32
      %get3A_154 = arith.index_cast %get3A_153 : i32 to index
      %get3A_155 = arith.index_cast %mul3A_91 : i32 to index
      %get3A_156 = tpu.vector_load %arg8[%get3A_154, %get3A_155] {strides = array<i32>} : memref<32x512xf32, #tpu.memory_space<vmem>>, vector<1x16xf32>,
      %get3A_157 = vector.shape_cast %get3A_156 : vector<1x16xf32> to vector<16xf32>
      %sub3A_158 = arith.subf %get3A_152, %get3A_157 : vector<16xf32>
      %abs3A_159 = math.absf %sub3A_158 : vector<16xf32>
      %min3A_160 = arith.constant 1.000000e+00 : f32
      %min3A_161 = vector.broadcast %min3A_160 : f32 to vector<16xf32>
      %min3A_162 = arith.minimumf %abs3A_159, %min3A_161 : vector<16xf32>
      %mul3A_163 = arith.constant 5.000000e-01 : f32
      %mul3A_164 = vector.broadcast %mul3A_163 : f32 to vector<16xf32>
      %mul3A_165 = arith.mulf %mul3A_164, %min3A_162 : vector<16xf32>
      %sub3A_166 = arith.subf %abs3A_159, %mul3A_165 : vector<16xf32>
      %mul3A_167 = arith.mulf %min3A_162, %sub3A_166 : vector<16xf32>
      %shift_right_logical3A_168 = arith.constant 2 : i32
      %shift_right_logical3A_169 = vector.broadcast %shift_right_logical3A_168 : i32 to vector<16xi32>
      %shift_right_logical3A_170 = arith.shrui %get3A_93, %shift_right_logical3A_169 : vector<16xi32>
      %and3A_171 = arith.constant 1 : i32
      %and3A_172 = vector.broadcast %and3A_171 : i32 to vector<16xi32>
      %and3A_173 = arith.andi %shift_right_logical3A_170, %and3A_172 : vector<16xi32>
      %convert_element_type3A_174 = arith.uitofp %and3A_173 : vector<16xi32> to vector<16xf32>
      %mul3A_175 = arith.mulf %mul3A_167, %convert_element_type3A_174 : vector<16xf32>
      %add3A_176 = arith.addf %add3A_146, %mul3A_175 : vector<16xf32>
      %add3A_177 = arith.addf %add3A_147, %convert_element_type3A_174 : vector<16xf32>
      %get3A_178 = arith.constant 3 : i32
      %get3A_179 = arith.index_cast %get3A_178 : i32 to index
      %get3A_180 = arith.index_cast %mul3A_91 : i32 to index
      %get3A_181 = tpu.vector_load %arg6[%get3A_179, %get3A_180] {strides = array<i32>} : memref<32x512xf32, #tpu.memory_space<vmem>>, vector<1x16xf32>,
      %get3A_182 = vector.shape_cast %get3A_181 : vector<1x16xf32> to vector<16xf32>
      %get3A_183 = arith.constant 3 : i32
      %get3A_184 = arith.index_cast %get3A_183 : i32 to index
      %get3A_185 = arith.index_cast %mul3A_91 : i32 to index
      %get3A_186 = tpu.vector_load %arg8[%get3A_184, %get3A_185] {strides = array<i32>} : memref<32x512xf32, #tpu.memory_space<vmem>>, vector<1x16xf32>,
      %get3A_187 = vector.shape_cast %get3A_186 : vector<1x16xf32> to vector<16xf32>
      %sub3A_188 = arith.subf %get3A_182, %get3A_187 : vector<16xf32>
      %abs3A_189 = math.absf %sub3A_188 : vector<16xf32>
      %min3A_190 = arith.constant 1.000000e+00 : f32
      %min3A_191 = vector.broadcast %min3A_190 : f32 to vector<16xf32>
      %min3A_192 = arith.minimumf %abs3A_189, %min3A_191 : vector<16xf32>
      %mul3A_193 = arith.constant 5.000000e-01 : f32
      %mul3A_194 = vector.broadcast %mul3A_193 : f32 to vector<16xf32>
      %mul3A_195 = arith.mulf %mul3A_194, %min3A_192 : vector<16xf32>
      %sub3A_196 = arith.subf %abs3A_189, %mul3A_195 : vector<16xf32>
      %mul3A_197 = arith.mulf %min3A_192, %sub3A_196 : vector<16xf32>
      %shift_right_logical3A_198 = arith.constant 3 : i32
      %shift_right_logical3A_199 = vector.broadcast %shift_right_logical3A_198 : i32 to vector<16xi32>
      %shift_right_logical3A_200 = arith.shrui %get3A_93, %shift_right_logical3A_199 : vector<16xi32>
      %and3A_201 = arith.constant 1 : i32
      %and3A_202 = vector.broadcast %and3A_201 : i32 to vector<16xi32>
      %and3A_203 = arith.andi %shift_right_logical3A_200, %and3A_202 : vector<16xi32>
      %convert_element_type3A_204 = arith.uitofp %and3A_203 : vector<16xi32> to vector<16xf32>
      %mul3A_205 = arith.mulf %mul3A_197, %convert_element_type3A_204 : vector<16xf32>
      %add3A_206 = arith.addf %add3A_176, %mul3A_205 : vector<16xf32>
      %add3A_207 = arith.addf %add3A_177, %convert_element_type3A_204 : vector<16xf32>
      %get3A_208 = arith.constant 4 : i32
      %get3A_209 = arith.index_cast %get3A_208 : i32 to index
      %get3A_210 = arith.index_cast %mul3A_91 : i32 to index
      %get3A_211 = tpu.vector_load %arg6[%get3A_209, %get3A_210] {strides = array<i32>} : memref<32x512xf32, #tpu.memory_space<vmem>>, vector<1x16xf32>,
      %get3A_212 = vector.shape_cast %get3A_211 : vector<1x16xf32> to vector<16xf32>
      %get3A_213 = arith.constant 4 : i32
      %get3A_214 = arith.index_cast %get3A_213 : i32 to index
      %get3A_215 = arith.index_cast %mul3A_91 : i32 to index
      %get3A_216 = tpu.vector_load %arg8[%get3A_214, %get3A_215] {strides = array<i32>} : memref<32x512xf32, #tpu.memory_space<vmem>>, vector<1x16xf32>,
      %get3A_217 = vector.shape_cast %get3A_216 : vector<1x16xf32> to vector<16xf32>
      %sub3A_218 = arith.subf %get3A_212, %get3A_217 : vector<16xf32>
      %abs3A_219 = math.absf %sub3A_218 : vector<16xf32>
      %min3A_220 = arith.constant 1.000000e+00 : f32
      %min3A_221 = vector.broadcast %min3A_220 : f32 to vector<16xf32>
      %min3A_222 = arith.minimumf %abs3A_219, %min3A_221 : vector<16xf32>
      %mul3A_223 = arith.constant 5.000000e-01 : f32
      %mul3A_224 = vector.broadcast %mul3A_223 : f32 to vector<16xf32>
      %mul3A_225 = arith.mulf %mul3A_224, %min3A_222 : vector<16xf32>
      %sub3A_226 = arith.subf %abs3A_219, %mul3A_225 : vector<16xf32>
      %mul3A_227 = arith.mulf %min3A_222, %sub3A_226 : vector<16xf32>
      %shift_right_logical3A_228 = arith.constant 4 : i32
      %shift_right_logical3A_229 = vector.broadcast %shift_right_logical3A_228 : i32 to vector<16xi32>
      %shift_right_logical3A_230 = arith.shrui %get3A_93, %shift_right_logical3A_229 : vector<16xi32>
      %and3A_231 = arith.constant 1 : i32
      %and3A_232 = vector.broadcast %and3A_231 : i32 to vector<16xi32>
      %and3A_233 = arith.andi %shift_right_logical3A_230, %and3A_232 : vector<16xi32>
      %convert_element_type3A_234 = arith.uitofp %and3A_233 : vector<16xi32> to vector<16xf32>
      %mul3A_235 = arith.mulf %mul3A_227, %convert_element_type3A_234 : vector<16xf32>
      %add3A_236 = arith.addf %add3A_206, %mul3A_235 : vector<16xf32>
      %add3A_237 = arith.addf %add3A_207, %convert_element_type3A_234 : vector<16xf32>
      %get3A_238 = arith.constant 5 : i32
      %get3A_239 = arith.index_cast %get3A_238 : i32 to index
      %get3A_240 = arith.index_cast %mul3A_91 : i32 to index
      %get3A_241 = tpu.vector_load %arg6[%get3A_239, %get3A_240] {strides = array<i32>} : memref<32x512xf32, #tpu.memory_space<vmem>>, vector<1x16xf32>,
      %get3A_242 = vector.shape_cast %get3A_241 : vector<1x16xf32> to vector<16xf32>
      %get3A_243 = arith.constant 5 : i32
      %get3A_244 = arith.index_cast %get3A_243 : i32 to index
      %get3A_245 = arith.index_cast %mul3A_91 : i32 to index
      %get3A_246 = tpu.vector_load %arg8[%get3A_244, %get3A_245] {strides = array<i32>} : memref<32x512xf32, #tpu.memory_space<vmem>>, vector<1x16xf32>,
      %get3A_247 = vector.shape_cast %get3A_246 : vector<1x16xf32> to vector<16xf32>
      %sub3A_248 = arith.subf %get3A_242, %get3A_247 : vector<16xf32>
      %abs3A_249 = math.absf %sub3A_248 : vector<16xf32>
      %min3A_250 = arith.constant 1.000000e+00 : f32
      %min3A_251 = vector.broadcast %min3A_250 : f32 to vector<16xf32>
      %min3A_252 = arith.minimumf %abs3A_249, %min3A_251 : vector<16xf32>
      %mul3A_253 = arith.constant 5.000000e-01 : f32
      %mul3A_254 = vector.broadcast %mul3A_253 : f32 to vector<16xf32>
      %mul3A_255 = arith.mulf %mul3A_254, %min3A_252 : vector<16xf32>
      %sub3A_256 = arith.subf %abs3A_249, %mul3A_255 : vector<16xf32>
      %mul3A_257 = arith.mulf %min3A_252, %sub3A_256 : vector<16xf32>
      %shift_right_logical3A_258 = arith.constant 5 : i32
      %shift_right_logical3A_259 = vector.broadcast %shift_right_logical3A_258 : i32 to vector<16xi32>
      %shift_right_logical3A_260 = arith.shrui %get3A_93, %shift_right_logical3A_259 : vector<16xi32>
      %and3A_261 = arith.constant 1 : i32
      %and3A_262 = vector.broadcast %and3A_261 : i32 to vector<16xi32>
      %and3A_263 = arith.andi %shift_right_logical3A_260, %and3A_262 : vector<16xi32>
      %convert_element_type3A_264 = arith.uitofp %and3A_263 : vector<16xi32> to vector<16xf32>
      %mul3A_265 = arith.mulf %mul3A_257, %convert_element_type3A_264 : vector<16xf32>
      %add3A_266 = arith.addf %add3A_236, %mul3A_265 : vector<16xf32>
      %add3A_267 = arith.addf %add3A_237, %convert_element_type3A_264 : vector<16xf32>
      %get3A_268 = arith.constant 6 : i32
      %get3A_269 = arith.index_cast %get3A_268 : i32 to index
      %get3A_270 = arith.index_cast %mul3A_91 : i32 to index
      %get3A_271 = tpu.vector_load %arg6[%get3A_269, %get3A_270] {strides = array<i32>} : memref<32x512xf32, #tpu.memory_space<vmem>>, vector<1x16xf32>,
      %get3A_272 = vector.shape_cast %get3A_271 : vector<1x16xf32> to vector<16xf32>
      %get3A_273 = arith.constant 6 : i32
      %get3A_274 = arith.index_cast %get3A_273 : i32 to index
      %get3A_275 = arith.index_cast %mul3A_91 : i32 to index
      %get3A_276 = tpu.vector_load %arg8[%get3A_274, %get3A_275] {strides = array<i32>} : memref<32x512xf32, #tpu.memory_space<vmem>>, vector<1x16xf32>,
      %get3A_277 = vector.shape_cast %get3A_276 : vector<1x16xf32> to vector<16xf32>
      %sub3A_278 = arith.subf %get3A_272, %get3A_277 : vector<16xf32>
      %abs3A_279 = math.absf %sub3A_278 : vector<16xf32>
      %min3A_280 = arith.constant 1.000000e+00 : f32
      %min3A_281 = vector.broadcast %min3A_280 : f32 to vector<16xf32>
      %min3A_282 = arith.minimumf %abs3A_279, %min3A_281 : vector<16xf32>
      %mul3A_283 = arith.constant 5.000000e-01 : f32
      %mul3A_284 = vector.broadcast %mul3A_283 : f32 to vector<16xf32>
      %mul3A_285 = arith.mulf %mul3A_284, %min3A_282 : vector<16xf32>
      %sub3A_286 = arith.subf %abs3A_279, %mul3A_285 : vector<16xf32>
      %mul3A_287 = arith.mulf %min3A_282, %sub3A_286 : vector<16xf32>
      %shift_right_logical3A_288 = arith.constant 6 : i32
      %shift_right_logical3A_289 = vector.broadcast %shift_right_logical3A_288 : i32 to vector<16xi32>
      %shift_right_logical3A_290 = arith.shrui %get3A_93, %shift_right_logical3A_289 : vector<16xi32>
      %and3A_291 = arith.constant 1 : i32
      %and3A_292 = vector.broadcast %and3A_291 : i32 to vector<16xi32>
      %and3A_293 = arith.andi %shift_right_logical3A_290, %and3A_292 : vector<16xi32>
      %convert_element_type3A_294 = arith.uitofp %and3A_293 : vector<16xi32> to vector<16xf32>
      %mul3A_295 = arith.mulf %mul3A_287, %convert_element_type3A_294 : vector<16xf32>
      %add3A_296 = arith.addf %add3A_266, %mul3A_295 : vector<16xf32>
      %add3A_297 = arith.addf %add3A_267, %convert_element_type3A_294 : vector<16xf32>
      %get3A_298 = arith.constant 7 : i32
      %get3A_299 = arith.index_cast %get3A_298 : i32 to index
      %get3A_300 = arith.index_cast %mul3A_91 : i32 to index
      %get3A_301 = tpu.vector_load %arg6[%get3A_299, %get3A_300] {strides = array<i32>} : memref<32x512xf32, #tpu.memory_space<vmem>>, vector<1x16xf32>,
      %get3A_302 = vector.shape_cast %get3A_301 : vector<1x16xf32> to vector<16xf32>
      %get3A_303 = arith.constant 7 : i32
      %get3A_304 = arith.index_cast %get3A_303 : i32 to index
      %get3A_305 = arith.index_cast %mul3A_91 : i32 to index
      %get3A_306 = tpu.vector_load %arg8[%get3A_304, %get3A_305] {strides = array<i32>} : memref<32x512xf32, #tpu.memory_space<vmem>>, vector<1x16xf32>,
      %get3A_307 = vector.shape_cast %get3A_306 : vector<1x16xf32> to vector<16xf32>
      %sub3A_308 = arith.subf %get3A_302, %get3A_307 : vector<16xf32>
      %abs3A_309 = math.absf %sub3A_308 : vector<16xf32>
      %min3A_310 = arith.constant 1.000000e+00 : f32
      %min3A_311 = vector.broadcast %min3A_310 : f32 to vector<16xf32>
      %min3A_312 = arith.minimumf %abs3A_309, %min3A_311 : vector<16xf32>
      %mul3A_313 = arith.constant 5.000000e-01 : f32
      %mul3A_314 = vector.broadcast %mul3A_313 : f32 to vector<16xf32>
      %mul3A_315 = arith.mulf %mul3A_314, %min3A_312 : vector<16xf32>
      %sub3A_316 = arith.subf %abs3A_309, %mul3A_315 : vector<16xf32>
      %mul3A_317 = arith.mulf %min3A_312, %sub3A_316 : vector<16xf32>
      %shift_right_logical3A_318 = arith.constant 7 : i32
      %shift_right_logical3A_319 = vector.broadcast %shift_right_logical3A_318 : i32 to vector<16xi32>
      %shift_right_logical3A_320 = arith.shrui %get3A_93, %shift_right_logical3A_319 : vector<16xi32>
      %and3A_321 = arith.constant 1 : i32
      %and3A_322 = vector.broadcast %and3A_321 : i32 to vector<16xi32>
      %and3A_323 = arith.andi %shift_right_logical3A_320, %and3A_322 : vector<16xi32>
      %convert_element_type3A_324 = arith.uitofp %and3A_323 : vector<16xi32> to vector<16xf32>
      %mul3A_325 = arith.mulf %mul3A_317, %convert_element_type3A_324 : vector<16xf32>
      %add3A_326 = arith.addf %add3A_296, %mul3A_325 : vector<16xf32>
      %add3A_327 = arith.addf %add3A_297, %convert_element_type3A_324 : vector<16xf32>
      %get3A_328 = arith.constant 8 : i32
      %get3A_329 = arith.index_cast %get3A_328 : i32 to index
      %get3A_330 = arith.index_cast %mul3A_91 : i32 to index
      %get3A_331 = tpu.vector_load %arg6[%get3A_329, %get3A_330] {strides = array<i32>} : memref<32x512xf32, #tpu.memory_space<vmem>>, vector<1x16xf32>,
      %get3A_332 = vector.shape_cast %get3A_331 : vector<1x16xf32> to vector<16xf32>
      %get3A_333 = arith.constant 8 : i32
      %get3A_334 = arith.index_cast %get3A_333 : i32 to index
      %get3A_335 = arith.index_cast %mul3A_91 : i32 to index
      %get3A_336 = tpu.vector_load %arg8[%get3A_334, %get3A_335] {strides = array<i32>} : memref<32x512xf32, #tpu.memory_space<vmem>>, vector<1x16xf32>,
      %get3A_337 = vector.shape_cast %get3A_336 : vector<1x16xf32> to vector<16xf32>
      %sub3A_338 = arith.subf %get3A_332, %get3A_337 : vector<16xf32>
      %abs3A_339 = math.absf %sub3A_338 : vector<16xf32>
      %min3A_340 = arith.constant 1.000000e+00 : f32
      %min3A_341 = vector.broadcast %min3A_340 : f32 to vector<16xf32>
      %min3A_342 = arith.minimumf %abs3A_339, %min3A_341 : vector<16xf32>
      %mul3A_343 = arith.constant 5.000000e-01 : f32
      %mul3A_344 = vector.broadcast %mul3A_343 : f32 to vector<16xf32>
      %mul3A_345 = arith.mulf %mul3A_344, %min3A_342 : vector<16xf32>
      %sub3A_346 = arith.subf %abs3A_339, %mul3A_345 : vector<16xf32>
      %mul3A_347 = arith.mulf %min3A_342, %sub3A_346 : vector<16xf32>
      %shift_right_logical3A_348 = arith.constant 8 : i32
      %shift_right_logical3A_349 = vector.broadcast %shift_right_logical3A_348 : i32 to vector<16xi32>
      %shift_right_logical3A_350 = arith.shrui %get3A_93, %shift_right_logical3A_349 : vector<16xi32>
      %and3A_351 = arith.constant 1 : i32
      %and3A_352 = vector.broadcast %and3A_351 : i32 to vector<16xi32>
      %and3A_353 = arith.andi %shift_right_logical3A_350, %and3A_352 : vector<16xi32>
      %convert_element_type3A_354 = arith.uitofp %and3A_353 : vector<16xi32> to vector<16xf32>
      %mul3A_355 = arith.mulf %mul3A_347, %convert_element_type3A_354 : vector<16xf32>
      %add3A_356 = arith.addf %add3A_326, %mul3A_355 : vector<16xf32>
      %add3A_357 = arith.addf %add3A_327, %convert_element_type3A_354 : vector<16xf32>
      %get3A_358 = arith.constant 9 : i32
      %get3A_359 = arith.index_cast %get3A_358 : i32 to index
      %get3A_360 = arith.index_cast %mul3A_91 : i32 to index
      %get3A_361 = tpu.vector_load %arg6[%get3A_359, %get3A_360] {strides = array<i32>} : memref<32x512xf32, #tpu.memory_space<vmem>>, vector<1x16xf32>,
      %get3A_362 = vector.shape_cast %get3A_361 : vector<1x16xf32> to vector<16xf32>
      %get3A_363 = arith.constant 9 : i32
      %get3A_364 = arith.index_cast %get3A_363 : i32 to index
      %get3A_365 = arith.index_cast %mul3A_91 : i32 to index
      %get3A_366 = tpu.vector_load %arg8[%get3A_364, %get3A_365] {strides = array<i32>} : memref<32x512xf32, #tpu.memory_space<vmem>>, vector<1x16xf32>,
      %get3A_367 = vector.shape_cast %get3A_366 : vector<1x16xf32> to vector<16xf32>
      %sub3A_368 = arith.subf %get3A_362, %get3A_367 : vector<16xf32>
      %abs3A_369 = math.absf %sub3A_368 : vector<16xf32>
      %min3A_370 = arith.constant 1.000000e+00 : f32
      %min3A_371 = vector.broadcast %min3A_370 : f32 to vector<16xf32>
      %min3A_372 = arith.minimumf %abs3A_369, %min3A_371 : vector<16xf32>
      %mul3A_373 = arith.constant 5.000000e-01 : f32
      %mul3A_374 = vector.broadcast %mul3A_373 : f32 to vector<16xf32>
      %mul3A_375 = arith.mulf %mul3A_374, %min3A_372 : vector<16xf32>
      %sub3A_376 = arith.subf %abs3A_369, %mul3A_375 : vector<16xf32>
      %mul3A_377 = arith.mulf %min3A_372, %sub3A_376 : vector<16xf32>
      %shift_right_logical3A_378 = arith.constant 9 : i32
      %shift_right_logical3A_379 = vector.broadcast %shift_right_logical3A_378 : i32 to vector<16xi32>
      %shift_right_logical3A_380 = arith.shrui %get3A_93, %shift_right_logical3A_379 : vector<16xi32>
      %and3A_381 = arith.constant 1 : i32
      %and3A_382 = vector.broadcast %and3A_381 : i32 to vector<16xi32>
      %and3A_383 = arith.andi %shift_right_logical3A_380, %and3A_382 : vector<16xi32>
      %convert_element_type3A_384 = arith.uitofp %and3A_383 : vector<16xi32> to vector<16xf32>
      %mul3A_385 = arith.mulf %mul3A_377, %convert_element_type3A_384 : vector<16xf32>
      %add3A_386 = arith.addf %add3A_356, %mul3A_385 : vector<16xf32>
      %add3A_387 = arith.addf %add3A_357, %convert_element_type3A_384 : vector<16xf32>
      %get3A_388 = arith.constant 10 : i32
      %get3A_389 = arith.index_cast %get3A_388 : i32 to index
      %get3A_390 = arith.index_cast %mul3A_91 : i32 to index
      %get3A_391 = tpu.vector_load %arg6[%get3A_389, %get3A_390] {strides = array<i32>} : memref<32x512xf32, #tpu.memory_space<vmem>>, vector<1x16xf32>,
      %get3A_392 = vector.shape_cast %get3A_391 : vector<1x16xf32> to vector<16xf32>
      %get3A_393 = arith.constant 10 : i32
      %get3A_394 = arith.index_cast %get3A_393 : i32 to index
      %get3A_395 = arith.index_cast %mul3A_91 : i32 to index
      %get3A_396 = tpu.vector_load %arg8[%get3A_394, %get3A_395] {strides = array<i32>} : memref<32x512xf32, #tpu.memory_space<vmem>>, vector<1x16xf32>,
      %get3A_397 = vector.shape_cast %get3A_396 : vector<1x16xf32> to vector<16xf32>
      %sub3A_398 = arith.subf %get3A_392, %get3A_397 : vector<16xf32>
      %abs3A_399 = math.absf %sub3A_398 : vector<16xf32>
      %min3A_400 = arith.constant 1.000000e+00 : f32
      %min3A_401 = vector.broadcast %min3A_400 : f32 to vector<16xf32>
      %min3A_402 = arith.minimumf %abs3A_399, %min3A_401 : vector<16xf32>
      %mul3A_403 = arith.constant 5.000000e-01 : f32
      %mul3A_404 = vector.broadcast %mul3A_403 : f32 to vector<16xf32>
      %mul3A_405 = arith.mulf %mul3A_404, %min3A_402 : vector<16xf32>
      %sub3A_406 = arith.subf %abs3A_399, %mul3A_405 : vector<16xf32>
      %mul3A_407 = arith.mulf %min3A_402, %sub3A_406 : vector<16xf32>
      %shift_right_logical3A_408 = arith.constant 10 : i32
      %shift_right_logical3A_409 = vector.broadcast %shift_right_logical3A_408 : i32 to vector<16xi32>
      %shift_right_logical3A_410 = arith.shrui %get3A_93, %shift_right_logical3A_409 : vector<16xi32>
      %and3A_411 = arith.constant 1 : i32
      %and3A_412 = vector.broadcast %and3A_411 : i32 to vector<16xi32>
      %and3A_413 = arith.andi %shift_right_logical3A_410, %and3A_412 : vector<16xi32>
      %convert_element_type3A_414 = arith.uitofp %and3A_413 : vector<16xi32> to vector<16xf32>
      %mul3A_415 = arith.mulf %mul3A_407, %convert_element_type3A_414 : vector<16xf32>
      %add3A_416 = arith.addf %add3A_386, %mul3A_415 : vector<16xf32>
      %add3A_417 = arith.addf %add3A_387, %convert_element_type3A_414 : vector<16xf32>
      %get3A_418 = arith.constant 11 : i32
      %get3A_419 = arith.index_cast %get3A_418 : i32 to index
      %get3A_420 = arith.index_cast %mul3A_91 : i32 to index
      %get3A_421 = tpu.vector_load %arg6[%get3A_419, %get3A_420] {strides = array<i32>} : memref<32x512xf32, #tpu.memory_space<vmem>>, vector<1x16xf32>,
      %get3A_422 = vector.shape_cast %get3A_421 : vector<1x16xf32> to vector<16xf32>
      %get3A_423 = arith.constant 11 : i32
      %get3A_424 = arith.index_cast %get3A_423 : i32 to index
      %get3A_425 = arith.index_cast %mul3A_91 : i32 to index
      %get3A_426 = tpu.vector_load %arg8[%get3A_424, %get3A_425] {strides = array<i32>} : memref<32x512xf32, #tpu.memory_space<vmem>>, vector<1x16xf32>,
      %get3A_427 = vector.shape_cast %get3A_426 : vector<1x16xf32> to vector<16xf32>
      %sub3A_428 = arith.subf %get3A_422, %get3A_427 : vector<16xf32>
      %abs3A_429 = math.absf %sub3A_428 : vector<16xf32>
      %min3A_430 = arith.constant 1.000000e+00 : f32
      %min3A_431 = vector.broadcast %min3A_430 : f32 to vector<16xf32>
      %min3A_432 = arith.minimumf %abs3A_429, %min3A_431 : vector<16xf32>
      %mul3A_433 = arith.constant 5.000000e-01 : f32
      %mul3A_434 = vector.broadcast %mul3A_433 : f32 to vector<16xf32>
      %mul3A_435 = arith.mulf %mul3A_434, %min3A_432 : vector<16xf32>
      %sub3A_436 = arith.subf %abs3A_429, %mul3A_435 : vector<16xf32>
      %mul3A_437 = arith.mulf %min3A_432, %sub3A_436 : vector<16xf32>
      %shift_right_logical3A_438 = arith.constant 11 : i32
      %shift_right_logical3A_439 = vector.broadcast %shift_right_logical3A_438 : i32 to vector<16xi32>
      %shift_right_logical3A_440 = arith.shrui %get3A_93, %shift_right_logical3A_439 : vector<16xi32>
      %and3A_441 = arith.constant 1 : i32
      %and3A_442 = vector.broadcast %and3A_441 : i32 to vector<16xi32>
      %and3A_443 = arith.andi %shift_right_logical3A_440, %and3A_442 : vector<16xi32>
      %convert_element_type3A_444 = arith.uitofp %and3A_443 : vector<16xi32> to vector<16xf32>
      %mul3A_445 = arith.mulf %mul3A_437, %convert_element_type3A_444 : vector<16xf32>
      %add3A_446 = arith.addf %add3A_416, %mul3A_445 : vector<16xf32>
      %add3A_447 = arith.addf %add3A_417, %convert_element_type3A_444 : vector<16xf32>
      %get3A_448 = arith.constant 12 : i32
      %get3A_449 = arith.index_cast %get3A_448 : i32 to index
      %get3A_450 = arith.index_cast %mul3A_91 : i32 to index
      %get3A_451 = tpu.vector_load %arg6[%get3A_449, %get3A_450] {strides = array<i32>} : memref<32x512xf32, #tpu.memory_space<vmem>>, vector<1x16xf32>,
      %get3A_452 = vector.shape_cast %get3A_451 : vector<1x16xf32> to vector<16xf32>
      %get3A_453 = arith.constant 12 : i32
      %get3A_454 = arith.index_cast %get3A_453 : i32 to index
      %get3A_455 = arith.index_cast %mul3A_91 : i32 to index
      %get3A_456 = tpu.vector_load %arg8[%get3A_454, %get3A_455] {strides = array<i32>} : memref<32x512xf32, #tpu.memory_space<vmem>>, vector<1x16xf32>,
      %get3A_457 = vector.shape_cast %get3A_456 : vector<1x16xf32> to vector<16xf32>
      %sub3A_458 = arith.subf %get3A_452, %get3A_457 : vector<16xf32>
      %abs3A_459 = math.absf %sub3A_458 : vector<16xf32>
      %min3A_460 = arith.constant 1.000000e+00 : f32
      %min3A_461 = vector.broadcast %min3A_460 : f32 to vector<16xf32>
      %min3A_462 = arith.minimumf %abs3A_459, %min3A_461 : vector<16xf32>
      %mul3A_463 = arith.constant 5.000000e-01 : f32
      %mul3A_464 = vector.broadcast %mul3A_463 : f32 to vector<16xf32>
      %mul3A_465 = arith.mulf %mul3A_464, %min3A_462 : vector<16xf32>
      %sub3A_466 = arith.subf %abs3A_459, %mul3A_465 : vector<16xf32>
      %mul3A_467 = arith.mulf %min3A_462, %sub3A_466 : vector<16xf32>
      %shift_right_logical3A_468 = arith.constant 12 : i32
      %shift_right_logical3A_469 = vector.broadcast %shift_right_logical3A_468 : i32 to vector<16xi32>
      %shift_right_logical3A_470 = arith.shrui %get3A_93, %shift_right_logical3A_469 : vector<16xi32>
      %and3A_471 = arith.constant 1 : i32
      %and3A_472 = vector.broadcast %and3A_471 : i32 to vector<16xi32>
      %and3A_473 = arith.andi %shift_right_logical3A_470, %and3A_472 : vector<16xi32>
      %convert_element_type3A_474 = arith.uitofp %and3A_473 : vector<16xi32> to vector<16xf32>
      %mul3A_475 = arith.mulf %mul3A_467, %convert_element_type3A_474 : vector<16xf32>
      %add3A_476 = arith.addf %add3A_446, %mul3A_475 : vector<16xf32>
      %add3A_477 = arith.addf %add3A_447, %convert_element_type3A_474 : vector<16xf32>
      %get3A_478 = arith.constant 13 : i32
      %get3A_479 = arith.index_cast %get3A_478 : i32 to index
      %get3A_480 = arith.index_cast %mul3A_91 : i32 to index
      %get3A_481 = tpu.vector_load %arg6[%get3A_479, %get3A_480] {strides = array<i32>} : memref<32x512xf32, #tpu.memory_space<vmem>>, vector<1x16xf32>,
      %get3A_482 = vector.shape_cast %get3A_481 : vector<1x16xf32> to vector<16xf32>
      %get3A_483 = arith.constant 13 : i32
      %get3A_484 = arith.index_cast %get3A_483 : i32 to index
      %get3A_485 = arith.index_cast %mul3A_91 : i32 to index
      %get3A_486 = tpu.vector_load %arg8[%get3A_484, %get3A_485] {strides = array<i32>} : memref<32x512xf32, #tpu.memory_space<vmem>>, vector<1x16xf32>,
      %get3A_487 = vector.shape_cast %get3A_486 : vector<1x16xf32> to vector<16xf32>
      %sub3A_488 = arith.subf %get3A_482, %get3A_487 : vector<16xf32>
      %abs3A_489 = math.absf %sub3A_488 : vector<16xf32>
      %min3A_490 = arith.constant 1.000000e+00 : f32
      %min3A_491 = vector.broadcast %min3A_490 : f32 to vector<16xf32>
      %min3A_492 = arith.minimumf %abs3A_489, %min3A_491 : vector<16xf32>
      %mul3A_493 = arith.constant 5.000000e-01 : f32
      %mul3A_494 = vector.broadcast %mul3A_493 : f32 to vector<16xf32>
      %mul3A_495 = arith.mulf %mul3A_494, %min3A_492 : vector<16xf32>
      %sub3A_496 = arith.subf %abs3A_489, %mul3A_495 : vector<16xf32>
      %mul3A_497 = arith.mulf %min3A_492, %sub3A_496 : vector<16xf32>
      %shift_right_logical3A_498 = arith.constant 13 : i32
      %shift_right_logical3A_499 = vector.broadcast %shift_right_logical3A_498 : i32 to vector<16xi32>
      %shift_right_logical3A_500 = arith.shrui %get3A_93, %shift_right_logical3A_499 : vector<16xi32>
      %and3A_501 = arith.constant 1 : i32
      %and3A_502 = vector.broadcast %and3A_501 : i32 to vector<16xi32>
      %and3A_503 = arith.andi %shift_right_logical3A_500, %and3A_502 : vector<16xi32>
      %convert_element_type3A_504 = arith.uitofp %and3A_503 : vector<16xi32> to vector<16xf32>
      %mul3A_505 = arith.mulf %mul3A_497, %convert_element_type3A_504 : vector<16xf32>
      %add3A_506 = arith.addf %add3A_476, %mul3A_505 : vector<16xf32>
      %add3A_507 = arith.addf %add3A_477, %convert_element_type3A_504 : vector<16xf32>
      %get3A_508 = arith.constant 14 : i32
      %get3A_509 = arith.index_cast %get3A_508 : i32 to index
      %get3A_510 = arith.index_cast %mul3A_91 : i32 to index
      %get3A_511 = tpu.vector_load %arg6[%get3A_509, %get3A_510] {strides = array<i32>} : memref<32x512xf32, #tpu.memory_space<vmem>>, vector<1x16xf32>,
      %get3A_512 = vector.shape_cast %get3A_511 : vector<1x16xf32> to vector<16xf32>
      %get3A_513 = arith.constant 14 : i32
      %get3A_514 = arith.index_cast %get3A_513 : i32 to index
      %get3A_515 = arith.index_cast %mul3A_91 : i32 to index
      %get3A_516 = tpu.vector_load %arg8[%get3A_514, %get3A_515] {strides = array<i32>} : memref<32x512xf32, #tpu.memory_space<vmem>>, vector<1x16xf32>,
      %get3A_517 = vector.shape_cast %get3A_516 : vector<1x16xf32> to vector<16xf32>
      %sub3A_518 = arith.subf %get3A_512, %get3A_517 : vector<16xf32>
      %abs3A_519 = math.absf %sub3A_518 : vector<16xf32>
      %min3A_520 = arith.constant 1.000000e+00 : f32
      %min3A_521 = vector.broadcast %min3A_520 : f32 to vector<16xf32>
      %min3A_522 = arith.minimumf %abs3A_519, %min3A_521 : vector<16xf32>
      %mul3A_523 = arith.constant 5.000000e-01 : f32
      %mul3A_524 = vector.broadcast %mul3A_523 : f32 to vector<16xf32>
      %mul3A_525 = arith.mulf %mul3A_524, %min3A_522 : vector<16xf32>
      %sub3A_526 = arith.subf %abs3A_519, %mul3A_525 : vector<16xf32>
      %mul3A_527 = arith.mulf %min3A_522, %sub3A_526 : vector<16xf32>
      %shift_right_logical3A_528 = arith.constant 14 : i32
      %shift_right_logical3A_529 = vector.broadcast %shift_right_logical3A_528 : i32 to vector<16xi32>
      %shift_right_logical3A_530 = arith.shrui %get3A_93, %shift_right_logical3A_529 : vector<16xi32>
      %and3A_531 = arith.constant 1 : i32
      %and3A_532 = vector.broadcast %and3A_531 : i32 to vector<16xi32>
      %and3A_533 = arith.andi %shift_right_logical3A_530, %and3A_532 : vector<16xi32>
      %convert_element_type3A_534 = arith.uitofp %and3A_533 : vector<16xi32> to vector<16xf32>
      %mul3A_535 = arith.mulf %mul3A_527, %convert_element_type3A_534 : vector<16xf32>
      %add3A_536 = arith.addf %add3A_506, %mul3A_535 : vector<16xf32>
      %add3A_537 = arith.addf %add3A_507, %convert_element_type3A_534 : vector<16xf32>
      %get3A_538 = arith.constant 15 : i32
      %get3A_539 = arith.index_cast %get3A_538 : i32 to index
      %get3A_540 = arith.index_cast %mul3A_91 : i32 to index
      %get3A_541 = tpu.vector_load %arg6[%get3A_539, %get3A_540] {strides = array<i32>} : memref<32x512xf32, #tpu.memory_space<vmem>>, vector<1x16xf32>,
      %get3A_542 = vector.shape_cast %get3A_541 : vector<1x16xf32> to vector<16xf32>
      %get3A_543 = arith.constant 15 : i32
      %get3A_544 = arith.index_cast %get3A_543 : i32 to index
      %get3A_545 = arith.index_cast %mul3A_91 : i32 to index
      %get3A_546 = tpu.vector_load %arg8[%get3A_544, %get3A_545] {strides = array<i32>} : memref<32x512xf32, #tpu.memory_space<vmem>>, vector<1x16xf32>,
      %get3A_547 = vector.shape_cast %get3A_546 : vector<1x16xf32> to vector<16xf32>
      %sub3A_548 = arith.subf %get3A_542, %get3A_547 : vector<16xf32>
      %abs3A_549 = math.absf %sub3A_548 : vector<16xf32>
      %min3A_550 = arith.constant 1.000000e+00 : f32
      %min3A_551 = vector.broadcast %min3A_550 : f32 to vector<16xf32>
      %min3A_552 = arith.minimumf %abs3A_549, %min3A_551 : vector<16xf32>
      %mul3A_553 = arith.constant 5.000000e-01 : f32
      %mul3A_554 = vector.broadcast %mul3A_553 : f32 to vector<16xf32>
      %mul3A_555 = arith.mulf %mul3A_554, %min3A_552 : vector<16xf32>
      %sub3A_556 = arith.subf %abs3A_549, %mul3A_555 : vector<16xf32>
      %mul3A_557 = arith.mulf %min3A_552, %sub3A_556 : vector<16xf32>
      %shift_right_logical3A_558 = arith.constant 15 : i32
      %shift_right_logical3A_559 = vector.broadcast %shift_right_logical3A_558 : i32 to vector<16xi32>
      %shift_right_logical3A_560 = arith.shrui %get3A_93, %shift_right_logical3A_559 : vector<16xi32>
      %and3A_561 = arith.constant 1 : i32
      %and3A_562 = vector.broadcast %and3A_561 : i32 to vector<16xi32>
      %and3A_563 = arith.andi %shift_right_logical3A_560, %and3A_562 : vector<16xi32>
      %convert_element_type3A_564 = arith.uitofp %and3A_563 : vector<16xi32> to vector<16xf32>
      %mul3A_565 = arith.mulf %mul3A_557, %convert_element_type3A_564 : vector<16xf32>
      %add3A_566 = arith.addf %add3A_536, %mul3A_565 : vector<16xf32>
      %add3A_567 = arith.addf %add3A_537, %convert_element_type3A_564 : vector<16xf32>
      %get3A_568 = arith.constant 16 : i32
      %get3A_569 = arith.index_cast %get3A_568 : i32 to index
      %get3A_570 = arith.index_cast %mul3A_91 : i32 to index
      %get3A_571 = tpu.vector_load %arg6[%get3A_569, %get3A_570] {strides = array<i32>} : memref<32x512xf32, #tpu.memory_space<vmem>>, vector<1x16xf32>,
      %get3A_572 = vector.shape_cast %get3A_571 : vector<1x16xf32> to vector<16xf32>
      %get3A_573 = arith.constant 16 : i32
      %get3A_574 = arith.index_cast %get3A_573 : i32 to index
      %get3A_575 = arith.index_cast %mul3A_91 : i32 to index
      %get3A_576 = tpu.vector_load %arg8[%get3A_574, %get3A_575] {strides = array<i32>} : memref<32x512xf32, #tpu.memory_space<vmem>>, vector<1x16xf32>,
      %get3A_577 = vector.shape_cast %get3A_576 : vector<1x16xf32> to vector<16xf32>
      %sub3A_578 = arith.subf %get3A_572, %get3A_577 : vector<16xf32>
      %abs3A_579 = math.absf %sub3A_578 : vector<16xf32>
      %min3A_580 = arith.constant 1.000000e+00 : f32
      %min3A_581 = vector.broadcast %min3A_580 : f32 to vector<16xf32>
      %min3A_582 = arith.minimumf %abs3A_579, %min3A_581 : vector<16xf32>
      %mul3A_583 = arith.constant 5.000000e-01 : f32
      %mul3A_584 = vector.broadcast %mul3A_583 : f32 to vector<16xf32>
      %mul3A_585 = arith.mulf %mul3A_584, %min3A_582 : vector<16xf32>
      %sub3A_586 = arith.subf %abs3A_579, %mul3A_585 : vector<16xf32>
      %mul3A_587 = arith.mulf %min3A_582, %sub3A_586 : vector<16xf32>
      %shift_right_logical3A_588 = arith.constant 16 : i32
      %shift_right_logical3A_589 = vector.broadcast %shift_right_logical3A_588 : i32 to vector<16xi32>
      %shift_right_logical3A_590 = arith.shrui %get3A_93, %shift_right_logical3A_589 : vector<16xi32>
      %and3A_591 = arith.constant 1 : i32
      %and3A_592 = vector.broadcast %and3A_591 : i32 to vector<16xi32>
      %and3A_593 = arith.andi %shift_right_logical3A_590, %and3A_592 : vector<16xi32>
      %convert_element_type3A_594 = arith.uitofp %and3A_593 : vector<16xi32> to vector<16xf32>
      %mul3A_595 = arith.mulf %mul3A_587, %convert_element_type3A_594 : vector<16xf32>
      %add3A_596 = arith.addf %add3A_566, %mul3A_595 : vector<16xf32>
      %add3A_597 = arith.addf %add3A_567, %convert_element_type3A_594 : vector<16xf32>
      %get3A_598 = arith.constant 17 : i32
      %get3A_599 = arith.index_cast %get3A_598 : i32 to index
      %get3A_600 = arith.index_cast %mul3A_91 : i32 to index
      %get3A_601 = tpu.vector_load %arg6[%get3A_599, %get3A_600] {strides = array<i32>} : memref<32x512xf32, #tpu.memory_space<vmem>>, vector<1x16xf32>,
      %get3A_602 = vector.shape_cast %get3A_601 : vector<1x16xf32> to vector<16xf32>
      %get3A_603 = arith.constant 17 : i32
      %get3A_604 = arith.index_cast %get3A_603 : i32 to index
      %get3A_605 = arith.index_cast %mul3A_91 : i32 to index
      %get3A_606 = tpu.vector_load %arg8[%get3A_604, %get3A_605] {strides = array<i32>} : memref<32x512xf32, #tpu.memory_space<vmem>>, vector<1x16xf32>,
      %get3A_607 = vector.shape_cast %get3A_606 : vector<1x16xf32> to vector<16xf32>
      %sub3A_608 = arith.subf %get3A_602, %get3A_607 : vector<16xf32>
      %abs3A_609 = math.absf %sub3A_608 : vector<16xf32>
      %min3A_610 = arith.constant 1.000000e+00 : f32
      %min3A_611 = vector.broadcast %min3A_610 : f32 to vector<16xf32>
      %min3A_612 = arith.minimumf %abs3A_609, %min3A_611 : vector<16xf32>
      %mul3A_613 = arith.constant 5.000000e-01 : f32
      %mul3A_614 = vector.broadcast %mul3A_613 : f32 to vector<16xf32>
      %mul3A_615 = arith.mulf %mul3A_614, %min3A_612 : vector<16xf32>
      %sub3A_616 = arith.subf %abs3A_609, %mul3A_615 : vector<16xf32>
      %mul3A_617 = arith.mulf %min3A_612, %sub3A_616 : vector<16xf32>
      %shift_right_logical3A_618 = arith.constant 17 : i32
      %shift_right_logical3A_619 = vector.broadcast %shift_right_logical3A_618 : i32 to vector<16xi32>
      %shift_right_logical3A_620 = arith.shrui %get3A_93, %shift_right_logical3A_619 : vector<16xi32>
      %and3A_621 = arith.constant 1 : i32
      %and3A_622 = vector.broadcast %and3A_621 : i32 to vector<16xi32>
      %and3A_623 = arith.andi %shift_right_logical3A_620, %and3A_622 : vector<16xi32>
      %convert_element_type3A_624 = arith.uitofp %and3A_623 : vector<16xi32> to vector<16xf32>
      %mul3A_625 = arith.mulf %mul3A_617, %convert_element_type3A_624 : vector<16xf32>
      %add3A_626 = arith.addf %add3A_596, %mul3A_625 : vector<16xf32>
      %add3A_627 = arith.addf %add3A_597, %convert_element_type3A_624 : vector<16xf32>
      %get3A_628 = arith.constant 18 : i32
      %get3A_629 = arith.index_cast %get3A_628 : i32 to index
      %get3A_630 = arith.index_cast %mul3A_91 : i32 to index
      %get3A_631 = tpu.vector_load %arg6[%get3A_629, %get3A_630] {strides = array<i32>} : memref<32x512xf32, #tpu.memory_space<vmem>>, vector<1x16xf32>,
      %get3A_632 = vector.shape_cast %get3A_631 : vector<1x16xf32> to vector<16xf32>
      %get3A_633 = arith.constant 18 : i32
      %get3A_634 = arith.index_cast %get3A_633 : i32 to index
      %get3A_635 = arith.index_cast %mul3A_91 : i32 to index
      %get3A_636 = tpu.vector_load %arg8[%get3A_634, %get3A_635] {strides = array<i32>} : memref<32x512xf32, #tpu.memory_space<vmem>>, vector<1x16xf32>,
      %get3A_637 = vector.shape_cast %get3A_636 : vector<1x16xf32> to vector<16xf32>
      %sub3A_638 = arith.subf %get3A_632, %get3A_637 : vector<16xf32>
      %abs3A_639 = math.absf %sub3A_638 : vector<16xf32>
      %min3A_640 = arith.constant 1.000000e+00 : f32
      %min3A_641 = vector.broadcast %min3A_640 : f32 to vector<16xf32>
      %min3A_642 = arith.minimumf %abs3A_639, %min3A_641 : vector<16xf32>
      %mul3A_643 = arith.constant 5.000000e-01 : f32
      %mul3A_644 = vector.broadcast %mul3A_643 : f32 to vector<16xf32>
      %mul3A_645 = arith.mulf %mul3A_644, %min3A_642 : vector<16xf32>
      %sub3A_646 = arith.subf %abs3A_639, %mul3A_645 : vector<16xf32>
      %mul3A_647 = arith.mulf %min3A_642, %sub3A_646 : vector<16xf32>
      %shift_right_logical3A_648 = arith.constant 18 : i32
      %shift_right_logical3A_649 = vector.broadcast %shift_right_logical3A_648 : i32 to vector<16xi32>
      %shift_right_logical3A_650 = arith.shrui %get3A_93, %shift_right_logical3A_649 : vector<16xi32>
      %and3A_651 = arith.constant 1 : i32
      %and3A_652 = vector.broadcast %and3A_651 : i32 to vector<16xi32>
      %and3A_653 = arith.andi %shift_right_logical3A_650, %and3A_652 : vector<16xi32>
      %convert_element_type3A_654 = arith.uitofp %and3A_653 : vector<16xi32> to vector<16xf32>
      %mul3A_655 = arith.mulf %mul3A_647, %convert_element_type3A_654 : vector<16xf32>
      %add3A_656 = arith.addf %add3A_626, %mul3A_655 : vector<16xf32>
      %add3A_657 = arith.addf %add3A_627, %convert_element_type3A_654 : vector<16xf32>
      %get3A_658 = arith.constant 19 : i32
      %get3A_659 = arith.index_cast %get3A_658 : i32 to index
      %get3A_660 = arith.index_cast %mul3A_91 : i32 to index
      %get3A_661 = tpu.vector_load %arg6[%get3A_659, %get3A_660] {strides = array<i32>} : memref<32x512xf32, #tpu.memory_space<vmem>>, vector<1x16xf32>,
      %get3A_662 = vector.shape_cast %get3A_661 : vector<1x16xf32> to vector<16xf32>
      %get3A_663 = arith.constant 19 : i32
      %get3A_664 = arith.index_cast %get3A_663 : i32 to index
      %get3A_665 = arith.index_cast %mul3A_91 : i32 to index
      %get3A_666 = tpu.vector_load %arg8[%get3A_664, %get3A_665] {strides = array<i32>} : memref<32x512xf32, #tpu.memory_space<vmem>>, vector<1x16xf32>,
      %get3A_667 = vector.shape_cast %get3A_666 : vector<1x16xf32> to vector<16xf32>
      %sub3A_668 = arith.subf %get3A_662, %get3A_667 : vector<16xf32>
      %abs3A_669 = math.absf %sub3A_668 : vector<16xf32>
      %min3A_670 = arith.constant 1.000000e+00 : f32
      %min3A_671 = vector.broadcast %min3A_670 : f32 to vector<16xf32>
      %min3A_672 = arith.minimumf %abs3A_669, %min3A_671 : vector<16xf32>
      %mul3A_673 = arith.constant 5.000000e-01 : f32
      %mul3A_674 = vector.broadcast %mul3A_673 : f32 to vector<16xf32>
      %mul3A_675 = arith.mulf %mul3A_674, %min3A_672 : vector<16xf32>
      %sub3A_676 = arith.subf %abs3A_669, %mul3A_675 : vector<16xf32>
      %mul3A_677 = arith.mulf %min3A_672, %sub3A_676 : vector<16xf32>
      %shift_right_logical3A_678 = arith.constant 19 : i32
      %shift_right_logical3A_679 = vector.broadcast %shift_right_logical3A_678 : i32 to vector<16xi32>
      %shift_right_logical3A_680 = arith.shrui %get3A_93, %shift_right_logical3A_679 : vector<16xi32>
      %and3A_681 = arith.constant 1 : i32
      %and3A_682 = vector.broadcast %and3A_681 : i32 to vector<16xi32>
      %and3A_683 = arith.andi %shift_right_logical3A_680, %and3A_682 : vector<16xi32>
      %convert_element_type3A_684 = arith.uitofp %and3A_683 : vector<16xi32> to vector<16xf32>
      %mul3A_685 = arith.mulf %mul3A_677, %convert_element_type3A_684 : vector<16xf32>
      %add3A_686 = arith.addf %add3A_656, %mul3A_685 : vector<16xf32>
      %add3A_687 = arith.addf %add3A_657, %convert_element_type3A_684 : vector<16xf32>
      %get3A_688 = arith.constant 20 : i32
      %get3A_689 = arith.index_cast %get3A_688 : i32 to index
      %get3A_690 = arith.index_cast %mul3A_91 : i32 to index
      %get3A_691 = tpu.vector_load %arg6[%get3A_689, %get3A_690] {strides = array<i32>} : memref<32x512xf32, #tpu.memory_space<vmem>>, vector<1x16xf32>,
      %get3A_692 = vector.shape_cast %get3A_691 : vector<1x16xf32> to vector<16xf32>
      %get3A_693 = arith.constant 20 : i32
      %get3A_694 = arith.index_cast %get3A_693 : i32 to index
      %get3A_695 = arith.index_cast %mul3A_91 : i32 to index
      %get3A_696 = tpu.vector_load %arg8[%get3A_694, %get3A_695] {strides = array<i32>} : memref<32x512xf32, #tpu.memory_space<vmem>>, vector<1x16xf32>,
      %get3A_697 = vector.shape_cast %get3A_696 : vector<1x16xf32> to vector<16xf32>
      %sub3A_698 = arith.subf %get3A_692, %get3A_697 : vector<16xf32>
      %abs3A_699 = math.absf %sub3A_698 : vector<16xf32>
      %min3A_700 = arith.constant 1.000000e+00 : f32
      %min3A_701 = vector.broadcast %min3A_700 : f32 to vector<16xf32>
      %min3A_702 = arith.minimumf %abs3A_699, %min3A_701 : vector<16xf32>
      %mul3A_703 = arith.constant 5.000000e-01 : f32
      %mul3A_704 = vector.broadcast %mul3A_703 : f32 to vector<16xf32>
      %mul3A_705 = arith.mulf %mul3A_704, %min3A_702 : vector<16xf32>
      %sub3A_706 = arith.subf %abs3A_699, %mul3A_705 : vector<16xf32>
      %mul3A_707 = arith.mulf %min3A_702, %sub3A_706 : vector<16xf32>
      %shift_right_logical3A_708 = arith.constant 20 : i32
      %shift_right_logical3A_709 = vector.broadcast %shift_right_logical3A_708 : i32 to vector<16xi32>
      %shift_right_logical3A_710 = arith.shrui %get3A_93, %shift_right_logical3A_709 : vector<16xi32>
      %and3A_711 = arith.constant 1 : i32
      %and3A_712 = vector.broadcast %and3A_711 : i32 to vector<16xi32>
      %and3A_713 = arith.andi %shift_right_logical3A_710, %and3A_712 : vector<16xi32>
      %convert_element_type3A_714 = arith.uitofp %and3A_713 : vector<16xi32> to vector<16xf32>
      %mul3A_715 = arith.mulf %mul3A_707, %convert_element_type3A_714 : vector<16xf32>
      %add3A_716 = arith.addf %add3A_686, %mul3A_715 : vector<16xf32>
      %add3A_717 = arith.addf %add3A_687, %convert_element_type3A_714 : vector<16xf32>
      %get3A_718 = arith.constant 21 : i32
      %get3A_719 = arith.index_cast %get3A_718 : i32 to index
      %get3A_720 = arith.index_cast %mul3A_91 : i32 to index
      %get3A_721 = tpu.vector_load %arg6[%get3A_719, %get3A_720] {strides = array<i32>} : memref<32x512xf32, #tpu.memory_space<vmem>>, vector<1x16xf32>,
      %get3A_722 = vector.shape_cast %get3A_721 : vector<1x16xf32> to vector<16xf32>
      %get3A_723 = arith.constant 21 : i32
      %get3A_724 = arith.index_cast %get3A_723 : i32 to index
      %get3A_725 = arith.index_cast %mul3A_91 : i32 to index
      %get3A_726 = tpu.vector_load %arg8[%get3A_724, %get3A_725] {strides = array<i32>} : memref<32x512xf32, #tpu.memory_space<vmem>>, vector<1x16xf32>,
      %get3A_727 = vector.shape_cast %get3A_726 : vector<1x16xf32> to vector<16xf32>
      %sub3A_728 = arith.subf %get3A_722, %get3A_727 : vector<16xf32>
      %abs3A_729 = math.absf %sub3A_728 : vector<16xf32>
      %min3A_730 = arith.constant 1.000000e+00 : f32
      %min3A_731 = vector.broadcast %min3A_730 : f32 to vector<16xf32>
      %min3A_732 = arith.minimumf %abs3A_729, %min3A_731 : vector<16xf32>
      %mul3A_733 = arith.constant 5.000000e-01 : f32
      %mul3A_734 = vector.broadcast %mul3A_733 : f32 to vector<16xf32>
      %mul3A_735 = arith.mulf %mul3A_734, %min3A_732 : vector<16xf32>
      %sub3A_736 = arith.subf %abs3A_729, %mul3A_735 : vector<16xf32>
      %mul3A_737 = arith.mulf %min3A_732, %sub3A_736 : vector<16xf32>
      %shift_right_logical3A_738 = arith.constant 21 : i32
      %shift_right_logical3A_739 = vector.broadcast %shift_right_logical3A_738 : i32 to vector<16xi32>
      %shift_right_logical3A_740 = arith.shrui %get3A_93, %shift_right_logical3A_739 : vector<16xi32>
      %and3A_741 = arith.constant 1 : i32
      %and3A_742 = vector.broadcast %and3A_741 : i32 to vector<16xi32>
      %and3A_743 = arith.andi %shift_right_logical3A_740, %and3A_742 : vector<16xi32>
      %convert_element_type3A_744 = arith.uitofp %and3A_743 : vector<16xi32> to vector<16xf32>
      %mul3A_745 = arith.mulf %mul3A_737, %convert_element_type3A_744 : vector<16xf32>
      %add3A_746 = arith.addf %add3A_716, %mul3A_745 : vector<16xf32>
      %add3A_747 = arith.addf %add3A_717, %convert_element_type3A_744 : vector<16xf32>
      %get3A_748 = arith.constant 22 : i32
      %get3A_749 = arith.index_cast %get3A_748 : i32 to index
      %get3A_750 = arith.index_cast %mul3A_91 : i32 to index
      %get3A_751 = tpu.vector_load %arg6[%get3A_749, %get3A_750] {strides = array<i32>} : memref<32x512xf32, #tpu.memory_space<vmem>>, vector<1x16xf32>,
      %get3A_752 = vector.shape_cast %get3A_751 : vector<1x16xf32> to vector<16xf32>
      %get3A_753 = arith.constant 22 : i32
      %get3A_754 = arith.index_cast %get3A_753 : i32 to index
      %get3A_755 = arith.index_cast %mul3A_91 : i32 to index
      %get3A_756 = tpu.vector_load %arg8[%get3A_754, %get3A_755] {strides = array<i32>} : memref<32x512xf32, #tpu.memory_space<vmem>>, vector<1x16xf32>,
      %get3A_757 = vector.shape_cast %get3A_756 : vector<1x16xf32> to vector<16xf32>
      %sub3A_758 = arith.subf %get3A_752, %get3A_757 : vector<16xf32>
      %abs3A_759 = math.absf %sub3A_758 : vector<16xf32>
      %min3A_760 = arith.constant 1.000000e+00 : f32
      %min3A_761 = vector.broadcast %min3A_760 : f32 to vector<16xf32>
      %min3A_762 = arith.minimumf %abs3A_759, %min3A_761 : vector<16xf32>
      %mul3A_763 = arith.constant 5.000000e-01 : f32
      %mul3A_764 = vector.broadcast %mul3A_763 : f32 to vector<16xf32>
      %mul3A_765 = arith.mulf %mul3A_764, %min3A_762 : vector<16xf32>
      %sub3A_766 = arith.subf %abs3A_759, %mul3A_765 : vector<16xf32>
      %mul3A_767 = arith.mulf %min3A_762, %sub3A_766 : vector<16xf32>
      %shift_right_logical3A_768 = arith.constant 22 : i32
      %shift_right_logical3A_769 = vector.broadcast %shift_right_logical3A_768 : i32 to vector<16xi32>
      %shift_right_logical3A_770 = arith.shrui %get3A_93, %shift_right_logical3A_769 : vector<16xi32>
      %and3A_771 = arith.constant 1 : i32
      %and3A_772 = vector.broadcast %and3A_771 : i32 to vector<16xi32>
      %and3A_773 = arith.andi %shift_right_logical3A_770, %and3A_772 : vector<16xi32>
      %convert_element_type3A_774 = arith.uitofp %and3A_773 : vector<16xi32> to vector<16xf32>
      %mul3A_775 = arith.mulf %mul3A_767, %convert_element_type3A_774 : vector<16xf32>
      %add3A_776 = arith.addf %add3A_746, %mul3A_775 : vector<16xf32>
      %add3A_777 = arith.addf %add3A_747, %convert_element_type3A_774 : vector<16xf32>
      %get3A_778 = arith.constant 23 : i32
      %get3A_779 = arith.index_cast %get3A_778 : i32 to index
      %get3A_780 = arith.index_cast %mul3A_91 : i32 to index
      %get3A_781 = tpu.vector_load %arg6[%get3A_779, %get3A_780] {strides = array<i32>} : memref<32x512xf32, #tpu.memory_space<vmem>>, vector<1x16xf32>,
      %get3A_782 = vector.shape_cast %get3A_781 : vector<1x16xf32> to vector<16xf32>
      %get3A_783 = arith.constant 23 : i32
      %get3A_784 = arith.index_cast %get3A_783 : i32 to index
      %get3A_785 = arith.index_cast %mul3A_91 : i32 to index
      %get3A_786 = tpu.vector_load %arg8[%get3A_784, %get3A_785] {strides = array<i32>} : memref<32x512xf32, #tpu.memory_space<vmem>>, vector<1x16xf32>,
      %get3A_787 = vector.shape_cast %get3A_786 : vector<1x16xf32> to vector<16xf32>
      %sub3A_788 = arith.subf %get3A_782, %get3A_787 : vector<16xf32>
      %abs3A_789 = math.absf %sub3A_788 : vector<16xf32>
      %min3A_790 = arith.constant 1.000000e+00 : f32
      %min3A_791 = vector.broadcast %min3A_790 : f32 to vector<16xf32>
      %min3A_792 = arith.minimumf %abs3A_789, %min3A_791 : vector<16xf32>
      %mul3A_793 = arith.constant 5.000000e-01 : f32
      %mul3A_794 = vector.broadcast %mul3A_793 : f32 to vector<16xf32>
      %mul3A_795 = arith.mulf %mul3A_794, %min3A_792 : vector<16xf32>
      %sub3A_796 = arith.subf %abs3A_789, %mul3A_795 : vector<16xf32>
      %mul3A_797 = arith.mulf %min3A_792, %sub3A_796 : vector<16xf32>
      %shift_right_logical3A_798 = arith.constant 23 : i32
      %shift_right_logical3A_799 = vector.broadcast %shift_right_logical3A_798 : i32 to vector<16xi32>
      %shift_right_logical3A_800 = arith.shrui %get3A_93, %shift_right_logical3A_799 : vector<16xi32>
      %and3A_801 = arith.constant 1 : i32
      %and3A_802 = vector.broadcast %and3A_801 : i32 to vector<16xi32>
      %and3A_803 = arith.andi %shift_right_logical3A_800, %and3A_802 : vector<16xi32>
      %convert_element_type3A_804 = arith.uitofp %and3A_803 : vector<16xi32> to vector<16xf32>
      %mul3A_805 = arith.mulf %mul3A_797, %convert_element_type3A_804 : vector<16xf32>
      %add3A_806 = arith.addf %add3A_776, %mul3A_805 : vector<16xf32>
      %add3A_807 = arith.addf %add3A_777, %convert_element_type3A_804 : vector<16xf32>
      %get3A_808 = arith.constant 24 : i32
      %get3A_809 = arith.index_cast %get3A_808 : i32 to index
      %get3A_810 = arith.index_cast %mul3A_91 : i32 to index
      %get3A_811 = tpu.vector_load %arg6[%get3A_809, %get3A_810] {strides = array<i32>} : memref<32x512xf32, #tpu.memory_space<vmem>>, vector<1x16xf32>,
      %get3A_812 = vector.shape_cast %get3A_811 : vector<1x16xf32> to vector<16xf32>
      %get3A_813 = arith.constant 24 : i32
      %get3A_814 = arith.index_cast %get3A_813 : i32 to index
      %get3A_815 = arith.index_cast %mul3A_91 : i32 to index
      %get3A_816 = tpu.vector_load %arg8[%get3A_814, %get3A_815] {strides = array<i32>} : memref<32x512xf32, #tpu.memory_space<vmem>>, vector<1x16xf32>,
      %get3A_817 = vector.shape_cast %get3A_816 : vector<1x16xf32> to vector<16xf32>
      %sub3A_818 = arith.subf %get3A_812, %get3A_817 : vector<16xf32>
      %abs3A_819 = math.absf %sub3A_818 : vector<16xf32>
      %min3A_820 = arith.constant 1.000000e+00 : f32
      %min3A_821 = vector.broadcast %min3A_820 : f32 to vector<16xf32>
      %min3A_822 = arith.minimumf %abs3A_819, %min3A_821 : vector<16xf32>
      %mul3A_823 = arith.constant 5.000000e-01 : f32
      %mul3A_824 = vector.broadcast %mul3A_823 : f32 to vector<16xf32>
      %mul3A_825 = arith.mulf %mul3A_824, %min3A_822 : vector<16xf32>
      %sub3A_826 = arith.subf %abs3A_819, %mul3A_825 : vector<16xf32>
      %mul3A_827 = arith.mulf %min3A_822, %sub3A_826 : vector<16xf32>
      %shift_right_logical3A_828 = arith.constant 24 : i32
      %shift_right_logical3A_829 = vector.broadcast %shift_right_logical3A_828 : i32 to vector<16xi32>
      %shift_right_logical3A_830 = arith.shrui %get3A_93, %shift_right_logical3A_829 : vector<16xi32>
      %and3A_831 = arith.constant 1 : i32
      %and3A_832 = vector.broadcast %and3A_831 : i32 to vector<16xi32>
      %and3A_833 = arith.andi %shift_right_logical3A_830, %and3A_832 : vector<16xi32>
      %convert_element_type3A_834 = arith.uitofp %and3A_833 : vector<16xi32> to vector<16xf32>
      %mul3A_835 = arith.mulf %mul3A_827, %convert_element_type3A_834 : vector<16xf32>
      %add3A_836 = arith.addf %add3A_806, %mul3A_835 : vector<16xf32>
      %add3A_837 = arith.addf %add3A_807, %convert_element_type3A_834 : vector<16xf32>
      %get3A_838 = arith.constant 25 : i32
      %get3A_839 = arith.index_cast %get3A_838 : i32 to index
      %get3A_840 = arith.index_cast %mul3A_91 : i32 to index
      %get3A_841 = tpu.vector_load %arg6[%get3A_839, %get3A_840] {strides = array<i32>} : memref<32x512xf32, #tpu.memory_space<vmem>>, vector<1x16xf32>,
      %get3A_842 = vector.shape_cast %get3A_841 : vector<1x16xf32> to vector<16xf32>
      %get3A_843 = arith.constant 25 : i32
      %get3A_844 = arith.index_cast %get3A_843 : i32 to index
      %get3A_845 = arith.index_cast %mul3A_91 : i32 to index
      %get3A_846 = tpu.vector_load %arg8[%get3A_844, %get3A_845] {strides = array<i32>} : memref<32x512xf32, #tpu.memory_space<vmem>>, vector<1x16xf32>,
      %get3A_847 = vector.shape_cast %get3A_846 : vector<1x16xf32> to vector<16xf32>
      %sub3A_848 = arith.subf %get3A_842, %get3A_847 : vector<16xf32>
      %abs3A_849 = math.absf %sub3A_848 : vector<16xf32>
      %min3A_850 = arith.constant 1.000000e+00 : f32
      %min3A_851 = vector.broadcast %min3A_850 : f32 to vector<16xf32>
      %min3A_852 = arith.minimumf %abs3A_849, %min3A_851 : vector<16xf32>
      %mul3A_853 = arith.constant 5.000000e-01 : f32
      %mul3A_854 = vector.broadcast %mul3A_853 : f32 to vector<16xf32>
      %mul3A_855 = arith.mulf %mul3A_854, %min3A_852 : vector<16xf32>
      %sub3A_856 = arith.subf %abs3A_849, %mul3A_855 : vector<16xf32>
      %mul3A_857 = arith.mulf %min3A_852, %sub3A_856 : vector<16xf32>
      %shift_right_logical3A_858 = arith.constant 25 : i32
      %shift_right_logical3A_859 = vector.broadcast %shift_right_logical3A_858 : i32 to vector<16xi32>
      %shift_right_logical3A_860 = arith.shrui %get3A_93, %shift_right_logical3A_859 : vector<16xi32>
      %and3A_861 = arith.constant 1 : i32
      %and3A_862 = vector.broadcast %and3A_861 : i32 to vector<16xi32>
      %and3A_863 = arith.andi %shift_right_logical3A_860, %and3A_862 : vector<16xi32>
      %convert_element_type3A_864 = arith.uitofp %and3A_863 : vector<16xi32> to vector<16xf32>
      %mul3A_865 = arith.mulf %mul3A_857, %convert_element_type3A_864 : vector<16xf32>
      %add3A_866 = arith.addf %add3A_836, %mul3A_865 : vector<16xf32>
      %add3A_867 = arith.addf %add3A_837, %convert_element_type3A_864 : vector<16xf32>
      %get3A_868 = arith.constant 26 : i32
      %get3A_869 = arith.index_cast %get3A_868 : i32 to index
      %get3A_870 = arith.index_cast %mul3A_91 : i32 to index
      %get3A_871 = tpu.vector_load %arg6[%get3A_869, %get3A_870] {strides = array<i32>} : memref<32x512xf32, #tpu.memory_space<vmem>>, vector<1x16xf32>,
      %get3A_872 = vector.shape_cast %get3A_871 : vector<1x16xf32> to vector<16xf32>
      %get3A_873 = arith.constant 26 : i32
      %get3A_874 = arith.index_cast %get3A_873 : i32 to index
      %get3A_875 = arith.index_cast %mul3A_91 : i32 to index
      %get3A_876 = tpu.vector_load %arg8[%get3A_874, %get3A_875] {strides = array<i32>} : memref<32x512xf32, #tpu.memory_space<vmem>>, vector<1x16xf32>,
      %get3A_877 = vector.shape_cast %get3A_876 : vector<1x16xf32> to vector<16xf32>
      %sub3A_878 = arith.subf %get3A_872, %get3A_877 : vector<16xf32>
      %abs3A_879 = math.absf %sub3A_878 : vector<16xf32>
      %min3A_880 = arith.constant 1.000000e+00 : f32
      %min3A_881 = vector.broadcast %min3A_880 : f32 to vector<16xf32>
      %min3A_882 = arith.minimumf %abs3A_879, %min3A_881 : vector<16xf32>
      %mul3A_883 = arith.constant 5.000000e-01 : f32
      %mul3A_884 = vector.broadcast %mul3A_883 : f32 to vector<16xf32>
      %mul3A_885 = arith.mulf %mul3A_884, %min3A_882 : vector<16xf32>
      %sub3A_886 = arith.subf %abs3A_879, %mul3A_885 : vector<16xf32>
      %mul3A_887 = arith.mulf %min3A_882, %sub3A_886 : vector<16xf32>
      %shift_right_logical3A_888 = arith.constant 26 : i32
      %shift_right_logical3A_889 = vector.broadcast %shift_right_logical3A_888 : i32 to vector<16xi32>
      %shift_right_logical3A_890 = arith.shrui %get3A_93, %shift_right_logical3A_889 : vector<16xi32>
      %and3A_891 = arith.constant 1 : i32
      %and3A_892 = vector.broadcast %and3A_891 : i32 to vector<16xi32>
      %and3A_893 = arith.andi %shift_right_logical3A_890, %and3A_892 : vector<16xi32>
      %convert_element_type3A_894 = arith.uitofp %and3A_893 : vector<16xi32> to vector<16xf32>
      %mul3A_895 = arith.mulf %mul3A_887, %convert_element_type3A_894 : vector<16xf32>
      %add3A_896 = arith.addf %add3A_866, %mul3A_895 : vector<16xf32>
      %add3A_897 = arith.addf %add3A_867, %convert_element_type3A_894 : vector<16xf32>
      %get3A_898 = arith.constant 27 : i32
      %get3A_899 = arith.index_cast %get3A_898 : i32 to index
      %get3A_900 = arith.index_cast %mul3A_91 : i32 to index
      %get3A_901 = tpu.vector_load %arg6[%get3A_899, %get3A_900] {strides = array<i32>} : memref<32x512xf32, #tpu.memory_space<vmem>>, vector<1x16xf32>,
      %get3A_902 = vector.shape_cast %get3A_901 : vector<1x16xf32> to vector<16xf32>
      %get3A_903 = arith.constant 27 : i32
      %get3A_904 = arith.index_cast %get3A_903 : i32 to index
      %get3A_905 = arith.index_cast %mul3A_91 : i32 to index
      %get3A_906 = tpu.vector_load %arg8[%get3A_904, %get3A_905] {strides = array<i32>} : memref<32x512xf32, #tpu.memory_space<vmem>>, vector<1x16xf32>,
      %get3A_907 = vector.shape_cast %get3A_906 : vector<1x16xf32> to vector<16xf32>
      %sub3A_908 = arith.subf %get3A_902, %get3A_907 : vector<16xf32>
      %abs3A_909 = math.absf %sub3A_908 : vector<16xf32>
      %min3A_910 = arith.constant 1.000000e+00 : f32
      %min3A_911 = vector.broadcast %min3A_910 : f32 to vector<16xf32>
      %min3A_912 = arith.minimumf %abs3A_909, %min3A_911 : vector<16xf32>
      %mul3A_913 = arith.constant 5.000000e-01 : f32
      %mul3A_914 = vector.broadcast %mul3A_913 : f32 to vector<16xf32>
      %mul3A_915 = arith.mulf %mul3A_914, %min3A_912 : vector<16xf32>
      %sub3A_916 = arith.subf %abs3A_909, %mul3A_915 : vector<16xf32>
      %mul3A_917 = arith.mulf %min3A_912, %sub3A_916 : vector<16xf32>
      %shift_right_logical3A_918 = arith.constant 27 : i32
      %shift_right_logical3A_919 = vector.broadcast %shift_right_logical3A_918 : i32 to vector<16xi32>
      %shift_right_logical3A_920 = arith.shrui %get3A_93, %shift_right_logical3A_919 : vector<16xi32>
      %and3A_921 = arith.constant 1 : i32
      %and3A_922 = vector.broadcast %and3A_921 : i32 to vector<16xi32>
      %and3A_923 = arith.andi %shift_right_logical3A_920, %and3A_922 : vector<16xi32>
      %convert_element_type3A_924 = arith.uitofp %and3A_923 : vector<16xi32> to vector<16xf32>
      %mul3A_925 = arith.mulf %mul3A_917, %convert_element_type3A_924 : vector<16xf32>
      %add3A_926 = arith.addf %add3A_896, %mul3A_925 : vector<16xf32>
      %add3A_927 = arith.addf %add3A_897, %convert_element_type3A_924 : vector<16xf32>
      %get3A_928 = arith.constant 28 : i32
      %get3A_929 = arith.index_cast %get3A_928 : i32 to index
      %get3A_930 = arith.index_cast %mul3A_91 : i32 to index
      %get3A_931 = tpu.vector_load %arg6[%get3A_929, %get3A_930] {strides = array<i32>} : memref<32x512xf32, #tpu.memory_space<vmem>>, vector<1x16xf32>,
      %get3A_932 = vector.shape_cast %get3A_931 : vector<1x16xf32> to vector<16xf32>
      %get3A_933 = arith.constant 28 : i32
      %get3A_934 = arith.index_cast %get3A_933 : i32 to index
      %get3A_935 = arith.index_cast %mul3A_91 : i32 to index
      %get3A_936 = tpu.vector_load %arg8[%get3A_934, %get3A_935] {strides = array<i32>} : memref<32x512xf32, #tpu.memory_space<vmem>>, vector<1x16xf32>,
      %get3A_937 = vector.shape_cast %get3A_936 : vector<1x16xf32> to vector<16xf32>
      %sub3A_938 = arith.subf %get3A_932, %get3A_937 : vector<16xf32>
      %abs3A_939 = math.absf %sub3A_938 : vector<16xf32>
      %min3A_940 = arith.constant 1.000000e+00 : f32
      %min3A_941 = vector.broadcast %min3A_940 : f32 to vector<16xf32>
      %min3A_942 = arith.minimumf %abs3A_939, %min3A_941 : vector<16xf32>
      %mul3A_943 = arith.constant 5.000000e-01 : f32
      %mul3A_944 = vector.broadcast %mul3A_943 : f32 to vector<16xf32>
      %mul3A_945 = arith.mulf %mul3A_944, %min3A_942 : vector<16xf32>
      %sub3A_946 = arith.subf %abs3A_939, %mul3A_945 : vector<16xf32>
      %mul3A_947 = arith.mulf %min3A_942, %sub3A_946 : vector<16xf32>
      %shift_right_logical3A_948 = arith.constant 28 : i32
      %shift_right_logical3A_949 = vector.broadcast %shift_right_logical3A_948 : i32 to vector<16xi32>
      %shift_right_logical3A_950 = arith.shrui %get3A_93, %shift_right_logical3A_949 : vector<16xi32>
      %and3A_951 = arith.constant 1 : i32
      %and3A_952 = vector.broadcast %and3A_951 : i32 to vector<16xi32>
      %and3A_953 = arith.andi %shift_right_logical3A_950, %and3A_952 : vector<16xi32>
      %convert_element_type3A_954 = arith.uitofp %and3A_953 : vector<16xi32> to vector<16xf32>
      %mul3A_955 = arith.mulf %mul3A_947, %convert_element_type3A_954 : vector<16xf32>
      %add3A_956 = arith.addf %add3A_926, %mul3A_955 : vector<16xf32>
      %add3A_957 = arith.addf %add3A_927, %convert_element_type3A_954 : vector<16xf32>
      %get3A_958 = arith.constant 29 : i32
      %get3A_959 = arith.index_cast %get3A_958 : i32 to index
      %get3A_960 = arith.index_cast %mul3A_91 : i32 to index
      %get3A_961 = tpu.vector_load %arg6[%get3A_959, %get3A_960] {strides = array<i32>} : memref<32x512xf32, #tpu.memory_space<vmem>>, vector<1x16xf32>,
      %get3A_962 = vector.shape_cast %get3A_961 : vector<1x16xf32> to vector<16xf32>
      %get3A_963 = arith.constant 29 : i32
      %get3A_964 = arith.index_cast %get3A_963 : i32 to index
      %get3A_965 = arith.index_cast %mul3A_91 : i32 to index
      %get3A_966 = tpu.vector_load %arg8[%get3A_964, %get3A_965] {strides = array<i32>} : memref<32x512xf32, #tpu.memory_space<vmem>>, vector<1x16xf32>,
      %get3A_967 = vector.shape_cast %get3A_966 : vector<1x16xf32> to vector<16xf32>
      %sub3A_968 = arith.subf %get3A_962, %get3A_967 : vector<16xf32>
      %abs3A_969 = math.absf %sub3A_968 : vector<16xf32>
      %min3A_970 = arith.constant 1.000000e+00 : f32
      %min3A_971 = vector.broadcast %min3A_970 : f32 to vector<16xf32>
      %min3A_972 = arith.minimumf %abs3A_969, %min3A_971 : vector<16xf32>
      %mul3A_973 = arith.constant 5.000000e-01 : f32
      %mul3A_974 = vector.broadcast %mul3A_973 : f32 to vector<16xf32>
      %mul3A_975 = arith.mulf %mul3A_974, %min3A_972 : vector<16xf32>
      %sub3A_976 = arith.subf %abs3A_969, %mul3A_975 : vector<16xf32>
      %mul3A_977 = arith.mulf %min3A_972, %sub3A_976 : vector<16xf32>
      %shift_right_logical3A_978 = arith.constant 29 : i32
      %shift_right_logical3A_979 = vector.broadcast %shift_right_logical3A_978 : i32 to vector<16xi32>
      %shift_right_logical3A_980 = arith.shrui %get3A_93, %shift_right_logical3A_979 : vector<16xi32>
      %and3A_981 = arith.constant 1 : i32
      %and3A_982 = vector.broadcast %and3A_981 : i32 to vector<16xi32>
      %and3A_983 = arith.andi %shift_right_logical3A_980, %and3A_982 : vector<16xi32>
      %convert_element_type3A_984 = arith.uitofp %and3A_983 : vector<16xi32> to vector<16xf32>
      %mul3A_985 = arith.mulf %mul3A_977, %convert_element_type3A_984 : vector<16xf32>
      %add3A_986 = arith.addf %add3A_956, %mul3A_985 : vector<16xf32>
      %add3A_987 = arith.addf %add3A_957, %convert_element_type3A_984 : vector<16xf32>
      %get3A_988 = arith.constant 30 : i32
      %get3A_989 = arith.index_cast %get3A_988 : i32 to index
      %get3A_990 = arith.index_cast %mul3A_91 : i32 to index
      %get3A_991 = tpu.vector_load %arg6[%get3A_989, %get3A_990] {strides = array<i32>} : memref<32x512xf32, #tpu.memory_space<vmem>>, vector<1x16xf32>,
      %get3A_992 = vector.shape_cast %get3A_991 : vector<1x16xf32> to vector<16xf32>
      %get3A_993 = arith.constant 30 : i32
      %get3A_994 = arith.index_cast %get3A_993 : i32 to index
      %get3A_995 = arith.index_cast %mul3A_91 : i32 to index
      %get3A_996 = tpu.vector_load %arg8[%get3A_994, %get3A_995] {strides = array<i32>} : memref<32x512xf32, #tpu.memory_space<vmem>>, vector<1x16xf32>,
      %get3A_997 = vector.shape_cast %get3A_996 : vector<1x16xf32> to vector<16xf32>
      %sub3A_998 = arith.subf %get3A_992, %get3A_997 : vector<16xf32>
      %abs3A_999 = math.absf %sub3A_998 : vector<16xf32>
      %min3A_1000 = arith.constant 1.000000e+00 : f32
      %min3A_1001 = vector.broadcast %min3A_1000 : f32 to vector<16xf32>
      %min3A_1002 = arith.minimumf %abs3A_999, %min3A_1001 : vector<16xf32>
      %mul3A_1003 = arith.constant 5.000000e-01 : f32
      %mul3A_1004 = vector.broadcast %mul3A_1003 : f32 to vector<16xf32>
      %mul3A_1005 = arith.mulf %mul3A_1004, %min3A_1002 : vector<16xf32>
      %sub3A_1006 = arith.subf %abs3A_999, %mul3A_1005 : vector<16xf32>
      %mul3A_1007 = arith.mulf %min3A_1002, %sub3A_1006 : vector<16xf32>
      %shift_right_logical3A_1008 = arith.constant 30 : i32
      %shift_right_logical3A_1009 = vector.broadcast %shift_right_logical3A_1008 : i32 to vector<16xi32>
      %shift_right_logical3A_1010 = arith.shrui %get3A_93, %shift_right_logical3A_1009 : vector<16xi32>
      %and3A_1011 = arith.constant 1 : i32
      %and3A_1012 = vector.broadcast %and3A_1011 : i32 to vector<16xi32>
      %and3A_1013 = arith.andi %shift_right_logical3A_1010, %and3A_1012 : vector<16xi32>
      %convert_element_type3A_1014 = arith.uitofp %and3A_1013 : vector<16xi32> to vector<16xf32>
      %mul3A_1015 = arith.mulf %mul3A_1007, %convert_element_type3A_1014 : vector<16xf32>
      %add3A_1016 = arith.addf %add3A_986, %mul3A_1015 : vector<16xf32>
      %add3A_1017 = arith.addf %add3A_987, %convert_element_type3A_1014 : vector<16xf32>
      %get3A_1018 = arith.constant 31 : i32
      %get3A_1019 = arith.index_cast %get3A_1018 : i32 to index
      %get3A_1020 = arith.index_cast %mul3A_91 : i32 to index
      %get3A_1021 = tpu.vector_load %arg6[%get3A_1019, %get3A_1020] {strides = array<i32>} : memref<32x512xf32, #tpu.memory_space<vmem>>, vector<1x16xf32>,
      %get3A_1022 = vector.shape_cast %get3A_1021 : vector<1x16xf32> to vector<16xf32>
      %get3A_1023 = arith.constant 31 : i32
      %get3A_1024 = arith.index_cast %get3A_1023 : i32 to index
      %get3A_1025 = arith.index_cast %mul3A_91 : i32 to index
      %get3A_1026 = tpu.vector_load %arg8[%get3A_1024, %get3A_1025] {strides = array<i32>} : memref<32x512xf32, #tpu.memory_space<vmem>>, vector<1x16xf32>,
      %get3A_1027 = vector.shape_cast %get3A_1026 : vector<1x16xf32> to vector<16xf32>
      %sub3A_1028 = arith.subf %get3A_1022, %get3A_1027 : vector<16xf32>
      %abs3A_1029 = math.absf %sub3A_1028 : vector<16xf32>
      %min3A_1030 = arith.constant 1.000000e+00 : f32
      %min3A_1031 = vector.broadcast %min3A_1030 : f32 to vector<16xf32>
      %min3A_1032 = arith.minimumf %abs3A_1029, %min3A_1031 : vector<16xf32>
      %mul3A_1033 = arith.constant 5.000000e-01 : f32
      %mul3A_1034 = vector.broadcast %mul3A_1033 : f32 to vector<16xf32>
      %mul3A_1035 = arith.mulf %mul3A_1034, %min3A_1032 : vector<16xf32>
      %sub3A_1036 = arith.subf %abs3A_1029, %mul3A_1035 : vector<16xf32>
      %mul3A_1037 = arith.mulf %min3A_1032, %sub3A_1036 : vector<16xf32>
      %shift_right_logical3A_1038 = arith.constant 31 : i32
      %shift_right_logical3A_1039 = vector.broadcast %shift_right_logical3A_1038 : i32 to vector<16xi32>
      %shift_right_logical3A_1040 = arith.shrui %get3A_93, %shift_right_logical3A_1039 : vector<16xi32>
      %and3A_1041 = arith.constant 1 : i32
      %and3A_1042 = vector.broadcast %and3A_1041 : i32 to vector<16xi32>
      %and3A_1043 = arith.andi %shift_right_logical3A_1040, %and3A_1042 : vector<16xi32>
      %convert_element_type3A_1044 = arith.uitofp %and3A_1043 : vector<16xi32> to vector<16xf32>
      %mul3A_1045 = arith.mulf %mul3A_1037, %convert_element_type3A_1044 : vector<16xf32>
      %add3A_1046 = arith.addf %add3A_1016, %mul3A_1045 : vector<16xf32>
      %add3A_1047 = arith.addf %add3A_1017, %convert_element_type3A_1044 : vector<16xf32>
      scf.yield %add3A_1046, %add3A_1047 : vector<16xf32>, vector<16xf32>
    }
    %scan3A_59 = arith.constant 32 : i32
    %dma_wait3A_60 = arith.constant 0 : i32
    %dma_wait3A_61 = tpu.memref_slice %arg2[%multiple_of3A_30, %dma_wait3A_60] : memref<8192x512xf32, #tpu.memory_space<hbm>> -> memref<32x512xf32, #tpu.memory_space<hbm>>
    %dma_wait3A_62 = arith.constant 0 : i32
    %dma_wait3A_63 = tpu.memref_slice %arg2[%multiple_of3A_30, %dma_wait3A_62] : memref<8192x512xf32, #tpu.memory_space<hbm>> -> memref<32x512xf32, #tpu.memory_space<hbm>>
    tpu.wait_dma2 semaphore(%arg14 : memref<!tpu.dma_semaphore, #tpu.memory_space<semaphore_mem>>) src(%dma_wait3A_63 : memref<32x512xf32, #tpu.memory_space<hbm>>) dst(%arg7 : memref<32x512xf32, #tpu.memory_space<vmem>>)
    %dma_wait3A_64 = arith.constant 0 : i32
    %dma_wait3A_65 = tpu.memref_slice %arg3[%multiple_of3A_30, %dma_wait3A_64] : memref<8192x512xf32, #tpu.memory_space<hbm>> -> memref<32x512xf32, #tpu.memory_space<hbm>>
    %dma_wait3A_66 = arith.constant 0 : i32
    %dma_wait3A_67 = tpu.memref_slice %arg3[%multiple_of3A_30, %dma_wait3A_66] : memref<8192x512xf32, #tpu.memory_space<hbm>> -> memref<32x512xf32, #tpu.memory_space<hbm>>
    tpu.wait_dma2 semaphore(%arg14 : memref<!tpu.dma_semaphore, #tpu.memory_space<semaphore_mem>>) src(%dma_wait3A_67 : memref<32x512xf32, #tpu.memory_space<hbm>>) dst(%arg9 : memref<32x512xf32, #tpu.memory_space<vmem>>)
    %dma_wait3A_68 = tpu.memref_slice %arg4[%multiple_of3A_35] : memref<32768xi32, #tpu.memory_space<hbm>> -> memref<512xi32, #tpu.memory_space<hbm>>
    %dma_wait3A_69 = tpu.memref_slice %arg4[%multiple_of3A_35] : memref<32768xi32, #tpu.memory_space<hbm>> -> memref<512xi32, #tpu.memory_space<hbm>>
    tpu.wait_dma2 semaphore(%arg14 : memref<!tpu.dma_semaphore, #tpu.memory_space<semaphore_mem>>) src(%dma_wait3A_69 : memref<512xi32, #tpu.memory_space<hbm>>) dst(%arg11 : memref<512xi32, #tpu.memory_space<vmem>>)
    %scan3A_70 = arith.constant 0 : i32
    %scan3A_71 = arith.constant 32 : i32
    %scan3A_72 = arith.addi %scan3A_70, %scan3A_71 : i32
    %scan3A_73 = arith.constant 1 : i32
    %scan3A_74:2 = scf.for %scan3A_87 = %scan3A_70 to %scan3A_72 step %scan3A_73 iter_args(%scan3A_88 = %scan3A_58#0, %scan3A_89 = %scan3A_58#1) -> (vector<16xf32>, vector<16xf32>)  : i32 {
      %mul3A_90 = arith.constant 16 : i32
      %mul3A_91 = arith.muli %scan3A_87, %mul3A_90 : i32
      %get3A = arith.index_cast %mul3A_91 : i32 to index
      %get3A_92 = tpu.vector_load %arg11[%get3A] {strides = array<i32>} : memref<512xi32, #tpu.memory_space<vmem>>, vector<16xi32>,
      %get3A_93 = vector.shape_cast %get3A_92 : vector<16xi32> to vector<16xi32>
      %get3A_94 = arith.constant 0 : i32
      %get3A_95 = arith.index_cast %get3A_94 : i32 to index
      %get3A_96 = arith.index_cast %mul3A_91 : i32 to index
      %get3A_97 = tpu.vector_load %arg7[%get3A_95, %get3A_96] {strides = array<i32>} : memref<32x512xf32, #tpu.memory_space<vmem>>, vector<1x16xf32>,
      %get3A_98 = vector.shape_cast %get3A_97 : vector<1x16xf32> to vector<16xf32>
      %get3A_99 = arith.constant 0 : i32
      %get3A_100 = arith.index_cast %get3A_99 : i32 to index
      %get3A_101 = arith.index_cast %mul3A_91 : i32 to index
      %get3A_102 = tpu.vector_load %arg9[%get3A_100, %get3A_101] {strides = array<i32>} : memref<32x512xf32, #tpu.memory_space<vmem>>, vector<1x16xf32>,
      %get3A_103 = vector.shape_cast %get3A_102 : vector<1x16xf32> to vector<16xf32>
      %sub3A = arith.subf %get3A_98, %get3A_103 : vector<16xf32>
      %abs3A = math.absf %sub3A : vector<16xf32>
      %min3A = arith.constant 1.000000e+00 : f32
      %min3A_104 = vector.broadcast %min3A : f32 to vector<16xf32>
      %min3A_105 = arith.minimumf %abs3A, %min3A_104 : vector<16xf32>
      %mul3A_106 = arith.constant 5.000000e-01 : f32
      %mul3A_107 = vector.broadcast %mul3A_106 : f32 to vector<16xf32>
      %mul3A_108 = arith.mulf %mul3A_107, %min3A_105 : vector<16xf32>
      %sub3A_109 = arith.subf %abs3A, %mul3A_108 : vector<16xf32>
      %mul3A_110 = arith.mulf %min3A_105, %sub3A_109 : vector<16xf32>
      %shift_right_logical3A = arith.constant 0 : i32
      %shift_right_logical3A_111 = vector.broadcast %shift_right_logical3A : i32 to vector<16xi32>
      %shift_right_logical3A_112 = arith.shrui %get3A_93, %shift_right_logical3A_111 : vector<16xi32>
      %and3A = arith.constant 1 : i32
      %and3A_113 = vector.broadcast %and3A : i32 to vector<16xi32>
      %and3A_114 = arith.andi %shift_right_logical3A_112, %and3A_113 : vector<16xi32>
      %convert_element_type3A = arith.uitofp %and3A_114 : vector<16xi32> to vector<16xf32>
      %mul3A_115 = arith.mulf %mul3A_110, %convert_element_type3A : vector<16xf32>
      %add3A_116 = arith.addf %scan3A_88, %mul3A_115 : vector<16xf32>
      %add3A_117 = arith.addf %scan3A_89, %convert_element_type3A : vector<16xf32>
      %get3A_118 = arith.constant 1 : i32
      %get3A_119 = arith.index_cast %get3A_118 : i32 to index
      %get3A_120 = arith.index_cast %mul3A_91 : i32 to index
      %get3A_121 = tpu.vector_load %arg7[%get3A_119, %get3A_120] {strides = array<i32>} : memref<32x512xf32, #tpu.memory_space<vmem>>, vector<1x16xf32>,
      %get3A_122 = vector.shape_cast %get3A_121 : vector<1x16xf32> to vector<16xf32>
      %get3A_123 = arith.constant 1 : i32
      %get3A_124 = arith.index_cast %get3A_123 : i32 to index
      %get3A_125 = arith.index_cast %mul3A_91 : i32 to index
      %get3A_126 = tpu.vector_load %arg9[%get3A_124, %get3A_125] {strides = array<i32>} : memref<32x512xf32, #tpu.memory_space<vmem>>, vector<1x16xf32>,
      %get3A_127 = vector.shape_cast %get3A_126 : vector<1x16xf32> to vector<16xf32>
      %sub3A_128 = arith.subf %get3A_122, %get3A_127 : vector<16xf32>
      %abs3A_129 = math.absf %sub3A_128 : vector<16xf32>
      %min3A_130 = arith.constant 1.000000e+00 : f32
      %min3A_131 = vector.broadcast %min3A_130 : f32 to vector<16xf32>
      %min3A_132 = arith.minimumf %abs3A_129, %min3A_131 : vector<16xf32>
      %mul3A_133 = arith.constant 5.000000e-01 : f32
      %mul3A_134 = vector.broadcast %mul3A_133 : f32 to vector<16xf32>
      %mul3A_135 = arith.mulf %mul3A_134, %min3A_132 : vector<16xf32>
      %sub3A_136 = arith.subf %abs3A_129, %mul3A_135 : vector<16xf32>
      %mul3A_137 = arith.mulf %min3A_132, %sub3A_136 : vector<16xf32>
      %shift_right_logical3A_138 = arith.constant 1 : i32
      %shift_right_logical3A_139 = vector.broadcast %shift_right_logical3A_138 : i32 to vector<16xi32>
      %shift_right_logical3A_140 = arith.shrui %get3A_93, %shift_right_logical3A_139 : vector<16xi32>
      %and3A_141 = arith.constant 1 : i32
      %and3A_142 = vector.broadcast %and3A_141 : i32 to vector<16xi32>
      %and3A_143 = arith.andi %shift_right_logical3A_140, %and3A_142 : vector<16xi32>
      %convert_element_type3A_144 = arith.uitofp %and3A_143 : vector<16xi32> to vector<16xf32>
      %mul3A_145 = arith.mulf %mul3A_137, %convert_element_type3A_144 : vector<16xf32>
      %add3A_146 = arith.addf %add3A_116, %mul3A_145 : vector<16xf32>
      %add3A_147 = arith.addf %add3A_117, %convert_element_type3A_144 : vector<16xf32>
      %get3A_148 = arith.constant 2 : i32
      %get3A_149 = arith.index_cast %get3A_148 : i32 to index
      %get3A_150 = arith.index_cast %mul3A_91 : i32 to index
      %get3A_151 = tpu.vector_load %arg7[%get3A_149, %get3A_150] {strides = array<i32>} : memref<32x512xf32, #tpu.memory_space<vmem>>, vector<1x16xf32>,
      %get3A_152 = vector.shape_cast %get3A_151 : vector<1x16xf32> to vector<16xf32>
      %get3A_153 = arith.constant 2 : i32
      %get3A_154 = arith.index_cast %get3A_153 : i32 to index
      %get3A_155 = arith.index_cast %mul3A_91 : i32 to index
      %get3A_156 = tpu.vector_load %arg9[%get3A_154, %get3A_155] {strides = array<i32>} : memref<32x512xf32, #tpu.memory_space<vmem>>, vector<1x16xf32>,
      %get3A_157 = vector.shape_cast %get3A_156 : vector<1x16xf32> to vector<16xf32>
      %sub3A_158 = arith.subf %get3A_152, %get3A_157 : vector<16xf32>
      %abs3A_159 = math.absf %sub3A_158 : vector<16xf32>
      %min3A_160 = arith.constant 1.000000e+00 : f32
      %min3A_161 = vector.broadcast %min3A_160 : f32 to vector<16xf32>
      %min3A_162 = arith.minimumf %abs3A_159, %min3A_161 : vector<16xf32>
      %mul3A_163 = arith.constant 5.000000e-01 : f32
      %mul3A_164 = vector.broadcast %mul3A_163 : f32 to vector<16xf32>
      %mul3A_165 = arith.mulf %mul3A_164, %min3A_162 : vector<16xf32>
      %sub3A_166 = arith.subf %abs3A_159, %mul3A_165 : vector<16xf32>
      %mul3A_167 = arith.mulf %min3A_162, %sub3A_166 : vector<16xf32>
      %shift_right_logical3A_168 = arith.constant 2 : i32
      %shift_right_logical3A_169 = vector.broadcast %shift_right_logical3A_168 : i32 to vector<16xi32>
      %shift_right_logical3A_170 = arith.shrui %get3A_93, %shift_right_logical3A_169 : vector<16xi32>
      %and3A_171 = arith.constant 1 : i32
      %and3A_172 = vector.broadcast %and3A_171 : i32 to vector<16xi32>
      %and3A_173 = arith.andi %shift_right_logical3A_170, %and3A_172 : vector<16xi32>
      %convert_element_type3A_174 = arith.uitofp %and3A_173 : vector<16xi32> to vector<16xf32>
      %mul3A_175 = arith.mulf %mul3A_167, %convert_element_type3A_174 : vector<16xf32>
      %add3A_176 = arith.addf %add3A_146, %mul3A_175 : vector<16xf32>
      %add3A_177 = arith.addf %add3A_147, %convert_element_type3A_174 : vector<16xf32>
      %get3A_178 = arith.constant 3 : i32
      %get3A_179 = arith.index_cast %get3A_178 : i32 to index
      %get3A_180 = arith.index_cast %mul3A_91 : i32 to index
      %get3A_181 = tpu.vector_load %arg7[%get3A_179, %get3A_180] {strides = array<i32>} : memref<32x512xf32, #tpu.memory_space<vmem>>, vector<1x16xf32>,
      %get3A_182 = vector.shape_cast %get3A_181 : vector<1x16xf32> to vector<16xf32>
      %get3A_183 = arith.constant 3 : i32
      %get3A_184 = arith.index_cast %get3A_183 : i32 to index
      %get3A_185 = arith.index_cast %mul3A_91 : i32 to index
      %get3A_186 = tpu.vector_load %arg9[%get3A_184, %get3A_185] {strides = array<i32>} : memref<32x512xf32, #tpu.memory_space<vmem>>, vector<1x16xf32>,
      %get3A_187 = vector.shape_cast %get3A_186 : vector<1x16xf32> to vector<16xf32>
      %sub3A_188 = arith.subf %get3A_182, %get3A_187 : vector<16xf32>
      %abs3A_189 = math.absf %sub3A_188 : vector<16xf32>
      %min3A_190 = arith.constant 1.000000e+00 : f32
      %min3A_191 = vector.broadcast %min3A_190 : f32 to vector<16xf32>
      %min3A_192 = arith.minimumf %abs3A_189, %min3A_191 : vector<16xf32>
      %mul3A_193 = arith.constant 5.000000e-01 : f32
      %mul3A_194 = vector.broadcast %mul3A_193 : f32 to vector<16xf32>
      %mul3A_195 = arith.mulf %mul3A_194, %min3A_192 : vector<16xf32>
      %sub3A_196 = arith.subf %abs3A_189, %mul3A_195 : vector<16xf32>
      %mul3A_197 = arith.mulf %min3A_192, %sub3A_196 : vector<16xf32>
      %shift_right_logical3A_198 = arith.constant 3 : i32
      %shift_right_logical3A_199 = vector.broadcast %shift_right_logical3A_198 : i32 to vector<16xi32>
      %shift_right_logical3A_200 = arith.shrui %get3A_93, %shift_right_logical3A_199 : vector<16xi32>
      %and3A_201 = arith.constant 1 : i32
      %and3A_202 = vector.broadcast %and3A_201 : i32 to vector<16xi32>
      %and3A_203 = arith.andi %shift_right_logical3A_200, %and3A_202 : vector<16xi32>
      %convert_element_type3A_204 = arith.uitofp %and3A_203 : vector<16xi32> to vector<16xf32>
      %mul3A_205 = arith.mulf %mul3A_197, %convert_element_type3A_204 : vector<16xf32>
      %add3A_206 = arith.addf %add3A_176, %mul3A_205 : vector<16xf32>
      %add3A_207 = arith.addf %add3A_177, %convert_element_type3A_204 : vector<16xf32>
      %get3A_208 = arith.constant 4 : i32
      %get3A_209 = arith.index_cast %get3A_208 : i32 to index
      %get3A_210 = arith.index_cast %mul3A_91 : i32 to index
      %get3A_211 = tpu.vector_load %arg7[%get3A_209, %get3A_210] {strides = array<i32>} : memref<32x512xf32, #tpu.memory_space<vmem>>, vector<1x16xf32>,
      %get3A_212 = vector.shape_cast %get3A_211 : vector<1x16xf32> to vector<16xf32>
      %get3A_213 = arith.constant 4 : i32
      %get3A_214 = arith.index_cast %get3A_213 : i32 to index
      %get3A_215 = arith.index_cast %mul3A_91 : i32 to index
      %get3A_216 = tpu.vector_load %arg9[%get3A_214, %get3A_215] {strides = array<i32>} : memref<32x512xf32, #tpu.memory_space<vmem>>, vector<1x16xf32>,
      %get3A_217 = vector.shape_cast %get3A_216 : vector<1x16xf32> to vector<16xf32>
      %sub3A_218 = arith.subf %get3A_212, %get3A_217 : vector<16xf32>
      %abs3A_219 = math.absf %sub3A_218 : vector<16xf32>
      %min3A_220 = arith.constant 1.000000e+00 : f32
      %min3A_221 = vector.broadcast %min3A_220 : f32 to vector<16xf32>
      %min3A_222 = arith.minimumf %abs3A_219, %min3A_221 : vector<16xf32>
      %mul3A_223 = arith.constant 5.000000e-01 : f32
      %mul3A_224 = vector.broadcast %mul3A_223 : f32 to vector<16xf32>
      %mul3A_225 = arith.mulf %mul3A_224, %min3A_222 : vector<16xf32>
      %sub3A_226 = arith.subf %abs3A_219, %mul3A_225 : vector<16xf32>
      %mul3A_227 = arith.mulf %min3A_222, %sub3A_226 : vector<16xf32>
      %shift_right_logical3A_228 = arith.constant 4 : i32
      %shift_right_logical3A_229 = vector.broadcast %shift_right_logical3A_228 : i32 to vector<16xi32>
      %shift_right_logical3A_230 = arith.shrui %get3A_93, %shift_right_logical3A_229 : vector<16xi32>
      %and3A_231 = arith.constant 1 : i32
      %and3A_232 = vector.broadcast %and3A_231 : i32 to vector<16xi32>
      %and3A_233 = arith.andi %shift_right_logical3A_230, %and3A_232 : vector<16xi32>
      %convert_element_type3A_234 = arith.uitofp %and3A_233 : vector<16xi32> to vector<16xf32>
      %mul3A_235 = arith.mulf %mul3A_227, %convert_element_type3A_234 : vector<16xf32>
      %add3A_236 = arith.addf %add3A_206, %mul3A_235 : vector<16xf32>
      %add3A_237 = arith.addf %add3A_207, %convert_element_type3A_234 : vector<16xf32>
      %get3A_238 = arith.constant 5 : i32
      %get3A_239 = arith.index_cast %get3A_238 : i32 to index
      %get3A_240 = arith.index_cast %mul3A_91 : i32 to index
      %get3A_241 = tpu.vector_load %arg7[%get3A_239, %get3A_240] {strides = array<i32>} : memref<32x512xf32, #tpu.memory_space<vmem>>, vector<1x16xf32>,
      %get3A_242 = vector.shape_cast %get3A_241 : vector<1x16xf32> to vector<16xf32>
      %get3A_243 = arith.constant 5 : i32
      %get3A_244 = arith.index_cast %get3A_243 : i32 to index
      %get3A_245 = arith.index_cast %mul3A_91 : i32 to index
      %get3A_246 = tpu.vector_load %arg9[%get3A_244, %get3A_245] {strides = array<i32>} : memref<32x512xf32, #tpu.memory_space<vmem>>, vector<1x16xf32>,
      %get3A_247 = vector.shape_cast %get3A_246 : vector<1x16xf32> to vector<16xf32>
      %sub3A_248 = arith.subf %get3A_242, %get3A_247 : vector<16xf32>
      %abs3A_249 = math.absf %sub3A_248 : vector<16xf32>
      %min3A_250 = arith.constant 1.000000e+00 : f32
      %min3A_251 = vector.broadcast %min3A_250 : f32 to vector<16xf32>
      %min3A_252 = arith.minimumf %abs3A_249, %min3A_251 : vector<16xf32>
      %mul3A_253 = arith.constant 5.000000e-01 : f32
      %mul3A_254 = vector.broadcast %mul3A_253 : f32 to vector<16xf32>
      %mul3A_255 = arith.mulf %mul3A_254, %min3A_252 : vector<16xf32>
      %sub3A_256 = arith.subf %abs3A_249, %mul3A_255 : vector<16xf32>
      %mul3A_257 = arith.mulf %min3A_252, %sub3A_256 : vector<16xf32>
      %shift_right_logical3A_258 = arith.constant 5 : i32
      %shift_right_logical3A_259 = vector.broadcast %shift_right_logical3A_258 : i32 to vector<16xi32>
      %shift_right_logical3A_260 = arith.shrui %get3A_93, %shift_right_logical3A_259 : vector<16xi32>
      %and3A_261 = arith.constant 1 : i32
      %and3A_262 = vector.broadcast %and3A_261 : i32 to vector<16xi32>
      %and3A_263 = arith.andi %shift_right_logical3A_260, %and3A_262 : vector<16xi32>
      %convert_element_type3A_264 = arith.uitofp %and3A_263 : vector<16xi32> to vector<16xf32>
      %mul3A_265 = arith.mulf %mul3A_257, %convert_element_type3A_264 : vector<16xf32>
      %add3A_266 = arith.addf %add3A_236, %mul3A_265 : vector<16xf32>
      %add3A_267 = arith.addf %add3A_237, %convert_element_type3A_264 : vector<16xf32>
      %get3A_268 = arith.constant 6 : i32
      %get3A_269 = arith.index_cast %get3A_268 : i32 to index
      %get3A_270 = arith.index_cast %mul3A_91 : i32 to index
      %get3A_271 = tpu.vector_load %arg7[%get3A_269, %get3A_270] {strides = array<i32>} : memref<32x512xf32, #tpu.memory_space<vmem>>, vector<1x16xf32>,
      %get3A_272 = vector.shape_cast %get3A_271 : vector<1x16xf32> to vector<16xf32>
      %get3A_273 = arith.constant 6 : i32
      %get3A_274 = arith.index_cast %get3A_273 : i32 to index
      %get3A_275 = arith.index_cast %mul3A_91 : i32 to index
      %get3A_276 = tpu.vector_load %arg9[%get3A_274, %get3A_275] {strides = array<i32>} : memref<32x512xf32, #tpu.memory_space<vmem>>, vector<1x16xf32>,
      %get3A_277 = vector.shape_cast %get3A_276 : vector<1x16xf32> to vector<16xf32>
      %sub3A_278 = arith.subf %get3A_272, %get3A_277 : vector<16xf32>
      %abs3A_279 = math.absf %sub3A_278 : vector<16xf32>
      %min3A_280 = arith.constant 1.000000e+00 : f32
      %min3A_281 = vector.broadcast %min3A_280 : f32 to vector<16xf32>
      %min3A_282 = arith.minimumf %abs3A_279, %min3A_281 : vector<16xf32>
      %mul3A_283 = arith.constant 5.000000e-01 : f32
      %mul3A_284 = vector.broadcast %mul3A_283 : f32 to vector<16xf32>
      %mul3A_285 = arith.mulf %mul3A_284, %min3A_282 : vector<16xf32>
      %sub3A_286 = arith.subf %abs3A_279, %mul3A_285 : vector<16xf32>
      %mul3A_287 = arith.mulf %min3A_282, %sub3A_286 : vector<16xf32>
      %shift_right_logical3A_288 = arith.constant 6 : i32
      %shift_right_logical3A_289 = vector.broadcast %shift_right_logical3A_288 : i32 to vector<16xi32>
      %shift_right_logical3A_290 = arith.shrui %get3A_93, %shift_right_logical3A_289 : vector<16xi32>
      %and3A_291 = arith.constant 1 : i32
      %and3A_292 = vector.broadcast %and3A_291 : i32 to vector<16xi32>
      %and3A_293 = arith.andi %shift_right_logical3A_290, %and3A_292 : vector<16xi32>
      %convert_element_type3A_294 = arith.uitofp %and3A_293 : vector<16xi32> to vector<16xf32>
      %mul3A_295 = arith.mulf %mul3A_287, %convert_element_type3A_294 : vector<16xf32>
      %add3A_296 = arith.addf %add3A_266, %mul3A_295 : vector<16xf32>
      %add3A_297 = arith.addf %add3A_267, %convert_element_type3A_294 : vector<16xf32>
      %get3A_298 = arith.constant 7 : i32
      %get3A_299 = arith.index_cast %get3A_298 : i32 to index
      %get3A_300 = arith.index_cast %mul3A_91 : i32 to index
      %get3A_301 = tpu.vector_load %arg7[%get3A_299, %get3A_300] {strides = array<i32>} : memref<32x512xf32, #tpu.memory_space<vmem>>, vector<1x16xf32>,
      %get3A_302 = vector.shape_cast %get3A_301 : vector<1x16xf32> to vector<16xf32>
      %get3A_303 = arith.constant 7 : i32
      %get3A_304 = arith.index_cast %get3A_303 : i32 to index
      %get3A_305 = arith.index_cast %mul3A_91 : i32 to index
      %get3A_306 = tpu.vector_load %arg9[%get3A_304, %get3A_305] {strides = array<i32>} : memref<32x512xf32, #tpu.memory_space<vmem>>, vector<1x16xf32>,
      %get3A_307 = vector.shape_cast %get3A_306 : vector<1x16xf32> to vector<16xf32>
      %sub3A_308 = arith.subf %get3A_302, %get3A_307 : vector<16xf32>
      %abs3A_309 = math.absf %sub3A_308 : vector<16xf32>
      %min3A_310 = arith.constant 1.000000e+00 : f32
      %min3A_311 = vector.broadcast %min3A_310 : f32 to vector<16xf32>
      %min3A_312 = arith.minimumf %abs3A_309, %min3A_311 : vector<16xf32>
      %mul3A_313 = arith.constant 5.000000e-01 : f32
      %mul3A_314 = vector.broadcast %mul3A_313 : f32 to vector<16xf32>
      %mul3A_315 = arith.mulf %mul3A_314, %min3A_312 : vector<16xf32>
      %sub3A_316 = arith.subf %abs3A_309, %mul3A_315 : vector<16xf32>
      %mul3A_317 = arith.mulf %min3A_312, %sub3A_316 : vector<16xf32>
      %shift_right_logical3A_318 = arith.constant 7 : i32
      %shift_right_logical3A_319 = vector.broadcast %shift_right_logical3A_318 : i32 to vector<16xi32>
      %shift_right_logical3A_320 = arith.shrui %get3A_93, %shift_right_logical3A_319 : vector<16xi32>
      %and3A_321 = arith.constant 1 : i32
      %and3A_322 = vector.broadcast %and3A_321 : i32 to vector<16xi32>
      %and3A_323 = arith.andi %shift_right_logical3A_320, %and3A_322 : vector<16xi32>
      %convert_element_type3A_324 = arith.uitofp %and3A_323 : vector<16xi32> to vector<16xf32>
      %mul3A_325 = arith.mulf %mul3A_317, %convert_element_type3A_324 : vector<16xf32>
      %add3A_326 = arith.addf %add3A_296, %mul3A_325 : vector<16xf32>
      %add3A_327 = arith.addf %add3A_297, %convert_element_type3A_324 : vector<16xf32>
      %get3A_328 = arith.constant 8 : i32
      %get3A_329 = arith.index_cast %get3A_328 : i32 to index
      %get3A_330 = arith.index_cast %mul3A_91 : i32 to index
      %get3A_331 = tpu.vector_load %arg7[%get3A_329, %get3A_330] {strides = array<i32>} : memref<32x512xf32, #tpu.memory_space<vmem>>, vector<1x16xf32>,
      %get3A_332 = vector.shape_cast %get3A_331 : vector<1x16xf32> to vector<16xf32>
      %get3A_333 = arith.constant 8 : i32
      %get3A_334 = arith.index_cast %get3A_333 : i32 to index
      %get3A_335 = arith.index_cast %mul3A_91 : i32 to index
      %get3A_336 = tpu.vector_load %arg9[%get3A_334, %get3A_335] {strides = array<i32>} : memref<32x512xf32, #tpu.memory_space<vmem>>, vector<1x16xf32>,
      %get3A_337 = vector.shape_cast %get3A_336 : vector<1x16xf32> to vector<16xf32>
      %sub3A_338 = arith.subf %get3A_332, %get3A_337 : vector<16xf32>
      %abs3A_339 = math.absf %sub3A_338 : vector<16xf32>
      %min3A_340 = arith.constant 1.000000e+00 : f32
      %min3A_341 = vector.broadcast %min3A_340 : f32 to vector<16xf32>
      %min3A_342 = arith.minimumf %abs3A_339, %min3A_341 : vector<16xf32>
      %mul3A_343 = arith.constant 5.000000e-01 : f32
      %mul3A_344 = vector.broadcast %mul3A_343 : f32 to vector<16xf32>
      %mul3A_345 = arith.mulf %mul3A_344, %min3A_342 : vector<16xf32>
      %sub3A_346 = arith.subf %abs3A_339, %mul3A_345 : vector<16xf32>
      %mul3A_347 = arith.mulf %min3A_342, %sub3A_346 : vector<16xf32>
      %shift_right_logical3A_348 = arith.constant 8 : i32
      %shift_right_logical3A_349 = vector.broadcast %shift_right_logical3A_348 : i32 to vector<16xi32>
      %shift_right_logical3A_350 = arith.shrui %get3A_93, %shift_right_logical3A_349 : vector<16xi32>
      %and3A_351 = arith.constant 1 : i32
      %and3A_352 = vector.broadcast %and3A_351 : i32 to vector<16xi32>
      %and3A_353 = arith.andi %shift_right_logical3A_350, %and3A_352 : vector<16xi32>
      %convert_element_type3A_354 = arith.uitofp %and3A_353 : vector<16xi32> to vector<16xf32>
      %mul3A_355 = arith.mulf %mul3A_347, %convert_element_type3A_354 : vector<16xf32>
      %add3A_356 = arith.addf %add3A_326, %mul3A_355 : vector<16xf32>
      %add3A_357 = arith.addf %add3A_327, %convert_element_type3A_354 : vector<16xf32>
      %get3A_358 = arith.constant 9 : i32
      %get3A_359 = arith.index_cast %get3A_358 : i32 to index
      %get3A_360 = arith.index_cast %mul3A_91 : i32 to index
      %get3A_361 = tpu.vector_load %arg7[%get3A_359, %get3A_360] {strides = array<i32>} : memref<32x512xf32, #tpu.memory_space<vmem>>, vector<1x16xf32>,
      %get3A_362 = vector.shape_cast %get3A_361 : vector<1x16xf32> to vector<16xf32>
      %get3A_363 = arith.constant 9 : i32
      %get3A_364 = arith.index_cast %get3A_363 : i32 to index
      %get3A_365 = arith.index_cast %mul3A_91 : i32 to index
      %get3A_366 = tpu.vector_load %arg9[%get3A_364, %get3A_365] {strides = array<i32>} : memref<32x512xf32, #tpu.memory_space<vmem>>, vector<1x16xf32>,
      %get3A_367 = vector.shape_cast %get3A_366 : vector<1x16xf32> to vector<16xf32>
      %sub3A_368 = arith.subf %get3A_362, %get3A_367 : vector<16xf32>
      %abs3A_369 = math.absf %sub3A_368 : vector<16xf32>
      %min3A_370 = arith.constant 1.000000e+00 : f32
      %min3A_371 = vector.broadcast %min3A_370 : f32 to vector<16xf32>
      %min3A_372 = arith.minimumf %abs3A_369, %min3A_371 : vector<16xf32>
      %mul3A_373 = arith.constant 5.000000e-01 : f32
      %mul3A_374 = vector.broadcast %mul3A_373 : f32 to vector<16xf32>
      %mul3A_375 = arith.mulf %mul3A_374, %min3A_372 : vector<16xf32>
      %sub3A_376 = arith.subf %abs3A_369, %mul3A_375 : vector<16xf32>
      %mul3A_377 = arith.mulf %min3A_372, %sub3A_376 : vector<16xf32>
      %shift_right_logical3A_378 = arith.constant 9 : i32
      %shift_right_logical3A_379 = vector.broadcast %shift_right_logical3A_378 : i32 to vector<16xi32>
      %shift_right_logical3A_380 = arith.shrui %get3A_93, %shift_right_logical3A_379 : vector<16xi32>
      %and3A_381 = arith.constant 1 : i32
      %and3A_382 = vector.broadcast %and3A_381 : i32 to vector<16xi32>
      %and3A_383 = arith.andi %shift_right_logical3A_380, %and3A_382 : vector<16xi32>
      %convert_element_type3A_384 = arith.uitofp %and3A_383 : vector<16xi32> to vector<16xf32>
      %mul3A_385 = arith.mulf %mul3A_377, %convert_element_type3A_384 : vector<16xf32>
      %add3A_386 = arith.addf %add3A_356, %mul3A_385 : vector<16xf32>
      %add3A_387 = arith.addf %add3A_357, %convert_element_type3A_384 : vector<16xf32>
      %get3A_388 = arith.constant 10 : i32
      %get3A_389 = arith.index_cast %get3A_388 : i32 to index
      %get3A_390 = arith.index_cast %mul3A_91 : i32 to index
      %get3A_391 = tpu.vector_load %arg7[%get3A_389, %get3A_390] {strides = array<i32>} : memref<32x512xf32, #tpu.memory_space<vmem>>, vector<1x16xf32>,
      %get3A_392 = vector.shape_cast %get3A_391 : vector<1x16xf32> to vector<16xf32>
      %get3A_393 = arith.constant 10 : i32
      %get3A_394 = arith.index_cast %get3A_393 : i32 to index
      %get3A_395 = arith.index_cast %mul3A_91 : i32 to index
      %get3A_396 = tpu.vector_load %arg9[%get3A_394, %get3A_395] {strides = array<i32>} : memref<32x512xf32, #tpu.memory_space<vmem>>, vector<1x16xf32>,
      %get3A_397 = vector.shape_cast %get3A_396 : vector<1x16xf32> to vector<16xf32>
      %sub3A_398 = arith.subf %get3A_392, %get3A_397 : vector<16xf32>
      %abs3A_399 = math.absf %sub3A_398 : vector<16xf32>
      %min3A_400 = arith.constant 1.000000e+00 : f32
      %min3A_401 = vector.broadcast %min3A_400 : f32 to vector<16xf32>
      %min3A_402 = arith.minimumf %abs3A_399, %min3A_401 : vector<16xf32>
      %mul3A_403 = arith.constant 5.000000e-01 : f32
      %mul3A_404 = vector.broadcast %mul3A_403 : f32 to vector<16xf32>
      %mul3A_405 = arith.mulf %mul3A_404, %min3A_402 : vector<16xf32>
      %sub3A_406 = arith.subf %abs3A_399, %mul3A_405 : vector<16xf32>
      %mul3A_407 = arith.mulf %min3A_402, %sub3A_406 : vector<16xf32>
      %shift_right_logical3A_408 = arith.constant 10 : i32
      %shift_right_logical3A_409 = vector.broadcast %shift_right_logical3A_408 : i32 to vector<16xi32>
      %shift_right_logical3A_410 = arith.shrui %get3A_93, %shift_right_logical3A_409 : vector<16xi32>
      %and3A_411 = arith.constant 1 : i32
      %and3A_412 = vector.broadcast %and3A_411 : i32 to vector<16xi32>
      %and3A_413 = arith.andi %shift_right_logical3A_410, %and3A_412 : vector<16xi32>
      %convert_element_type3A_414 = arith.uitofp %and3A_413 : vector<16xi32> to vector<16xf32>
      %mul3A_415 = arith.mulf %mul3A_407, %convert_element_type3A_414 : vector<16xf32>
      %add3A_416 = arith.addf %add3A_386, %mul3A_415 : vector<16xf32>
      %add3A_417 = arith.addf %add3A_387, %convert_element_type3A_414 : vector<16xf32>
      %get3A_418 = arith.constant 11 : i32
      %get3A_419 = arith.index_cast %get3A_418 : i32 to index
      %get3A_420 = arith.index_cast %mul3A_91 : i32 to index
      %get3A_421 = tpu.vector_load %arg7[%get3A_419, %get3A_420] {strides = array<i32>} : memref<32x512xf32, #tpu.memory_space<vmem>>, vector<1x16xf32>,
      %get3A_422 = vector.shape_cast %get3A_421 : vector<1x16xf32> to vector<16xf32>
      %get3A_423 = arith.constant 11 : i32
      %get3A_424 = arith.index_cast %get3A_423 : i32 to index
      %get3A_425 = arith.index_cast %mul3A_91 : i32 to index
      %get3A_426 = tpu.vector_load %arg9[%get3A_424, %get3A_425] {strides = array<i32>} : memref<32x512xf32, #tpu.memory_space<vmem>>, vector<1x16xf32>,
      %get3A_427 = vector.shape_cast %get3A_426 : vector<1x16xf32> to vector<16xf32>
      %sub3A_428 = arith.subf %get3A_422, %get3A_427 : vector<16xf32>
      %abs3A_429 = math.absf %sub3A_428 : vector<16xf32>
      %min3A_430 = arith.constant 1.000000e+00 : f32
      %min3A_431 = vector.broadcast %min3A_430 : f32 to vector<16xf32>
      %min3A_432 = arith.minimumf %abs3A_429, %min3A_431 : vector<16xf32>
      %mul3A_433 = arith.constant 5.000000e-01 : f32
      %mul3A_434 = vector.broadcast %mul3A_433 : f32 to vector<16xf32>
      %mul3A_435 = arith.mulf %mul3A_434, %min3A_432 : vector<16xf32>
      %sub3A_436 = arith.subf %abs3A_429, %mul3A_435 : vector<16xf32>
      %mul3A_437 = arith.mulf %min3A_432, %sub3A_436 : vector<16xf32>
      %shift_right_logical3A_438 = arith.constant 11 : i32
      %shift_right_logical3A_439 = vector.broadcast %shift_right_logical3A_438 : i32 to vector<16xi32>
      %shift_right_logical3A_440 = arith.shrui %get3A_93, %shift_right_logical3A_439 : vector<16xi32>
      %and3A_441 = arith.constant 1 : i32
      %and3A_442 = vector.broadcast %and3A_441 : i32 to vector<16xi32>
      %and3A_443 = arith.andi %shift_right_logical3A_440, %and3A_442 : vector<16xi32>
      %convert_element_type3A_444 = arith.uitofp %and3A_443 : vector<16xi32> to vector<16xf32>
      %mul3A_445 = arith.mulf %mul3A_437, %convert_element_type3A_444 : vector<16xf32>
      %add3A_446 = arith.addf %add3A_416, %mul3A_445 : vector<16xf32>
      %add3A_447 = arith.addf %add3A_417, %convert_element_type3A_444 : vector<16xf32>
      %get3A_448 = arith.constant 12 : i32
      %get3A_449 = arith.index_cast %get3A_448 : i32 to index
      %get3A_450 = arith.index_cast %mul3A_91 : i32 to index
      %get3A_451 = tpu.vector_load %arg7[%get3A_449, %get3A_450] {strides = array<i32>} : memref<32x512xf32, #tpu.memory_space<vmem>>, vector<1x16xf32>,
      %get3A_452 = vector.shape_cast %get3A_451 : vector<1x16xf32> to vector<16xf32>
      %get3A_453 = arith.constant 12 : i32
      %get3A_454 = arith.index_cast %get3A_453 : i32 to index
      %get3A_455 = arith.index_cast %mul3A_91 : i32 to index
      %get3A_456 = tpu.vector_load %arg9[%get3A_454, %get3A_455] {strides = array<i32>} : memref<32x512xf32, #tpu.memory_space<vmem>>, vector<1x16xf32>,
      %get3A_457 = vector.shape_cast %get3A_456 : vector<1x16xf32> to vector<16xf32>
      %sub3A_458 = arith.subf %get3A_452, %get3A_457 : vector<16xf32>
      %abs3A_459 = math.absf %sub3A_458 : vector<16xf32>
      %min3A_460 = arith.constant 1.000000e+00 : f32
      %min3A_461 = vector.broadcast %min3A_460 : f32 to vector<16xf32>
      %min3A_462 = arith.minimumf %abs3A_459, %min3A_461 : vector<16xf32>
      %mul3A_463 = arith.constant 5.000000e-01 : f32
      %mul3A_464 = vector.broadcast %mul3A_463 : f32 to vector<16xf32>
      %mul3A_465 = arith.mulf %mul3A_464, %min3A_462 : vector<16xf32>
      %sub3A_466 = arith.subf %abs3A_459, %mul3A_465 : vector<16xf32>
      %mul3A_467 = arith.mulf %min3A_462, %sub3A_466 : vector<16xf32>
      %shift_right_logical3A_468 = arith.constant 12 : i32
      %shift_right_logical3A_469 = vector.broadcast %shift_right_logical3A_468 : i32 to vector<16xi32>
      %shift_right_logical3A_470 = arith.shrui %get3A_93, %shift_right_logical3A_469 : vector<16xi32>
      %and3A_471 = arith.constant 1 : i32
      %and3A_472 = vector.broadcast %and3A_471 : i32 to vector<16xi32>
      %and3A_473 = arith.andi %shift_right_logical3A_470, %and3A_472 : vector<16xi32>
      %convert_element_type3A_474 = arith.uitofp %and3A_473 : vector<16xi32> to vector<16xf32>
      %mul3A_475 = arith.mulf %mul3A_467, %convert_element_type3A_474 : vector<16xf32>
      %add3A_476 = arith.addf %add3A_446, %mul3A_475 : vector<16xf32>
      %add3A_477 = arith.addf %add3A_447, %convert_element_type3A_474 : vector<16xf32>
      %get3A_478 = arith.constant 13 : i32
      %get3A_479 = arith.index_cast %get3A_478 : i32 to index
      %get3A_480 = arith.index_cast %mul3A_91 : i32 to index
      %get3A_481 = tpu.vector_load %arg7[%get3A_479, %get3A_480] {strides = array<i32>} : memref<32x512xf32, #tpu.memory_space<vmem>>, vector<1x16xf32>,
      %get3A_482 = vector.shape_cast %get3A_481 : vector<1x16xf32> to vector<16xf32>
      %get3A_483 = arith.constant 13 : i32
      %get3A_484 = arith.index_cast %get3A_483 : i32 to index
      %get3A_485 = arith.index_cast %mul3A_91 : i32 to index
      %get3A_486 = tpu.vector_load %arg9[%get3A_484, %get3A_485] {strides = array<i32>} : memref<32x512xf32, #tpu.memory_space<vmem>>, vector<1x16xf32>,
      %get3A_487 = vector.shape_cast %get3A_486 : vector<1x16xf32> to vector<16xf32>
      %sub3A_488 = arith.subf %get3A_482, %get3A_487 : vector<16xf32>
      %abs3A_489 = math.absf %sub3A_488 : vector<16xf32>
      %min3A_490 = arith.constant 1.000000e+00 : f32
      %min3A_491 = vector.broadcast %min3A_490 : f32 to vector<16xf32>
      %min3A_492 = arith.minimumf %abs3A_489, %min3A_491 : vector<16xf32>
      %mul3A_493 = arith.constant 5.000000e-01 : f32
      %mul3A_494 = vector.broadcast %mul3A_493 : f32 to vector<16xf32>
      %mul3A_495 = arith.mulf %mul3A_494, %min3A_492 : vector<16xf32>
      %sub3A_496 = arith.subf %abs3A_489, %mul3A_495 : vector<16xf32>
      %mul3A_497 = arith.mulf %min3A_492, %sub3A_496 : vector<16xf32>
      %shift_right_logical3A_498 = arith.constant 13 : i32
      %shift_right_logical3A_499 = vector.broadcast %shift_right_logical3A_498 : i32 to vector<16xi32>
      %shift_right_logical3A_500 = arith.shrui %get3A_93, %shift_right_logical3A_499 : vector<16xi32>
      %and3A_501 = arith.constant 1 : i32
      %and3A_502 = vector.broadcast %and3A_501 : i32 to vector<16xi32>
      %and3A_503 = arith.andi %shift_right_logical3A_500, %and3A_502 : vector<16xi32>
      %convert_element_type3A_504 = arith.uitofp %and3A_503 : vector<16xi32> to vector<16xf32>
      %mul3A_505 = arith.mulf %mul3A_497, %convert_element_type3A_504 : vector<16xf32>
      %add3A_506 = arith.addf %add3A_476, %mul3A_505 : vector<16xf32>
      %add3A_507 = arith.addf %add3A_477, %convert_element_type3A_504 : vector<16xf32>
      %get3A_508 = arith.constant 14 : i32
      %get3A_509 = arith.index_cast %get3A_508 : i32 to index
      %get3A_510 = arith.index_cast %mul3A_91 : i32 to index
      %get3A_511 = tpu.vector_load %arg7[%get3A_509, %get3A_510] {strides = array<i32>} : memref<32x512xf32, #tpu.memory_space<vmem>>, vector<1x16xf32>,
      %get3A_512 = vector.shape_cast %get3A_511 : vector<1x16xf32> to vector<16xf32>
      %get3A_513 = arith.constant 14 : i32
      %get3A_514 = arith.index_cast %get3A_513 : i32 to index
      %get3A_515 = arith.index_cast %mul3A_91 : i32 to index
      %get3A_516 = tpu.vector_load %arg9[%get3A_514, %get3A_515] {strides = array<i32>} : memref<32x512xf32, #tpu.memory_space<vmem>>, vector<1x16xf32>,
      %get3A_517 = vector.shape_cast %get3A_516 : vector<1x16xf32> to vector<16xf32>
      %sub3A_518 = arith.subf %get3A_512, %get3A_517 : vector<16xf32>
      %abs3A_519 = math.absf %sub3A_518 : vector<16xf32>
      %min3A_520 = arith.constant 1.000000e+00 : f32
      %min3A_521 = vector.broadcast %min3A_520 : f32 to vector<16xf32>
      %min3A_522 = arith.minimumf %abs3A_519, %min3A_521 : vector<16xf32>
      %mul3A_523 = arith.constant 5.000000e-01 : f32
      %mul3A_524 = vector.broadcast %mul3A_523 : f32 to vector<16xf32>
      %mul3A_525 = arith.mulf %mul3A_524, %min3A_522 : vector<16xf32>
      %sub3A_526 = arith.subf %abs3A_519, %mul3A_525 : vector<16xf32>
      %mul3A_527 = arith.mulf %min3A_522, %sub3A_526 : vector<16xf32>
      %shift_right_logical3A_528 = arith.constant 14 : i32
      %shift_right_logical3A_529 = vector.broadcast %shift_right_logical3A_528 : i32 to vector<16xi32>
      %shift_right_logical3A_530 = arith.shrui %get3A_93, %shift_right_logical3A_529 : vector<16xi32>
      %and3A_531 = arith.constant 1 : i32
      %and3A_532 = vector.broadcast %and3A_531 : i32 to vector<16xi32>
      %and3A_533 = arith.andi %shift_right_logical3A_530, %and3A_532 : vector<16xi32>
      %convert_element_type3A_534 = arith.uitofp %and3A_533 : vector<16xi32> to vector<16xf32>
      %mul3A_535 = arith.mulf %mul3A_527, %convert_element_type3A_534 : vector<16xf32>
      %add3A_536 = arith.addf %add3A_506, %mul3A_535 : vector<16xf32>
      %add3A_537 = arith.addf %add3A_507, %convert_element_type3A_534 : vector<16xf32>
      %get3A_538 = arith.constant 15 : i32
      %get3A_539 = arith.index_cast %get3A_538 : i32 to index
      %get3A_540 = arith.index_cast %mul3A_91 : i32 to index
      %get3A_541 = tpu.vector_load %arg7[%get3A_539, %get3A_540] {strides = array<i32>} : memref<32x512xf32, #tpu.memory_space<vmem>>, vector<1x16xf32>,
      %get3A_542 = vector.shape_cast %get3A_541 : vector<1x16xf32> to vector<16xf32>
      %get3A_543 = arith.constant 15 : i32
      %get3A_544 = arith.index_cast %get3A_543 : i32 to index
      %get3A_545 = arith.index_cast %mul3A_91 : i32 to index
      %get3A_546 = tpu.vector_load %arg9[%get3A_544, %get3A_545] {strides = array<i32>} : memref<32x512xf32, #tpu.memory_space<vmem>>, vector<1x16xf32>,
      %get3A_547 = vector.shape_cast %get3A_546 : vector<1x16xf32> to vector<16xf32>
      %sub3A_548 = arith.subf %get3A_542, %get3A_547 : vector<16xf32>
      %abs3A_549 = math.absf %sub3A_548 : vector<16xf32>
      %min3A_550 = arith.constant 1.000000e+00 : f32
      %min3A_551 = vector.broadcast %min3A_550 : f32 to vector<16xf32>
      %min3A_552 = arith.minimumf %abs3A_549, %min3A_551 : vector<16xf32>
      %mul3A_553 = arith.constant 5.000000e-01 : f32
      %mul3A_554 = vector.broadcast %mul3A_553 : f32 to vector<16xf32>
      %mul3A_555 = arith.mulf %mul3A_554, %min3A_552 : vector<16xf32>
      %sub3A_556 = arith.subf %abs3A_549, %mul3A_555 : vector<16xf32>
      %mul3A_557 = arith.mulf %min3A_552, %sub3A_556 : vector<16xf32>
      %shift_right_logical3A_558 = arith.constant 15 : i32
      %shift_right_logical3A_559 = vector.broadcast %shift_right_logical3A_558 : i32 to vector<16xi32>
      %shift_right_logical3A_560 = arith.shrui %get3A_93, %shift_right_logical3A_559 : vector<16xi32>
      %and3A_561 = arith.constant 1 : i32
      %and3A_562 = vector.broadcast %and3A_561 : i32 to vector<16xi32>
      %and3A_563 = arith.andi %shift_right_logical3A_560, %and3A_562 : vector<16xi32>
      %convert_element_type3A_564 = arith.uitofp %and3A_563 : vector<16xi32> to vector<16xf32>
      %mul3A_565 = arith.mulf %mul3A_557, %convert_element_type3A_564 : vector<16xf32>
      %add3A_566 = arith.addf %add3A_536, %mul3A_565 : vector<16xf32>
      %add3A_567 = arith.addf %add3A_537, %convert_element_type3A_564 : vector<16xf32>
      %get3A_568 = arith.constant 16 : i32
      %get3A_569 = arith.index_cast %get3A_568 : i32 to index
      %get3A_570 = arith.index_cast %mul3A_91 : i32 to index
      %get3A_571 = tpu.vector_load %arg7[%get3A_569, %get3A_570] {strides = array<i32>} : memref<32x512xf32, #tpu.memory_space<vmem>>, vector<1x16xf32>,
      %get3A_572 = vector.shape_cast %get3A_571 : vector<1x16xf32> to vector<16xf32>
      %get3A_573 = arith.constant 16 : i32
      %get3A_574 = arith.index_cast %get3A_573 : i32 to index
      %get3A_575 = arith.index_cast %mul3A_91 : i32 to index
      %get3A_576 = tpu.vector_load %arg9[%get3A_574, %get3A_575] {strides = array<i32>} : memref<32x512xf32, #tpu.memory_space<vmem>>, vector<1x16xf32>,
      %get3A_577 = vector.shape_cast %get3A_576 : vector<1x16xf32> to vector<16xf32>
      %sub3A_578 = arith.subf %get3A_572, %get3A_577 : vector<16xf32>
      %abs3A_579 = math.absf %sub3A_578 : vector<16xf32>
      %min3A_580 = arith.constant 1.000000e+00 : f32
      %min3A_581 = vector.broadcast %min3A_580 : f32 to vector<16xf32>
      %min3A_582 = arith.minimumf %abs3A_579, %min3A_581 : vector<16xf32>
      %mul3A_583 = arith.constant 5.000000e-01 : f32
      %mul3A_584 = vector.broadcast %mul3A_583 : f32 to vector<16xf32>
      %mul3A_585 = arith.mulf %mul3A_584, %min3A_582 : vector<16xf32>
      %sub3A_586 = arith.subf %abs3A_579, %mul3A_585 : vector<16xf32>
      %mul3A_587 = arith.mulf %min3A_582, %sub3A_586 : vector<16xf32>
      %shift_right_logical3A_588 = arith.constant 16 : i32
      %shift_right_logical3A_589 = vector.broadcast %shift_right_logical3A_588 : i32 to vector<16xi32>
      %shift_right_logical3A_590 = arith.shrui %get3A_93, %shift_right_logical3A_589 : vector<16xi32>
      %and3A_591 = arith.constant 1 : i32
      %and3A_592 = vector.broadcast %and3A_591 : i32 to vector<16xi32>
      %and3A_593 = arith.andi %shift_right_logical3A_590, %and3A_592 : vector<16xi32>
      %convert_element_type3A_594 = arith.uitofp %and3A_593 : vector<16xi32> to vector<16xf32>
      %mul3A_595 = arith.mulf %mul3A_587, %convert_element_type3A_594 : vector<16xf32>
      %add3A_596 = arith.addf %add3A_566, %mul3A_595 : vector<16xf32>
      %add3A_597 = arith.addf %add3A_567, %convert_element_type3A_594 : vector<16xf32>
      %get3A_598 = arith.constant 17 : i32
      %get3A_599 = arith.index_cast %get3A_598 : i32 to index
      %get3A_600 = arith.index_cast %mul3A_91 : i32 to index
      %get3A_601 = tpu.vector_load %arg7[%get3A_599, %get3A_600] {strides = array<i32>} : memref<32x512xf32, #tpu.memory_space<vmem>>, vector<1x16xf32>,
      %get3A_602 = vector.shape_cast %get3A_601 : vector<1x16xf32> to vector<16xf32>
      %get3A_603 = arith.constant 17 : i32
      %get3A_604 = arith.index_cast %get3A_603 : i32 to index
      %get3A_605 = arith.index_cast %mul3A_91 : i32 to index
      %get3A_606 = tpu.vector_load %arg9[%get3A_604, %get3A_605] {strides = array<i32>} : memref<32x512xf32, #tpu.memory_space<vmem>>, vector<1x16xf32>,
      %get3A_607 = vector.shape_cast %get3A_606 : vector<1x16xf32> to vector<16xf32>
      %sub3A_608 = arith.subf %get3A_602, %get3A_607 : vector<16xf32>
      %abs3A_609 = math.absf %sub3A_608 : vector<16xf32>
      %min3A_610 = arith.constant 1.000000e+00 : f32
      %min3A_611 = vector.broadcast %min3A_610 : f32 to vector<16xf32>
      %min3A_612 = arith.minimumf %abs3A_609, %min3A_611 : vector<16xf32>
      %mul3A_613 = arith.constant 5.000000e-01 : f32
      %mul3A_614 = vector.broadcast %mul3A_613 : f32 to vector<16xf32>
      %mul3A_615 = arith.mulf %mul3A_614, %min3A_612 : vector<16xf32>
      %sub3A_616 = arith.subf %abs3A_609, %mul3A_615 : vector<16xf32>
      %mul3A_617 = arith.mulf %min3A_612, %sub3A_616 : vector<16xf32>
      %shift_right_logical3A_618 = arith.constant 17 : i32
      %shift_right_logical3A_619 = vector.broadcast %shift_right_logical3A_618 : i32 to vector<16xi32>
      %shift_right_logical3A_620 = arith.shrui %get3A_93, %shift_right_logical3A_619 : vector<16xi32>
      %and3A_621 = arith.constant 1 : i32
      %and3A_622 = vector.broadcast %and3A_621 : i32 to vector<16xi32>
      %and3A_623 = arith.andi %shift_right_logical3A_620, %and3A_622 : vector<16xi32>
      %convert_element_type3A_624 = arith.uitofp %and3A_623 : vector<16xi32> to vector<16xf32>
      %mul3A_625 = arith.mulf %mul3A_617, %convert_element_type3A_624 : vector<16xf32>
      %add3A_626 = arith.addf %add3A_596, %mul3A_625 : vector<16xf32>
      %add3A_627 = arith.addf %add3A_597, %convert_element_type3A_624 : vector<16xf32>
      %get3A_628 = arith.constant 18 : i32
      %get3A_629 = arith.index_cast %get3A_628 : i32 to index
      %get3A_630 = arith.index_cast %mul3A_91 : i32 to index
      %get3A_631 = tpu.vector_load %arg7[%get3A_629, %get3A_630] {strides = array<i32>} : memref<32x512xf32, #tpu.memory_space<vmem>>, vector<1x16xf32>,
      %get3A_632 = vector.shape_cast %get3A_631 : vector<1x16xf32> to vector<16xf32>
      %get3A_633 = arith.constant 18 : i32
      %get3A_634 = arith.index_cast %get3A_633 : i32 to index
      %get3A_635 = arith.index_cast %mul3A_91 : i32 to index
      %get3A_636 = tpu.vector_load %arg9[%get3A_634, %get3A_635] {strides = array<i32>} : memref<32x512xf32, #tpu.memory_space<vmem>>, vector<1x16xf32>,
      %get3A_637 = vector.shape_cast %get3A_636 : vector<1x16xf32> to vector<16xf32>
      %sub3A_638 = arith.subf %get3A_632, %get3A_637 : vector<16xf32>
      %abs3A_639 = math.absf %sub3A_638 : vector<16xf32>
      %min3A_640 = arith.constant 1.000000e+00 : f32
      %min3A_641 = vector.broadcast %min3A_640 : f32 to vector<16xf32>
      %min3A_642 = arith.minimumf %abs3A_639, %min3A_641 : vector<16xf32>
      %mul3A_643 = arith.constant 5.000000e-01 : f32
      %mul3A_644 = vector.broadcast %mul3A_643 : f32 to vector<16xf32>
      %mul3A_645 = arith.mulf %mul3A_644, %min3A_642 : vector<16xf32>
      %sub3A_646 = arith.subf %abs3A_639, %mul3A_645 : vector<16xf32>
      %mul3A_647 = arith.mulf %min3A_642, %sub3A_646 : vector<16xf32>
      %shift_right_logical3A_648 = arith.constant 18 : i32
      %shift_right_logical3A_649 = vector.broadcast %shift_right_logical3A_648 : i32 to vector<16xi32>
      %shift_right_logical3A_650 = arith.shrui %get3A_93, %shift_right_logical3A_649 : vector<16xi32>
      %and3A_651 = arith.constant 1 : i32
      %and3A_652 = vector.broadcast %and3A_651 : i32 to vector<16xi32>
      %and3A_653 = arith.andi %shift_right_logical3A_650, %and3A_652 : vector<16xi32>
      %convert_element_type3A_654 = arith.uitofp %and3A_653 : vector<16xi32> to vector<16xf32>
      %mul3A_655 = arith.mulf %mul3A_647, %convert_element_type3A_654 : vector<16xf32>
      %add3A_656 = arith.addf %add3A_626, %mul3A_655 : vector<16xf32>
      %add3A_657 = arith.addf %add3A_627, %convert_element_type3A_654 : vector<16xf32>
      %get3A_658 = arith.constant 19 : i32
      %get3A_659 = arith.index_cast %get3A_658 : i32 to index
      %get3A_660 = arith.index_cast %mul3A_91 : i32 to index
      %get3A_661 = tpu.vector_load %arg7[%get3A_659, %get3A_660] {strides = array<i32>} : memref<32x512xf32, #tpu.memory_space<vmem>>, vector<1x16xf32>,
      %get3A_662 = vector.shape_cast %get3A_661 : vector<1x16xf32> to vector<16xf32>
      %get3A_663 = arith.constant 19 : i32
      %get3A_664 = arith.index_cast %get3A_663 : i32 to index
      %get3A_665 = arith.index_cast %mul3A_91 : i32 to index
      %get3A_666 = tpu.vector_load %arg9[%get3A_664, %get3A_665] {strides = array<i32>} : memref<32x512xf32, #tpu.memory_space<vmem>>, vector<1x16xf32>,
      %get3A_667 = vector.shape_cast %get3A_666 : vector<1x16xf32> to vector<16xf32>
      %sub3A_668 = arith.subf %get3A_662, %get3A_667 : vector<16xf32>
      %abs3A_669 = math.absf %sub3A_668 : vector<16xf32>
      %min3A_670 = arith.constant 1.000000e+00 : f32
      %min3A_671 = vector.broadcast %min3A_670 : f32 to vector<16xf32>
      %min3A_672 = arith.minimumf %abs3A_669, %min3A_671 : vector<16xf32>
      %mul3A_673 = arith.constant 5.000000e-01 : f32
      %mul3A_674 = vector.broadcast %mul3A_673 : f32 to vector<16xf32>
      %mul3A_675 = arith.mulf %mul3A_674, %min3A_672 : vector<16xf32>
      %sub3A_676 = arith.subf %abs3A_669, %mul3A_675 : vector<16xf32>
      %mul3A_677 = arith.mulf %min3A_672, %sub3A_676 : vector<16xf32>
      %shift_right_logical3A_678 = arith.constant 19 : i32
      %shift_right_logical3A_679 = vector.broadcast %shift_right_logical3A_678 : i32 to vector<16xi32>
      %shift_right_logical3A_680 = arith.shrui %get3A_93, %shift_right_logical3A_679 : vector<16xi32>
      %and3A_681 = arith.constant 1 : i32
      %and3A_682 = vector.broadcast %and3A_681 : i32 to vector<16xi32>
      %and3A_683 = arith.andi %shift_right_logical3A_680, %and3A_682 : vector<16xi32>
      %convert_element_type3A_684 = arith.uitofp %and3A_683 : vector<16xi32> to vector<16xf32>
      %mul3A_685 = arith.mulf %mul3A_677, %convert_element_type3A_684 : vector<16xf32>
      %add3A_686 = arith.addf %add3A_656, %mul3A_685 : vector<16xf32>
      %add3A_687 = arith.addf %add3A_657, %convert_element_type3A_684 : vector<16xf32>
      %get3A_688 = arith.constant 20 : i32
      %get3A_689 = arith.index_cast %get3A_688 : i32 to index
      %get3A_690 = arith.index_cast %mul3A_91 : i32 to index
      %get3A_691 = tpu.vector_load %arg7[%get3A_689, %get3A_690] {strides = array<i32>} : memref<32x512xf32, #tpu.memory_space<vmem>>, vector<1x16xf32>,
      %get3A_692 = vector.shape_cast %get3A_691 : vector<1x16xf32> to vector<16xf32>
      %get3A_693 = arith.constant 20 : i32
      %get3A_694 = arith.index_cast %get3A_693 : i32 to index
      %get3A_695 = arith.index_cast %mul3A_91 : i32 to index
      %get3A_696 = tpu.vector_load %arg9[%get3A_694, %get3A_695] {strides = array<i32>} : memref<32x512xf32, #tpu.memory_space<vmem>>, vector<1x16xf32>,
      %get3A_697 = vector.shape_cast %get3A_696 : vector<1x16xf32> to vector<16xf32>
      %sub3A_698 = arith.subf %get3A_692, %get3A_697 : vector<16xf32>
      %abs3A_699 = math.absf %sub3A_698 : vector<16xf32>
      %min3A_700 = arith.constant 1.000000e+00 : f32
      %min3A_701 = vector.broadcast %min3A_700 : f32 to vector<16xf32>
      %min3A_702 = arith.minimumf %abs3A_699, %min3A_701 : vector<16xf32>
      %mul3A_703 = arith.constant 5.000000e-01 : f32
      %mul3A_704 = vector.broadcast %mul3A_703 : f32 to vector<16xf32>
      %mul3A_705 = arith.mulf %mul3A_704, %min3A_702 : vector<16xf32>
      %sub3A_706 = arith.subf %abs3A_699, %mul3A_705 : vector<16xf32>
      %mul3A_707 = arith.mulf %min3A_702, %sub3A_706 : vector<16xf32>
      %shift_right_logical3A_708 = arith.constant 20 : i32
      %shift_right_logical3A_709 = vector.broadcast %shift_right_logical3A_708 : i32 to vector<16xi32>
      %shift_right_logical3A_710 = arith.shrui %get3A_93, %shift_right_logical3A_709 : vector<16xi32>
      %and3A_711 = arith.constant 1 : i32
      %and3A_712 = vector.broadcast %and3A_711 : i32 to vector<16xi32>
      %and3A_713 = arith.andi %shift_right_logical3A_710, %and3A_712 : vector<16xi32>
      %convert_element_type3A_714 = arith.uitofp %and3A_713 : vector<16xi32> to vector<16xf32>
      %mul3A_715 = arith.mulf %mul3A_707, %convert_element_type3A_714 : vector<16xf32>
      %add3A_716 = arith.addf %add3A_686, %mul3A_715 : vector<16xf32>
      %add3A_717 = arith.addf %add3A_687, %convert_element_type3A_714 : vector<16xf32>
      %get3A_718 = arith.constant 21 : i32
      %get3A_719 = arith.index_cast %get3A_718 : i32 to index
      %get3A_720 = arith.index_cast %mul3A_91 : i32 to index
      %get3A_721 = tpu.vector_load %arg7[%get3A_719, %get3A_720] {strides = array<i32>} : memref<32x512xf32, #tpu.memory_space<vmem>>, vector<1x16xf32>,
      %get3A_722 = vector.shape_cast %get3A_721 : vector<1x16xf32> to vector<16xf32>
      %get3A_723 = arith.constant 21 : i32
      %get3A_724 = arith.index_cast %get3A_723 : i32 to index
      %get3A_725 = arith.index_cast %mul3A_91 : i32 to index
      %get3A_726 = tpu.vector_load %arg9[%get3A_724, %get3A_725] {strides = array<i32>} : memref<32x512xf32, #tpu.memory_space<vmem>>, vector<1x16xf32>,
      %get3A_727 = vector.shape_cast %get3A_726 : vector<1x16xf32> to vector<16xf32>
      %sub3A_728 = arith.subf %get3A_722, %get3A_727 : vector<16xf32>
      %abs3A_729 = math.absf %sub3A_728 : vector<16xf32>
      %min3A_730 = arith.constant 1.000000e+00 : f32
      %min3A_731 = vector.broadcast %min3A_730 : f32 to vector<16xf32>
      %min3A_732 = arith.minimumf %abs3A_729, %min3A_731 : vector<16xf32>
      %mul3A_733 = arith.constant 5.000000e-01 : f32
      %mul3A_734 = vector.broadcast %mul3A_733 : f32 to vector<16xf32>
      %mul3A_735 = arith.mulf %mul3A_734, %min3A_732 : vector<16xf32>
      %sub3A_736 = arith.subf %abs3A_729, %mul3A_735 : vector<16xf32>
      %mul3A_737 = arith.mulf %min3A_732, %sub3A_736 : vector<16xf32>
      %shift_right_logical3A_738 = arith.constant 21 : i32
      %shift_right_logical3A_739 = vector.broadcast %shift_right_logical3A_738 : i32 to vector<16xi32>
      %shift_right_logical3A_740 = arith.shrui %get3A_93, %shift_right_logical3A_739 : vector<16xi32>
      %and3A_741 = arith.constant 1 : i32
      %and3A_742 = vector.broadcast %and3A_741 : i32 to vector<16xi32>
      %and3A_743 = arith.andi %shift_right_logical3A_740, %and3A_742 : vector<16xi32>
      %convert_element_type3A_744 = arith.uitofp %and3A_743 : vector<16xi32> to vector<16xf32>
      %mul3A_745 = arith.mulf %mul3A_737, %convert_element_type3A_744 : vector<16xf32>
      %add3A_746 = arith.addf %add3A_716, %mul3A_745 : vector<16xf32>
      %add3A_747 = arith.addf %add3A_717, %convert_element_type3A_744 : vector<16xf32>
      %get3A_748 = arith.constant 22 : i32
      %get3A_749 = arith.index_cast %get3A_748 : i32 to index
      %get3A_750 = arith.index_cast %mul3A_91 : i32 to index
      %get3A_751 = tpu.vector_load %arg7[%get3A_749, %get3A_750] {strides = array<i32>} : memref<32x512xf32, #tpu.memory_space<vmem>>, vector<1x16xf32>,
      %get3A_752 = vector.shape_cast %get3A_751 : vector<1x16xf32> to vector<16xf32>
      %get3A_753 = arith.constant 22 : i32
      %get3A_754 = arith.index_cast %get3A_753 : i32 to index
      %get3A_755 = arith.index_cast %mul3A_91 : i32 to index
      %get3A_756 = tpu.vector_load %arg9[%get3A_754, %get3A_755] {strides = array<i32>} : memref<32x512xf32, #tpu.memory_space<vmem>>, vector<1x16xf32>,
      %get3A_757 = vector.shape_cast %get3A_756 : vector<1x16xf32> to vector<16xf32>
      %sub3A_758 = arith.subf %get3A_752, %get3A_757 : vector<16xf32>
      %abs3A_759 = math.absf %sub3A_758 : vector<16xf32>
      %min3A_760 = arith.constant 1.000000e+00 : f32
      %min3A_761 = vector.broadcast %min3A_760 : f32 to vector<16xf32>
      %min3A_762 = arith.minimumf %abs3A_759, %min3A_761 : vector<16xf32>
      %mul3A_763 = arith.constant 5.000000e-01 : f32
      %mul3A_764 = vector.broadcast %mul3A_763 : f32 to vector<16xf32>
      %mul3A_765 = arith.mulf %mul3A_764, %min3A_762 : vector<16xf32>
      %sub3A_766 = arith.subf %abs3A_759, %mul3A_765 : vector<16xf32>
      %mul3A_767 = arith.mulf %min3A_762, %sub3A_766 : vector<16xf32>
      %shift_right_logical3A_768 = arith.constant 22 : i32
      %shift_right_logical3A_769 = vector.broadcast %shift_right_logical3A_768 : i32 to vector<16xi32>
      %shift_right_logical3A_770 = arith.shrui %get3A_93, %shift_right_logical3A_769 : vector<16xi32>
      %and3A_771 = arith.constant 1 : i32
      %and3A_772 = vector.broadcast %and3A_771 : i32 to vector<16xi32>
      %and3A_773 = arith.andi %shift_right_logical3A_770, %and3A_772 : vector<16xi32>
      %convert_element_type3A_774 = arith.uitofp %and3A_773 : vector<16xi32> to vector<16xf32>
      %mul3A_775 = arith.mulf %mul3A_767, %convert_element_type3A_774 : vector<16xf32>
      %add3A_776 = arith.addf %add3A_746, %mul3A_775 : vector<16xf32>
      %add3A_777 = arith.addf %add3A_747, %convert_element_type3A_774 : vector<16xf32>
      %get3A_778 = arith.constant 23 : i32
      %get3A_779 = arith.index_cast %get3A_778 : i32 to index
      %get3A_780 = arith.index_cast %mul3A_91 : i32 to index
      %get3A_781 = tpu.vector_load %arg7[%get3A_779, %get3A_780] {strides = array<i32>} : memref<32x512xf32, #tpu.memory_space<vmem>>, vector<1x16xf32>,
      %get3A_782 = vector.shape_cast %get3A_781 : vector<1x16xf32> to vector<16xf32>
      %get3A_783 = arith.constant 23 : i32
      %get3A_784 = arith.index_cast %get3A_783 : i32 to index
      %get3A_785 = arith.index_cast %mul3A_91 : i32 to index
      %get3A_786 = tpu.vector_load %arg9[%get3A_784, %get3A_785] {strides = array<i32>} : memref<32x512xf32, #tpu.memory_space<vmem>>, vector<1x16xf32>,
      %get3A_787 = vector.shape_cast %get3A_786 : vector<1x16xf32> to vector<16xf32>
      %sub3A_788 = arith.subf %get3A_782, %get3A_787 : vector<16xf32>
      %abs3A_789 = math.absf %sub3A_788 : vector<16xf32>
      %min3A_790 = arith.constant 1.000000e+00 : f32
      %min3A_791 = vector.broadcast %min3A_790 : f32 to vector<16xf32>
      %min3A_792 = arith.minimumf %abs3A_789, %min3A_791 : vector<16xf32>
      %mul3A_793 = arith.constant 5.000000e-01 : f32
      %mul3A_794 = vector.broadcast %mul3A_793 : f32 to vector<16xf32>
      %mul3A_795 = arith.mulf %mul3A_794, %min3A_792 : vector<16xf32>
      %sub3A_796 = arith.subf %abs3A_789, %mul3A_795 : vector<16xf32>
      %mul3A_797 = arith.mulf %min3A_792, %sub3A_796 : vector<16xf32>
      %shift_right_logical3A_798 = arith.constant 23 : i32
      %shift_right_logical3A_799 = vector.broadcast %shift_right_logical3A_798 : i32 to vector<16xi32>
      %shift_right_logical3A_800 = arith.shrui %get3A_93, %shift_right_logical3A_799 : vector<16xi32>
      %and3A_801 = arith.constant 1 : i32
      %and3A_802 = vector.broadcast %and3A_801 : i32 to vector<16xi32>
      %and3A_803 = arith.andi %shift_right_logical3A_800, %and3A_802 : vector<16xi32>
      %convert_element_type3A_804 = arith.uitofp %and3A_803 : vector<16xi32> to vector<16xf32>
      %mul3A_805 = arith.mulf %mul3A_797, %convert_element_type3A_804 : vector<16xf32>
      %add3A_806 = arith.addf %add3A_776, %mul3A_805 : vector<16xf32>
      %add3A_807 = arith.addf %add3A_777, %convert_element_type3A_804 : vector<16xf32>
      %get3A_808 = arith.constant 24 : i32
      %get3A_809 = arith.index_cast %get3A_808 : i32 to index
      %get3A_810 = arith.index_cast %mul3A_91 : i32 to index
      %get3A_811 = tpu.vector_load %arg7[%get3A_809, %get3A_810] {strides = array<i32>} : memref<32x512xf32, #tpu.memory_space<vmem>>, vector<1x16xf32>,
      %get3A_812 = vector.shape_cast %get3A_811 : vector<1x16xf32> to vector<16xf32>
      %get3A_813 = arith.constant 24 : i32
      %get3A_814 = arith.index_cast %get3A_813 : i32 to index
      %get3A_815 = arith.index_cast %mul3A_91 : i32 to index
      %get3A_816 = tpu.vector_load %arg9[%get3A_814, %get3A_815] {strides = array<i32>} : memref<32x512xf32, #tpu.memory_space<vmem>>, vector<1x16xf32>,
      %get3A_817 = vector.shape_cast %get3A_816 : vector<1x16xf32> to vector<16xf32>
      %sub3A_818 = arith.subf %get3A_812, %get3A_817 : vector<16xf32>
      %abs3A_819 = math.absf %sub3A_818 : vector<16xf32>
      %min3A_820 = arith.constant 1.000000e+00 : f32
      %min3A_821 = vector.broadcast %min3A_820 : f32 to vector<16xf32>
      %min3A_822 = arith.minimumf %abs3A_819, %min3A_821 : vector<16xf32>
      %mul3A_823 = arith.constant 5.000000e-01 : f32
      %mul3A_824 = vector.broadcast %mul3A_823 : f32 to vector<16xf32>
      %mul3A_825 = arith.mulf %mul3A_824, %min3A_822 : vector<16xf32>
      %sub3A_826 = arith.subf %abs3A_819, %mul3A_825 : vector<16xf32>
      %mul3A_827 = arith.mulf %min3A_822, %sub3A_826 : vector<16xf32>
      %shift_right_logical3A_828 = arith.constant 24 : i32
      %shift_right_logical3A_829 = vector.broadcast %shift_right_logical3A_828 : i32 to vector<16xi32>
      %shift_right_logical3A_830 = arith.shrui %get3A_93, %shift_right_logical3A_829 : vector<16xi32>
      %and3A_831 = arith.constant 1 : i32
      %and3A_832 = vector.broadcast %and3A_831 : i32 to vector<16xi32>
      %and3A_833 = arith.andi %shift_right_logical3A_830, %and3A_832 : vector<16xi32>
      %convert_element_type3A_834 = arith.uitofp %and3A_833 : vector<16xi32> to vector<16xf32>
      %mul3A_835 = arith.mulf %mul3A_827, %convert_element_type3A_834 : vector<16xf32>
      %add3A_836 = arith.addf %add3A_806, %mul3A_835 : vector<16xf32>
      %add3A_837 = arith.addf %add3A_807, %convert_element_type3A_834 : vector<16xf32>
      %get3A_838 = arith.constant 25 : i32
      %get3A_839 = arith.index_cast %get3A_838 : i32 to index
      %get3A_840 = arith.index_cast %mul3A_91 : i32 to index
      %get3A_841 = tpu.vector_load %arg7[%get3A_839, %get3A_840] {strides = array<i32>} : memref<32x512xf32, #tpu.memory_space<vmem>>, vector<1x16xf32>,
      %get3A_842 = vector.shape_cast %get3A_841 : vector<1x16xf32> to vector<16xf32>
      %get3A_843 = arith.constant 25 : i32
      %get3A_844 = arith.index_cast %get3A_843 : i32 to index
      %get3A_845 = arith.index_cast %mul3A_91 : i32 to index
      %get3A_846 = tpu.vector_load %arg9[%get3A_844, %get3A_845] {strides = array<i32>} : memref<32x512xf32, #tpu.memory_space<vmem>>, vector<1x16xf32>,
      %get3A_847 = vector.shape_cast %get3A_846 : vector<1x16xf32> to vector<16xf32>
      %sub3A_848 = arith.subf %get3A_842, %get3A_847 : vector<16xf32>
      %abs3A_849 = math.absf %sub3A_848 : vector<16xf32>
      %min3A_850 = arith.constant 1.000000e+00 : f32
      %min3A_851 = vector.broadcast %min3A_850 : f32 to vector<16xf32>
      %min3A_852 = arith.minimumf %abs3A_849, %min3A_851 : vector<16xf32>
      %mul3A_853 = arith.constant 5.000000e-01 : f32
      %mul3A_854 = vector.broadcast %mul3A_853 : f32 to vector<16xf32>
      %mul3A_855 = arith.mulf %mul3A_854, %min3A_852 : vector<16xf32>
      %sub3A_856 = arith.subf %abs3A_849, %mul3A_855 : vector<16xf32>
      %mul3A_857 = arith.mulf %min3A_852, %sub3A_856 : vector<16xf32>
      %shift_right_logical3A_858 = arith.constant 25 : i32
      %shift_right_logical3A_859 = vector.broadcast %shift_right_logical3A_858 : i32 to vector<16xi32>
      %shift_right_logical3A_860 = arith.shrui %get3A_93, %shift_right_logical3A_859 : vector<16xi32>
      %and3A_861 = arith.constant 1 : i32
      %and3A_862 = vector.broadcast %and3A_861 : i32 to vector<16xi32>
      %and3A_863 = arith.andi %shift_right_logical3A_860, %and3A_862 : vector<16xi32>
      %convert_element_type3A_864 = arith.uitofp %and3A_863 : vector<16xi32> to vector<16xf32>
      %mul3A_865 = arith.mulf %mul3A_857, %convert_element_type3A_864 : vector<16xf32>
      %add3A_866 = arith.addf %add3A_836, %mul3A_865 : vector<16xf32>
      %add3A_867 = arith.addf %add3A_837, %convert_element_type3A_864 : vector<16xf32>
      %get3A_868 = arith.constant 26 : i32
      %get3A_869 = arith.index_cast %get3A_868 : i32 to index
      %get3A_870 = arith.index_cast %mul3A_91 : i32 to index
      %get3A_871 = tpu.vector_load %arg7[%get3A_869, %get3A_870] {strides = array<i32>} : memref<32x512xf32, #tpu.memory_space<vmem>>, vector<1x16xf32>,
      %get3A_872 = vector.shape_cast %get3A_871 : vector<1x16xf32> to vector<16xf32>
      %get3A_873 = arith.constant 26 : i32
      %get3A_874 = arith.index_cast %get3A_873 : i32 to index
      %get3A_875 = arith.index_cast %mul3A_91 : i32 to index
      %get3A_876 = tpu.vector_load %arg9[%get3A_874, %get3A_875] {strides = array<i32>} : memref<32x512xf32, #tpu.memory_space<vmem>>, vector<1x16xf32>,
      %get3A_877 = vector.shape_cast %get3A_876 : vector<1x16xf32> to vector<16xf32>
      %sub3A_878 = arith.subf %get3A_872, %get3A_877 : vector<16xf32>
      %abs3A_879 = math.absf %sub3A_878 : vector<16xf32>
      %min3A_880 = arith.constant 1.000000e+00 : f32
      %min3A_881 = vector.broadcast %min3A_880 : f32 to vector<16xf32>
      %min3A_882 = arith.minimumf %abs3A_879, %min3A_881 : vector<16xf32>
      %mul3A_883 = arith.constant 5.000000e-01 : f32
      %mul3A_884 = vector.broadcast %mul3A_883 : f32 to vector<16xf32>
      %mul3A_885 = arith.mulf %mul3A_884, %min3A_882 : vector<16xf32>
      %sub3A_886 = arith.subf %abs3A_879, %mul3A_885 : vector<16xf32>
      %mul3A_887 = arith.mulf %min3A_882, %sub3A_886 : vector<16xf32>
      %shift_right_logical3A_888 = arith.constant 26 : i32
      %shift_right_logical3A_889 = vector.broadcast %shift_right_logical3A_888 : i32 to vector<16xi32>
      %shift_right_logical3A_890 = arith.shrui %get3A_93, %shift_right_logical3A_889 : vector<16xi32>
      %and3A_891 = arith.constant 1 : i32
      %and3A_892 = vector.broadcast %and3A_891 : i32 to vector<16xi32>
      %and3A_893 = arith.andi %shift_right_logical3A_890, %and3A_892 : vector<16xi32>
      %convert_element_type3A_894 = arith.uitofp %and3A_893 : vector<16xi32> to vector<16xf32>
      %mul3A_895 = arith.mulf %mul3A_887, %convert_element_type3A_894 : vector<16xf32>
      %add3A_896 = arith.addf %add3A_866, %mul3A_895 : vector<16xf32>
      %add3A_897 = arith.addf %add3A_867, %convert_element_type3A_894 : vector<16xf32>
      %get3A_898 = arith.constant 27 : i32
      %get3A_899 = arith.index_cast %get3A_898 : i32 to index
      %get3A_900 = arith.index_cast %mul3A_91 : i32 to index
      %get3A_901 = tpu.vector_load %arg7[%get3A_899, %get3A_900] {strides = array<i32>} : memref<32x512xf32, #tpu.memory_space<vmem>>, vector<1x16xf32>,
      %get3A_902 = vector.shape_cast %get3A_901 : vector<1x16xf32> to vector<16xf32>
      %get3A_903 = arith.constant 27 : i32
      %get3A_904 = arith.index_cast %get3A_903 : i32 to index
      %get3A_905 = arith.index_cast %mul3A_91 : i32 to index
      %get3A_906 = tpu.vector_load %arg9[%get3A_904, %get3A_905] {strides = array<i32>} : memref<32x512xf32, #tpu.memory_space<vmem>>, vector<1x16xf32>,
      %get3A_907 = vector.shape_cast %get3A_906 : vector<1x16xf32> to vector<16xf32>
      %sub3A_908 = arith.subf %get3A_902, %get3A_907 : vector<16xf32>
      %abs3A_909 = math.absf %sub3A_908 : vector<16xf32>
      %min3A_910 = arith.constant 1.000000e+00 : f32
      %min3A_911 = vector.broadcast %min3A_910 : f32 to vector<16xf32>
      %min3A_912 = arith.minimumf %abs3A_909, %min3A_911 : vector<16xf32>
      %mul3A_913 = arith.constant 5.000000e-01 : f32
      %mul3A_914 = vector.broadcast %mul3A_913 : f32 to vector<16xf32>
      %mul3A_915 = arith.mulf %mul3A_914, %min3A_912 : vector<16xf32>
      %sub3A_916 = arith.subf %abs3A_909, %mul3A_915 : vector<16xf32>
      %mul3A_917 = arith.mulf %min3A_912, %sub3A_916 : vector<16xf32>
      %shift_right_logical3A_918 = arith.constant 27 : i32
      %shift_right_logical3A_919 = vector.broadcast %shift_right_logical3A_918 : i32 to vector<16xi32>
      %shift_right_logical3A_920 = arith.shrui %get3A_93, %shift_right_logical3A_919 : vector<16xi32>
      %and3A_921 = arith.constant 1 : i32
      %and3A_922 = vector.broadcast %and3A_921 : i32 to vector<16xi32>
      %and3A_923 = arith.andi %shift_right_logical3A_920, %and3A_922 : vector<16xi32>
      %convert_element_type3A_924 = arith.uitofp %and3A_923 : vector<16xi32> to vector<16xf32>
      %mul3A_925 = arith.mulf %mul3A_917, %convert_element_type3A_924 : vector<16xf32>
      %add3A_926 = arith.addf %add3A_896, %mul3A_925 : vector<16xf32>
      %add3A_927 = arith.addf %add3A_897, %convert_element_type3A_924 : vector<16xf32>
      %get3A_928 = arith.constant 28 : i32
      %get3A_929 = arith.index_cast %get3A_928 : i32 to index
      %get3A_930 = arith.index_cast %mul3A_91 : i32 to index
      %get3A_931 = tpu.vector_load %arg7[%get3A_929, %get3A_930] {strides = array<i32>} : memref<32x512xf32, #tpu.memory_space<vmem>>, vector<1x16xf32>,
      %get3A_932 = vector.shape_cast %get3A_931 : vector<1x16xf32> to vector<16xf32>
      %get3A_933 = arith.constant 28 : i32
      %get3A_934 = arith.index_cast %get3A_933 : i32 to index
      %get3A_935 = arith.index_cast %mul3A_91 : i32 to index
      %get3A_936 = tpu.vector_load %arg9[%get3A_934, %get3A_935] {strides = array<i32>} : memref<32x512xf32, #tpu.memory_space<vmem>>, vector<1x16xf32>,
      %get3A_937 = vector.shape_cast %get3A_936 : vector<1x16xf32> to vector<16xf32>
      %sub3A_938 = arith.subf %get3A_932, %get3A_937 : vector<16xf32>
      %abs3A_939 = math.absf %sub3A_938 : vector<16xf32>
      %min3A_940 = arith.constant 1.000000e+00 : f32
      %min3A_941 = vector.broadcast %min3A_940 : f32 to vector<16xf32>
      %min3A_942 = arith.minimumf %abs3A_939, %min3A_941 : vector<16xf32>
      %mul3A_943 = arith.constant 5.000000e-01 : f32
      %mul3A_944 = vector.broadcast %mul3A_943 : f32 to vector<16xf32>
      %mul3A_945 = arith.mulf %mul3A_944, %min3A_942 : vector<16xf32>
      %sub3A_946 = arith.subf %abs3A_939, %mul3A_945 : vector<16xf32>
      %mul3A_947 = arith.mulf %min3A_942, %sub3A_946 : vector<16xf32>
      %shift_right_logical3A_948 = arith.constant 28 : i32
      %shift_right_logical3A_949 = vector.broadcast %shift_right_logical3A_948 : i32 to vector<16xi32>
      %shift_right_logical3A_950 = arith.shrui %get3A_93, %shift_right_logical3A_949 : vector<16xi32>
      %and3A_951 = arith.constant 1 : i32
      %and3A_952 = vector.broadcast %and3A_951 : i32 to vector<16xi32>
      %and3A_953 = arith.andi %shift_right_logical3A_950, %and3A_952 : vector<16xi32>
      %convert_element_type3A_954 = arith.uitofp %and3A_953 : vector<16xi32> to vector<16xf32>
      %mul3A_955 = arith.mulf %mul3A_947, %convert_element_type3A_954 : vector<16xf32>
      %add3A_956 = arith.addf %add3A_926, %mul3A_955 : vector<16xf32>
      %add3A_957 = arith.addf %add3A_927, %convert_element_type3A_954 : vector<16xf32>
      %get3A_958 = arith.constant 29 : i32
      %get3A_959 = arith.index_cast %get3A_958 : i32 to index
      %get3A_960 = arith.index_cast %mul3A_91 : i32 to index
      %get3A_961 = tpu.vector_load %arg7[%get3A_959, %get3A_960] {strides = array<i32>} : memref<32x512xf32, #tpu.memory_space<vmem>>, vector<1x16xf32>,
      %get3A_962 = vector.shape_cast %get3A_961 : vector<1x16xf32> to vector<16xf32>
      %get3A_963 = arith.constant 29 : i32
      %get3A_964 = arith.index_cast %get3A_963 : i32 to index
      %get3A_965 = arith.index_cast %mul3A_91 : i32 to index
      %get3A_966 = tpu.vector_load %arg9[%get3A_964, %get3A_965] {strides = array<i32>} : memref<32x512xf32, #tpu.memory_space<vmem>>, vector<1x16xf32>,
      %get3A_967 = vector.shape_cast %get3A_966 : vector<1x16xf32> to vector<16xf32>
      %sub3A_968 = arith.subf %get3A_962, %get3A_967 : vector<16xf32>
      %abs3A_969 = math.absf %sub3A_968 : vector<16xf32>
      %min3A_970 = arith.constant 1.000000e+00 : f32
      %min3A_971 = vector.broadcast %min3A_970 : f32 to vector<16xf32>
      %min3A_972 = arith.minimumf %abs3A_969, %min3A_971 : vector<16xf32>
      %mul3A_973 = arith.constant 5.000000e-01 : f32
      %mul3A_974 = vector.broadcast %mul3A_973 : f32 to vector<16xf32>
      %mul3A_975 = arith.mulf %mul3A_974, %min3A_972 : vector<16xf32>
      %sub3A_976 = arith.subf %abs3A_969, %mul3A_975 : vector<16xf32>
      %mul3A_977 = arith.mulf %min3A_972, %sub3A_976 : vector<16xf32>
      %shift_right_logical3A_978 = arith.constant 29 : i32
      %shift_right_logical3A_979 = vector.broadcast %shift_right_logical3A_978 : i32 to vector<16xi32>
      %shift_right_logical3A_980 = arith.shrui %get3A_93, %shift_right_logical3A_979 : vector<16xi32>
      %and3A_981 = arith.constant 1 : i32
      %and3A_982 = vector.broadcast %and3A_981 : i32 to vector<16xi32>
      %and3A_983 = arith.andi %shift_right_logical3A_980, %and3A_982 : vector<16xi32>
      %convert_element_type3A_984 = arith.uitofp %and3A_983 : vector<16xi32> to vector<16xf32>
      %mul3A_985 = arith.mulf %mul3A_977, %convert_element_type3A_984 : vector<16xf32>
      %add3A_986 = arith.addf %add3A_956, %mul3A_985 : vector<16xf32>
      %add3A_987 = arith.addf %add3A_957, %convert_element_type3A_984 : vector<16xf32>
      %get3A_988 = arith.constant 30 : i32
      %get3A_989 = arith.index_cast %get3A_988 : i32 to index
      %get3A_990 = arith.index_cast %mul3A_91 : i32 to index
      %get3A_991 = tpu.vector_load %arg7[%get3A_989, %get3A_990] {strides = array<i32>} : memref<32x512xf32, #tpu.memory_space<vmem>>, vector<1x16xf32>,
      %get3A_992 = vector.shape_cast %get3A_991 : vector<1x16xf32> to vector<16xf32>
      %get3A_993 = arith.constant 30 : i32
      %get3A_994 = arith.index_cast %get3A_993 : i32 to index
      %get3A_995 = arith.index_cast %mul3A_91 : i32 to index
      %get3A_996 = tpu.vector_load %arg9[%get3A_994, %get3A_995] {strides = array<i32>} : memref<32x512xf32, #tpu.memory_space<vmem>>, vector<1x16xf32>,
      %get3A_997 = vector.shape_cast %get3A_996 : vector<1x16xf32> to vector<16xf32>
      %sub3A_998 = arith.subf %get3A_992, %get3A_997 : vector<16xf32>
      %abs3A_999 = math.absf %sub3A_998 : vector<16xf32>
      %min3A_1000 = arith.constant 1.000000e+00 : f32
      %min3A_1001 = vector.broadcast %min3A_1000 : f32 to vector<16xf32>
      %min3A_1002 = arith.minimumf %abs3A_999, %min3A_1001 : vector<16xf32>
      %mul3A_1003 = arith.constant 5.000000e-01 : f32
      %mul3A_1004 = vector.broadcast %mul3A_1003 : f32 to vector<16xf32>
      %mul3A_1005 = arith.mulf %mul3A_1004, %min3A_1002 : vector<16xf32>
      %sub3A_1006 = arith.subf %abs3A_999, %mul3A_1005 : vector<16xf32>
      %mul3A_1007 = arith.mulf %min3A_1002, %sub3A_1006 : vector<16xf32>
      %shift_right_logical3A_1008 = arith.constant 30 : i32
      %shift_right_logical3A_1009 = vector.broadcast %shift_right_logical3A_1008 : i32 to vector<16xi32>
      %shift_right_logical3A_1010 = arith.shrui %get3A_93, %shift_right_logical3A_1009 : vector<16xi32>
      %and3A_1011 = arith.constant 1 : i32
      %and3A_1012 = vector.broadcast %and3A_1011 : i32 to vector<16xi32>
      %and3A_1013 = arith.andi %shift_right_logical3A_1010, %and3A_1012 : vector<16xi32>
      %convert_element_type3A_1014 = arith.uitofp %and3A_1013 : vector<16xi32> to vector<16xf32>
      %mul3A_1015 = arith.mulf %mul3A_1007, %convert_element_type3A_1014 : vector<16xf32>
      %add3A_1016 = arith.addf %add3A_986, %mul3A_1015 : vector<16xf32>
      %add3A_1017 = arith.addf %add3A_987, %convert_element_type3A_1014 : vector<16xf32>
      %get3A_1018 = arith.constant 31 : i32
      %get3A_1019 = arith.index_cast %get3A_1018 : i32 to index
      %get3A_1020 = arith.index_cast %mul3A_91 : i32 to index
      %get3A_1021 = tpu.vector_load %arg7[%get3A_1019, %get3A_1020] {strides = array<i32>} : memref<32x512xf32, #tpu.memory_space<vmem>>, vector<1x16xf32>,
      %get3A_1022 = vector.shape_cast %get3A_1021 : vector<1x16xf32> to vector<16xf32>
      %get3A_1023 = arith.constant 31 : i32
      %get3A_1024 = arith.index_cast %get3A_1023 : i32 to index
      %get3A_1025 = arith.index_cast %mul3A_91 : i32 to index
      %get3A_1026 = tpu.vector_load %arg9[%get3A_1024, %get3A_1025] {strides = array<i32>} : memref<32x512xf32, #tpu.memory_space<vmem>>, vector<1x16xf32>,
      %get3A_1027 = vector.shape_cast %get3A_1026 : vector<1x16xf32> to vector<16xf32>
      %sub3A_1028 = arith.subf %get3A_1022, %get3A_1027 : vector<16xf32>
      %abs3A_1029 = math.absf %sub3A_1028 : vector<16xf32>
      %min3A_1030 = arith.constant 1.000000e+00 : f32
      %min3A_1031 = vector.broadcast %min3A_1030 : f32 to vector<16xf32>
      %min3A_1032 = arith.minimumf %abs3A_1029, %min3A_1031 : vector<16xf32>
      %mul3A_1033 = arith.constant 5.000000e-01 : f32
      %mul3A_1034 = vector.broadcast %mul3A_1033 : f32 to vector<16xf32>
      %mul3A_1035 = arith.mulf %mul3A_1034, %min3A_1032 : vector<16xf32>
      %sub3A_1036 = arith.subf %abs3A_1029, %mul3A_1035 : vector<16xf32>
      %mul3A_1037 = arith.mulf %min3A_1032, %sub3A_1036 : vector<16xf32>
      %shift_right_logical3A_1038 = arith.constant 31 : i32
      %shift_right_logical3A_1039 = vector.broadcast %shift_right_logical3A_1038 : i32 to vector<16xi32>
      %shift_right_logical3A_1040 = arith.shrui %get3A_93, %shift_right_logical3A_1039 : vector<16xi32>
      %and3A_1041 = arith.constant 1 : i32
      %and3A_1042 = vector.broadcast %and3A_1041 : i32 to vector<16xi32>
      %and3A_1043 = arith.andi %shift_right_logical3A_1040, %and3A_1042 : vector<16xi32>
      %convert_element_type3A_1044 = arith.uitofp %and3A_1043 : vector<16xi32> to vector<16xf32>
      %mul3A_1045 = arith.mulf %mul3A_1037, %convert_element_type3A_1044 : vector<16xf32>
      %add3A_1046 = arith.addf %add3A_1016, %mul3A_1045 : vector<16xf32>
      %add3A_1047 = arith.addf %add3A_1017, %convert_element_type3A_1044 : vector<16xf32>
      scf.yield %add3A_1046, %add3A_1047 : vector<16xf32>, vector<16xf32>
    }
    %scan3A_75 = arith.constant 32 : i32
    %swap3A = arith.constant 0 : i32
    %swap3A_76 = arith.index_cast %swap3A : i32 to index
    %swap3A_77 = arith.constant 0 : index
    %swap3A_78 = tpu.vector_load %arg12[%swap3A_76, %swap3A_77] {strides = array<i32>} : memref<2x16xf32, #tpu.memory_space<vmem>>, vector<1x16xf32>,
    %swap3A_79 = vector.shape_cast %swap3A_78 : vector<1x16xf32> to vector<16xf32>
    %swap3A_80 = vector.shape_cast %scan3A_74#0 : vector<16xf32> to vector<1x16xf32>
    tpu.vector_store %arg12[%swap3A_76, %swap3A_77], %swap3A_80 {strides = array<i32>} : memref<2x16xf32, #tpu.memory_space<vmem>>, vector<1x16xf32>,
    %swap3A_81 = arith.constant 1 : i32
    %swap3A_82 = arith.index_cast %swap3A_81 : i32 to index
    %swap3A_83 = arith.constant 0 : index
    %swap3A_84 = tpu.vector_load %arg12[%swap3A_82, %swap3A_83] {strides = array<i32>} : memref<2x16xf32, #tpu.memory_space<vmem>>, vector<1x16xf32>,
    %swap3A_85 = vector.shape_cast %swap3A_84 : vector<1x16xf32> to vector<16xf32>
    %swap3A_86 = vector.shape_cast %scan3A_74#1 : vector<16xf32> to vector<1x16xf32>
    tpu.vector_store %arg12[%swap3A_82, %swap3A_83], %swap3A_86 {strides = array<i32>} : memref<2x16xf32, #tpu.memory_space<vmem>>, vector<1x16xf32>,
    "tpu.region"() ({
      %run_scoped3A = tpu.sem_alloc : memref<!tpu.dma_semaphore, #tpu.memory_space<semaphore_mem>>
      %dma_start3A_87 = arith.constant 0 : i32
      %dma_start3A_88 = arith.constant 0 : i32
      %dma_start3A_89 = tpu.memref_slice %arg5[%add3A, %dma_start3A_87, %dma_start3A_88] : memref<32x2x16xf32, #tpu.memory_space<hbm>> -> memref<1x2x16xf32, #tpu.memory_space<hbm>>
      %dma_start3A_90 = tpu.memref_squeeze %dma_start3A_89 : memref<1x2x16xf32, #tpu.memory_space<hbm>> -> memref<2x16xf32, #tpu.memory_space<hbm>>
      %dma_start3A_91 = arith.constant 0 : i32
      %dma_start3A_92 = arith.constant 0 : i32
      %dma_start3A_93 = tpu.memref_slice %arg5[%add3A, %dma_start3A_91, %dma_start3A_92] : memref<32x2x16xf32, #tpu.memory_space<hbm>> -> memref<1x2x16xf32, #tpu.memory_space<hbm>>
      %dma_start3A_94 = tpu.memref_squeeze %dma_start3A_93 : memref<1x2x16xf32, #tpu.memory_space<hbm>> -> memref<2x16xf32, #tpu.memory_space<hbm>>
      tpu.enqueue_dma source(%arg12 : memref<2x16xf32, #tpu.memory_space<vmem>>) target(%dma_start3A_94 : memref<2x16xf32, #tpu.memory_space<hbm>>) target_semaphore(%run_scoped3A : memref<!tpu.dma_semaphore, #tpu.memory_space<semaphore_mem>>)
      %dma_wait3A_95 = arith.constant 0 : i32
      %dma_wait3A_96 = arith.constant 0 : i32
      %dma_wait3A_97 = tpu.memref_slice %arg5[%add3A, %dma_wait3A_95, %dma_wait3A_96] : memref<32x2x16xf32, #tpu.memory_space<hbm>> -> memref<1x2x16xf32, #tpu.memory_space<hbm>>
      %dma_wait3A_98 = tpu.memref_squeeze %dma_wait3A_97 : memref<1x2x16xf32, #tpu.memory_space<hbm>> -> memref<2x16xf32, #tpu.memory_space<hbm>>
      %dma_wait3A_99 = arith.constant 0 : i32
      %dma_wait3A_100 = arith.constant 0 : i32
      %dma_wait3A_101 = tpu.memref_slice %arg5[%add3A, %dma_wait3A_99, %dma_wait3A_100] : memref<32x2x16xf32, #tpu.memory_space<hbm>> -> memref<1x2x16xf32, #tpu.memory_space<hbm>>
      %dma_wait3A_102 = tpu.memref_squeeze %dma_wait3A_101 : memref<1x2x16xf32, #tpu.memory_space<hbm>> -> memref<2x16xf32, #tpu.memory_space<hbm>>
      tpu.wait_dma2 semaphore(%run_scoped3A : memref<!tpu.dma_semaphore, #tpu.memory_space<semaphore_mem>>) src(%arg12 : memref<2x16xf32, #tpu.memory_space<vmem>>) dst(%dma_wait3A_102 : memref<2x16xf32, #tpu.memory_space<hbm>>)
      tpu.yield
    }) : () -> ()
    return
  }
}

module attributes {stable_mosaic.version = 14 : i64} {
  func.func @_tc_body(%arg0: i32, %arg1: memref<1024x512xf32, #tpu.memory_space<vmem>>, %arg2: memref<1024x512xf32, #tpu.memory_space<vmem>>, %arg3: memref<1024x512xi8, #tpu.memory_space<vmem>>, %arg4: memref<1x512xf32, #tpu.memory_space<vmem>>, %arg5: memref<1x512xf32, #tpu.memory_space<vmem>>, %arg6: memref<1x2xf32, #tpu.memory_space<vmem>>) attributes {dimension_semantics = [#tpu.dimension_semantics<arbitrary>], iteration_bounds = array<i64: 6>, scalar_prefetch = 0 : i64, scratch_operands = 0 : i64, tpu.core_type = #tpu.core_type<tc>, window_params = [{transform_indices = @transform_0, window_bounds = array<i64: 1024, 512>}, {transform_indices = @transform_1, window_bounds = array<i64: 1024, 512>}, {transform_indices = @transform_2, window_bounds = array<i64: 1024, 512>}, {pipeline_mode = #tpu.pipeline_mode<synchronous>, transform_indices = @transform_3, window_bounds = array<i64: 1, 512>}, {pipeline_mode = #tpu.pipeline_mode<synchronous>, transform_indices = @transform_4, window_bounds = array<i64: 1, 512>}, {pipeline_mode = #tpu.pipeline_mode<synchronous>, transform_indices = @transform_5, window_bounds = array<i64: 1, 2>}]} {
    %eq3A = arith.constant 0 : i32
    %eq3A_0 = arith.cmpi eq, %arg0, %eq3A : i32
    %convert_element_type3A = arith.extui %eq3A_0 : i1 to i32
    %cond3A = arith.constant 0 : i32
    %cond3A_1 = arith.cmpi ne, %convert_element_type3A, %cond3A : i32
    scf.if %cond3A_1 {
      %broadcast_in_dim3A_39 = arith.constant 0.000000e+00 : f32
      %broadcast_in_dim3A_40 = vector.broadcast %broadcast_in_dim3A_39 : f32 to vector<1x512xf32>
      %swap3A_41 = arith.constant 0 : index
      %swap3A_42 = arith.constant 0 : index
      %swap3A_43 = vector.load %arg4[%swap3A_41, %swap3A_42] : memref<1x512xf32, #tpu.memory_space<vmem>>, vector<1x512xf32>
      tpu.vector_store %arg4[%swap3A_41, %swap3A_42], %broadcast_in_dim3A_40 {strides = array<i32>} : memref<1x512xf32, #tpu.memory_space<vmem>>, vector<1x512xf32>,
      %broadcast_in_dim3A_44 = arith.constant 0.000000e+00 : f32
      %broadcast_in_dim3A_45 = vector.broadcast %broadcast_in_dim3A_44 : f32 to vector<1x512xf32>
      %swap3A_46 = arith.constant 0 : index
      %swap3A_47 = arith.constant 0 : index
      %swap3A_48 = vector.load %arg5[%swap3A_46, %swap3A_47] : memref<1x512xf32, #tpu.memory_space<vmem>>, vector<1x512xf32>
      tpu.vector_store %arg5[%swap3A_46, %swap3A_47], %broadcast_in_dim3A_45 {strides = array<i32>} : memref<1x512xf32, #tpu.memory_space<vmem>>, vector<1x512xf32>,
    } else {
    }
    %get3A = arith.constant 0 : index
    %get3A_2 = arith.constant 0 : index
    %get3A_3 = vector.load %arg1[%get3A, %get3A_2] : memref<1024x512xf32, #tpu.memory_space<vmem>>, vector<1024x512xf32>
    %get3A_4 = arith.constant 0 : index
    %get3A_5 = arith.constant 0 : index
    %get3A_6 = vector.load %arg2[%get3A_4, %get3A_5] : memref<1024x512xf32, #tpu.memory_space<vmem>>, vector<1024x512xf32>
    %sub3A = arith.subf %get3A_3, %get3A_6 : vector<1024x512xf32>
    %abs3A = math.absf %sub3A : vector<1024x512xf32>
    %min3A = arith.constant 1.000000e+00 : f32
    %min3A_7 = vector.broadcast %min3A : f32 to vector<1024x512xf32>
    %min3A_8 = arith.minimumf %abs3A, %min3A_7 : vector<1024x512xf32>
    %mul3A = arith.constant 5.000000e-01 : f32
    %mul3A_9 = vector.broadcast %mul3A : f32 to vector<1024x512xf32>
    %mul3A_10 = arith.mulf %mul3A_9, %min3A_8 : vector<1024x512xf32>
    %sub3A_11 = arith.subf %abs3A, %mul3A_10 : vector<1024x512xf32>
    %mul3A_12 = arith.mulf %min3A_8, %sub3A_11 : vector<1024x512xf32>
    %get3A_13 = arith.constant 0 : index
    %get3A_14 = arith.constant 0 : index
    %get3A_15 = vector.load %arg3[%get3A_13, %get3A_14] : memref<1024x512xi8, #tpu.memory_space<vmem>>, vector<1024x512xi8>
    %convert_element_type3A_16 = arith.uitofp %get3A_15 : vector<1024x512xi8> to vector<1024x512xf32>
    %get3A_17 = arith.constant 0 : index
    %get3A_18 = arith.constant 0 : index
    %get3A_19 = vector.load %arg4[%get3A_17, %get3A_18] : memref<1x512xf32, #tpu.memory_space<vmem>>, vector<1x512xf32>
    %mul3A_20 = arith.mulf %mul3A_12, %convert_element_type3A_16 : vector<1024x512xf32>
    %reduce_sum3A = arith.constant dense<0.000000e+00> : vector<512xf32>
    %reduce_sum3A_21 = vector.multi_reduction <add>, %mul3A_20, %reduce_sum3A [0] : vector<1024x512xf32> to vector<512xf32>
    %broadcast_in_dim3A = vector.shape_cast %reduce_sum3A_21 : vector<512xf32> to vector<1x512xf32>
    %add3A = arith.addf %get3A_19, %broadcast_in_dim3A : vector<1x512xf32>
    %swap3A = arith.constant 0 : index
    %swap3A_22 = arith.constant 0 : index
    %swap3A_23 = vector.load %arg4[%swap3A, %swap3A_22] : memref<1x512xf32, #tpu.memory_space<vmem>>, vector<1x512xf32>
    tpu.vector_store %arg4[%swap3A, %swap3A_22], %add3A {strides = array<i32>} : memref<1x512xf32, #tpu.memory_space<vmem>>, vector<1x512xf32>,
    %get3A_24 = arith.constant 0 : index
    %get3A_25 = arith.constant 0 : index
    %get3A_26 = vector.load %arg5[%get3A_24, %get3A_25] : memref<1x512xf32, #tpu.memory_space<vmem>>, vector<1x512xf32>
    %reduce_sum3A_27 = arith.constant dense<0.000000e+00> : vector<512xf32>
    %reduce_sum3A_28 = vector.multi_reduction <add>, %convert_element_type3A_16, %reduce_sum3A_27 [0] : vector<1024x512xf32> to vector<512xf32>
    %broadcast_in_dim3A_29 = vector.shape_cast %reduce_sum3A_28 : vector<512xf32> to vector<1x512xf32>
    %add3A_30 = arith.addf %get3A_26, %broadcast_in_dim3A_29 : vector<1x512xf32>
    %swap3A_31 = arith.constant 0 : index
    %swap3A_32 = arith.constant 0 : index
    %swap3A_33 = vector.load %arg5[%swap3A_31, %swap3A_32] : memref<1x512xf32, #tpu.memory_space<vmem>>, vector<1x512xf32>
    tpu.vector_store %arg5[%swap3A_31, %swap3A_32], %add3A_30 {strides = array<i32>} : memref<1x512xf32, #tpu.memory_space<vmem>>, vector<1x512xf32>,
    %eq3A_34 = arith.constant 5 : i32
    %eq3A_35 = arith.cmpi eq, %arg0, %eq3A_34 : i32
    %convert_element_type3A_36 = arith.extui %eq3A_35 : i1 to i32
    %cond3A_37 = arith.constant 0 : i32
    %cond3A_38 = arith.cmpi ne, %convert_element_type3A_36, %cond3A_37 : i32
    scf.if %cond3A_38 {
      %get3A_39 = arith.constant 0 : index
      %get3A_40 = arith.constant 0 : index
      %get3A_41 = vector.load %arg4[%get3A_39, %get3A_40] : memref<1x512xf32, #tpu.memory_space<vmem>>, vector<1x512xf32>
      %reduce_sum3A_42 = vector.shape_cast %get3A_41 : vector<1x512xf32> to vector<1x1x512xf32>
      %reduce_sum3A_43 = arith.constant dense<0.000000e+00> : vector<1xf32>
      %reduce_sum3A_44 = vector.multi_reduction <add>, %reduce_sum3A_42, %reduce_sum3A_43 [1, 2] : vector<1x1x512xf32> to vector<1xf32>
      %reduce_sum3A_45 = vector.shape_cast %reduce_sum3A_44 : vector<1xf32> to vector<1x1x1xf32>
      %reduce_sum3A_46 = vector.extract %reduce_sum3A_45[0, 0, 0] : f32 from vector<1x1x1xf32>
      %get3A_47 = arith.constant 0 : index
      %get3A_48 = arith.constant 0 : index
      %get3A_49 = vector.load %arg5[%get3A_47, %get3A_48] : memref<1x512xf32, #tpu.memory_space<vmem>>, vector<1x512xf32>
      %reduce_sum3A_50 = vector.shape_cast %get3A_49 : vector<1x512xf32> to vector<1x1x512xf32>
      %reduce_sum3A_51 = arith.constant dense<0.000000e+00> : vector<1xf32>
      %reduce_sum3A_52 = vector.multi_reduction <add>, %reduce_sum3A_50, %reduce_sum3A_51 [1, 2] : vector<1x1x512xf32> to vector<1xf32>
      %reduce_sum3A_53 = vector.shape_cast %reduce_sum3A_52 : vector<1xf32> to vector<1x1x1xf32>
      %reduce_sum3A_54 = vector.extract %reduce_sum3A_53[0, 0, 0] : f32 from vector<1x1x1xf32>
      %stack3A = vector.broadcast %reduce_sum3A_46 : f32 to vector<1xf32>
      %stack3A_55 = vector.broadcast %reduce_sum3A_54 : f32 to vector<1xf32>
      %stack3A_56 = tpu.concatenate %stack3A, %stack3A_55 in 0 : vector<1xf32>, vector<1xf32> -> vector<2xf32>
      %reshape3A = vector.shape_cast %stack3A_56 : vector<2xf32> to vector<1x2xf32>
      %swap3A_57 = arith.constant 0 : index
      %swap3A_58 = arith.constant 0 : index
      %swap3A_59 = vector.load %arg6[%swap3A_57, %swap3A_58] : memref<1x2xf32, #tpu.memory_space<vmem>>, vector<1x2xf32>
      tpu.vector_store %arg6[%swap3A_57, %swap3A_58], %reshape3A {strides = array<i32>} : memref<1x2xf32, #tpu.memory_space<vmem>>, vector<1x2xf32>,
    } else {
    }
    return
  }
  func.func @transform_0(%arg0: i32) -> (i32, i32) {
    %c0_i32 = arith.constant 0 : i32
    %c0_i32_0 = arith.constant 0 : i32
    return %arg0, %c0_i32 : i32, i32
  }
  func.func @transform_1(%arg0: i32) -> (i32, i32) {
    %c0_i32 = arith.constant 0 : i32
    %c0_i32_0 = arith.constant 0 : i32
    return %arg0, %c0_i32 : i32, i32
  }
  func.func @transform_2(%arg0: i32) -> (i32, i32) {
    %c0_i32 = arith.constant 0 : i32
    %c0_i32_0 = arith.constant 0 : i32
    return %arg0, %c0_i32 : i32, i32
  }
  func.func @transform_3(%arg0: i32) -> (i32, i32) {
    %c0_i32 = arith.constant 0 : i32
    %c0_i32_0 = arith.constant 0 : i32
    %c0_i32_1 = arith.constant 0 : i32
    return %c0_i32, %c0_i32_0 : i32, i32
  }
  func.func @transform_4(%arg0: i32) -> (i32, i32) {
    %c0_i32 = arith.constant 0 : i32
    %c0_i32_0 = arith.constant 0 : i32
    %c0_i32_1 = arith.constant 0 : i32
    return %c0_i32, %c0_i32_0 : i32, i32
  }
  func.func @transform_5(%arg0: i32) -> (i32, i32) {
    %c0_i32 = arith.constant 0 : i32
    %c0_i32_0 = arith.constant 0 : i32
    %c0_i32_1 = arith.constant 0 : i32
    return %c0_i32, %c0_i32_0 : i32, i32
  }
}

</mosaic_0001>

<sc_bundles>
// kernel: kernel.4.cloned.1.call-start
scs
__scs_entry_jumppad:
0x0: {  	(pc) =	sbr.rel $0x88, $3  }
0x1: {  	(tag) =	ssettag $0x0;
	lr =	simm.s32 $0x1  }
0x2: {  	[smem:$0x3F9E] =	sst lr;
	_ =	strace $0xD0000000  }
0x3: {  	_ = 	snop  }
0x4: {  	_ = 	snop  }
0x5: {  	_ = 	snop  }
0x6: {  	_ = 	snop  }
0x7: {  	_ = 	snop  }
__scs_overlays_trampoline_lowered:
0x8: {  	[smem:$0x3FAD] =	sst s0  }
0x9: {  	[smem:$0x3FAE] =	sst s1  }
0xa: {  	[smem:$0x3FAF] =	sst s2  }
0xb: {  	[smem:$0x3FB0] =	sst s3  }
0xc: {  	[smem:$0x3FB1] =	sst s4  }
0xd: {  	[smem:$0x3FB2] =	sst s5  }
0xe: {  	[smem:$0x3FB3] =	sst s6  }
0xf: {  	[smem:$0x3FB4] =	sst s7  }
0x10: {  	[smem:$0x3FB5] =	sst s8  }
0x11: {  	[smem:$0x3FB6] =	sst s9;
	s0 =	simm.s32 @!p0 $0x0  }
0x12: {  	s1 =	sld [smem:$0x3F9C];
	s0 =	simm.s32 @p0 $0x1  }
0x13: {  	[smem:$0x3FB7] =	sst s0;
	s0 =	simm.s32 @!p1 $0x0  }
0x14: {  	s2 =	sld [smem:$0x3F9B];
	s0 =	simm.s32 @p1 $0x1  }
0x15: {  	[smem:$0x3FB8] =	sst s0;
	s0 =	simm.s32 @!p2 $0x0  }
0x16: {  	s3 =	sld [smem:$0x3FDB];
	s0 =	simm.s32 @p2 $0x1  }
0x17: {  	s4 =	simm.s32 $0x1BF5;
	[smem:$0x3FBA] =	sst s0  }
0x18: {  	s0 =	sld [smem:$0x3F9D];
	_ =	swait.ge [sflag:s4], $0x0  }
0x19: {  	s7 =	sld [smem:$0x3F9E]  }
0x1a: {  	s8 =	sadd.s32 $0xFFFFE003, lr  }
0x1b: {  	s9 =	sadd.s32 $0xFFFFFEF7, lr;
	s5 =	simm.s32 $0xFFFFFFFF;
	p2 =	slt.u32 s8, $0xFFFFF086  }
0x1c: {  	p1 =	slt.u32 s9, $0xF7A;
	s5 =	simm.s32 @!p2 $0x0  }
0x1d: {  	s5 =	simm.s32 @p1 $0x1;
	p0 =	seq.s32 s7, s2  }
0x1e: {  	s7 =	smul.u32 @!p0 $0xF7A, s2;
	p2 =	seq.s32 @!p0 s5, $0x0  }
0x1f: {  	s9 =	smul.u32 $0xF7A, s1;
	s8 =	simm.s32 @!p0 $0x1BF5;
	p2 =	por !p2, p0  }
0x20: {  	[sflag:s8] =	ssyncset.s32 @!p0 $0xFFFFF086;
	s6 =	sadd.s32 @!p0 s3, s7;
	s7 =	simm.s32 @!p0 $0x108  }
0x21: {  	s3 =	sadd.s32 s3, s9;
	s6 =	sadd.s32 @!p0 $0x88, s6;
	s7 =	simm.s32 @p2 $0x1082  }
0x22: {  	[simem:s7], [sflag:s8] =	dma.local @!p0 [hbm:s6], $0xF7A  }
0x23: {  	s9 =	sor.u32 $0xD0000000, s2;
	s6 =	simm.s32 $0x108;
	_ =	swait.ge @!p0 [sflag:s8], $0x0  }
0x24: {  	s3 =	sadd.s32 $0x88, s3;
	s6 =	simm.s32 @!p1 $0x1082;
	[sflag:s4] =	ssyncset.s32 $0xFFFFF086  }
0x25: {  	[simem:s6], [sflag:s4] =	dma.local [hbm:s3], $0xF7A  }
0x26: {  	[smem:$0x3F9E] =	sst s1;
	(tag) =	ssettag s2;
	_ =	strace s9  }
0x27: {  	s1 =	sld [smem:$0x3FAE]  }
0x28: {  	s2 =	sld [smem:$0x3FAF]  }
0x29: {  	s4 =	sld [smem:$0x3FB1]  }
0x2a: {  	p0 =	seq.s32 s5, $0x0;
	s5 =	sld [smem:$0x3FB2]  }
0x2b: {  	s6 =	sld [smem:$0x3FB3]  }
0x2c: {  	s7 =	sld [smem:$0x3FB4]  }
0x2d: {  	s3 =	simm.s32 $0x108;
	s8 =	sld [smem:$0x3FB5]  }
0x2e: {  	s3 =	simm.s32 @!p0 $0x1082;
	s9 =	sld [smem:$0x3FB6]  }
0x2f: {  	lr =	sadd.s32 s0, s3;
	s0 =	sld [smem:$0x3FAD]  }
0x30: {  	s3 =	sld [smem:$0x3FB0]  }
0x31: {  	[smem:$0x3FB9] =	sst s10  }
0x32: {  	s10 =	sld [smem:$0x3FB7];
	_ =	sdelay $0x3  }
0x33: {  	p0 =	seq.s32 s10, $0x1;
	s10 =	sld [smem:$0x3FB9];
	_ =	sdelay $0x3  }
0x34: {  	[smem:$0x3FB9] =	sst s10  }
0x35: {  	s10 =	sld [smem:$0x3FB8];
	_ =	sdelay $0x3  }
0x36: {  	p1 =	seq.s32 s10, $0x1;
	s10 =	sld [smem:$0x3FB9];
	_ =	sdelay $0x3  }
0x37: {  	[smem:$0x3FB9] =	sst s10  }
0x38: {  	s10 =	sld [smem:$0x3FBA]  }
0x39: {  	_ = 	snop;
	(pc) =	sbr.ind lr, $3  }
0x3a: {  	_ = 	snop  }
0x3b: {  	_ = 	snop  }
0x3c: {  	p2 =	seq.s32 s10, $0x1;
	s10 =	sld [smem:$0x3FB9]  }
0x3d: {  	_ =	shalt  }
0x3e: {  	_ =	shalt  }
0x3f: {  	_ =	shalt  }
0x40: {  	_ =	shalt  }
0x41: {  	_ =	shalt  }
0x42: {  	_ =	shalt  }
0x43: {  	_ =	shalt  }
0x44: {  	_ =	shalt  }
0x45: {  	_ =	shalt  }
0x46: {  	_ =	shalt  }
0x47: {  	_ =	shalt  }
0x48: {  	_ =	shalt  }
0x49: {  	_ =	shalt  }
0x4a: {  	_ =	shalt  }
0x4b: {  	_ =	shalt  }
0x4c: {  	_ =	shalt  }
0x4d: {  	_ =	shalt  }
0x4e: {  	_ =	shalt  }
0x4f: {  	_ =	shalt  }
0x50: {  	_ =	shalt  }
0x51: {  	_ =	shalt  }
0x52: {  	_ =	shalt  }
0x53: {  	_ =	shalt  }
0x54: {  	_ =	shalt  }
0x55: {  	_ =	shalt  }
0x56: {  	_ =	shalt  }
0x57: {  	_ =	shalt  }
0x58: {  	_ =	shalt  }
0x59: {  	_ =	shalt  }
0x5a: {  	_ =	shalt  }
0x5b: {  	_ =	shalt  }
0x5c: {  	_ =	shalt  }
0x5d: {  	_ =	shalt  }
0x5e: {  	_ =	shalt  }
0x5f: {  	_ =	shalt  }
0x60: {  	_ =	shalt  }
0x61: {  	_ =	shalt  }
0x62: {  	_ =	shalt  }
0x63: {  	_ =	shalt  }
0x64: {  	_ =	shalt  }
0x65: {  	_ =	shalt  }
0x66: {  	_ =	shalt  }
0x67: {  	_ =	shalt  }
0x68: {  	_ =	shalt  }
0x69: {  	_ =	shalt  }
0x6a: {  	_ =	shalt  }
0x6b: {  	_ =	shalt  }
0x6c: {  	_ =	shalt  }
0x6d: {  	_ =	shalt  }
0x6e: {  	_ =	shalt  }
0x6f: {  	_ =	shalt  }
0x70: {  	_ =	shalt  }
0x71: {  	_ =	shalt  }
0x72: {  	_ =	shalt  }
0x73: {  	_ =	shalt  }
0x74: {  	_ =	shalt  }
0x75: {  	_ =	shalt  }
0x76: {  	_ =	shalt  }
0x77: {  	_ =	shalt  }
0x78: {  	_ =	shalt  }
0x79: {  	_ =	shalt  }
0x7a: {  	_ =	shalt  }
0x7b: {  	_ =	shalt  }
0x7c: {  	_ =	shalt  }
0x7d: {  	_ =	shalt  }
0x7e: {  	_ =	shalt  }
0x7f: {  	_ =	shalt  }
0x80: {  	_ =	shalt  }
0x81: {  	_ =	shalt  }
0x82: {  	_ =	shalt  }
0x83: {  	_ =	shalt  }
0x84: {  	_ =	shalt  }
0x85: {  	_ =	shalt  }
0x86: {  	_ =	shalt  }
0x87: {  	_ =	shalt  }
.Lfunc_end0:
.L_simem_size_0:
called_computation_lowered:
.L_overlay_start_0:
0x88: {  	s2 =	sld [smem:$0x3FD9]  }
0x89: {  	s3 =	sld [smem:$0x3FFE];
	_ =	sdelay $0x1  }
0x8a: {  	s1 =	srdreg.scid  }
0x8b: {  	s0 =	sand.u32 $0x1, s1  }
0x8c: {  	s17 =	sshll.u32 s0, $0xA;
	s2 =	sadd.s32 s3, s2  }
0x8d: {  	s2 =	sadd.s32 s2, s17  }
0x8e: {  	[smem:$0x3FC5] =	sst s2  }
0x8f: {  	_ = 	snop  }
0x90: {  	s2 =	sld [smem:$0x3FC9]  }
0x91: {  	s18 =	sld [smem:$0x3FC8];
	(tm) =	ssettm $0x1  }
0x92: {  	s4 =	sld [smem:$0x3FFB];
	_ =	sdelay $0x3  }
0x93: {  	_ =	strace s4  }
0x94: {  	s4 =	sld [smem:$0x3FFC];
	_ =	sdelay $0x3  }
0x95: {  	_ =	strace s4  }
0x96: {  	s4 =	sld [smem:$0x3FFD];
	_ =	sdelay $0x3  }
0x97: {  	_ =	strace s4  }
0x98: {  	_ =	strace $0x8FFFFFFF  }
0x99: {  	s19 =	sld [smem:$0x3FDB];
	_ =	sdelay $0x1  }
0x9a: {  	s5 =	simm.s32 $_scs_section_size  }
0x9b: {  	s6 =	simm.s32 $_size__tile_overlayer_lowered;
	s7 =	simm.s32 $_tile_overlayer_lowered  }
0x9c: {  	s22 =	simm.s32 $0x1BFF;
	s21 =	sshll.u32 s7, $0x1;
	s4 =	sadd.s32 s5, s19  }
0x9d: {  	s8 =	simm.s32 $0x0;
	s20 =	sshll.u32 s6, $0x1;
	s6 =	sadd.s32 s21, s4  }
0x9e: {  	[timem:s8], [sflag:s22] =	dma.local [hbm:s6], s20  }
0x9f: {  	_ =	swait.ge [sflag:s22], s20  }
0xa0: {  	s5 =	ssub.s32 $0x0, s20;
	[sflag:s22] =	ssyncset.done $0x0  }
0xa1: {  	[sflag:s22] =	ssyncadd.s32 s5;
	_ =	sdelay $0x1  }
0xa2: {  	s23 =	simm.s32 $0x1B8B  }
0xa3: {  	_ =	swait.ge [sflag:s23], $0x1  }
0xa4: {  	[sflag:s23] =	ssyncset.done $0x0  }
0xa5: {  	s25 =	simm.s32 $0x1B8E;
	s24 =	sld [smem:$0x3FFE];
	[sflag:s23] =	ssyncadd.s32 $0xFFFFFFFF  }
0xa6: {  	s26 =	simm.s32 $execute0_lowered;
	[smem:$0x3FD2] =	sst s25  }
0xa7: {  	s6 =	sshll.u32 s26, $0x1;
	_ =	strace $0x80000046;
	[dreg:$0x1] =	wrdreg $0xFFFFFFFF  }
0xa8: {  	s28 =	simm.s32 $_size_execute0_lowered;
	s4 =	sadd.s32 s4, s6;
	[dreg:$0x0] =	wrdreg $0x0  }
0xa9: {  	s6 =	sshll.u32 s28, $0x1;
	[dreg:$0x2] =	wrdreg s4  }
0xaa: {  	[dreg:$0x3] =	wrdreg s6  }
0xab: {  	[dreg:$0x4] =	wrdreg $0xC0  }
0xac: {  	_ =	task [dreg:s8], $0x5FFFF  }
0xad: {  	[dreg:$0x1] =	wrdreg $0xFFFFFFFF  }
0xae: {  	[dreg:$0x0] =	wrdreg $0x60  }
0xaf: {  	[dreg:$0x2] =	wrdreg s2  }
0xb0: {  	[dreg:$0x3] =	wrdreg s18  }
0xb1: {  	[dreg:$0x4] =	wrdreg s24  }
0xb2: {  	[dreg:$0x5] =	wrdreg $0x9  }
0xb3: {  	_ =	task.clear_ibuf [dreg:s8], $0x6FFFF;
	_ =	strace $0x90000046  }
0xb4: {  	s29 =	simm.s32 $0x9;
	_ =	strace $0x80000048  }
0xb5: {  	_ =	swait.ge [sflag:s29], $0x1  }
0xb6: {  	[sflag:s29] =	ssyncadd.s32 $0xFFFFFFFF  }
0xb7: {  	_ =	strace $0x90000048  }
0xb8: {  	_ =	sfence  }
0xb9: {  	s30 =	sld [smem:$0x0];
	_ =	sdelay $0x2  }
0xba: {  	s31 =	sshll.u32 s1, $0xD;
	s1 =	sshrl.u32 s1, $0x2  }
0xbb: {  	s3 =	sand.u32 $0x4000, s31;
	s1 =	sadd.s32 s1, s30  }
0xbc: {  	s0 =	sor.u32 s3, s0;
	s1 =	sshll.u32 s1, $0x11  }
0xbd: {  	s0 =	sor.u32 s1, s0  }
0xbe: {  	s0 =	sadd.s32 $0x8F2B, s0  }
0xbf: {  	[sflag:s0] =	ssyncadd.remote.s32 $0x1  }
0xc0: {  	_ =	sfence.sel $0xFFFF  }
0xc1: {  	[dreg:$0x0] =	wrdreg $0xFFFFFFFF;
	(pc) =	sbr.abs _section_cstart, $3  }
0xc2: {  	[dreg:$0x1] =	wrdreg $0xFFFFFFFF  }
0xc3: {  	_ =	task.clear_ibuf [dreg:s8], $0x2FFFF;
	_ =	strace $0x9FFFFFFF  }
0xc4: {  	(tm) =	ssettm $0x7FFFFFFF  }
0xc5: {  	_ =	shalt  }
tec
execute0_lowered:
.L_overlay_start_1:
0x0: {  	(tag) =	ssettag $0x1  }
0x1: {  	s6 =	rddreg [dreg:$0x0]  }
0x2: {  	s7 =	rddreg [dreg:$0x1];
	s1 =	srdreg.scid  }
0x3: {  	s0 =	stileid.u32;
	s3 =	rddreg [dreg:$0x2];
	s2 =	simm.s32 $0x0  }
0x4: {  	s12 =	simm.s32 $0x4000;
	s13 =	simm.s32 $0xC000;
	s14 =	simm.s32 $0x10200  }
0x5: {  	s15 =	simm.s32 $0x1;
	s16 =	simm.s32 $0x2;
	s17 =	simm.s32 $0x10400  }
0x6: {  	s18 =	simm.s32 $0x3;
	s4 =	sand.u32 $0x1, s1;
	s1 =	rddreg [dreg:$0x3]  }
0x7: {  	s19 =	simm.s32 $0x0;
	s5 =	sshll.u32 s0, $0x1;
	[smem:$0x7FF] =	sst s2  }
0x8: {  	s5 =	sor.u32 s4, s5;
	_ =	strace $0x80000047;
	s4 =	ssub.s32 $0x2, s4  }
0x9: {  	s8 =	sshll.u32 s5, $0x7;
	s9 =	sshll.u32 s5, $0x5;
	s10 =	sshrl.u32 s4, $0x1  }
0xa: {  	s5 =	sshll.u32 s5, $0xC;
	s8 =	sadd.s32 s8, s3;
	s9 =	sadd.s32 s9, s3  }
0xb: {  	s10 =	ssub.s32 s4, s10;
	s31 =	sor.u32 $0x60000, s5;
	s11 =	sor.u32 $0x60800, s5  }
0xc: {  	s3 =	sadd.s32 s6, s31;
	s4 =	sadd.s32 s7, s31;
	s5 =	sadd.s32 $0xC00, s8  }
0xd: {  	s6 =	sadd.s32 s6, s11;
	s7 =	sadd.s32 s7, s11;
	s8 =	sadd.s32 $0xC40, s8  }
0xe: {  	s9 =	sadd.s32 $0x1C00, s9;
	s10 =	smax.u32 s10, $0x1;
	s11 =	simm.s32 $0x8000  }
.LBB2_1:
0xf: {  	[tilespmem:s2], [sflag:$0x1] =	stream.linear.gather [hbm4b:s3+s2], $0x4000, $0x38;
	[tilespmem:$0x10500] =	vst v63  }
0x10: {  	_ = 	snop  }
0x11: {  	[tilespmem:s11], [sflag:$0x1] =	stream.linear.gather [hbm4b:s4+s2], $0x4000, $0x38;
	[tilespmem:$0x10500] =	vst v63  }
0x12: {  	s20 =	simm.s32 $0x10000  }
0x13: {  	[tilespmem:s20], [sflag:$0x1] =	stream.linear.gather [hbm4b:s5+s2], $0x200, $0x38;
	[tilespmem:$0x10500] =	vst v63  }
0x14: {  	_ = 	snop  }
0x15: {  	[tilespmem:s12], [sflag:$0x2] =	stream.linear.gather [hbm4b:s6+s2], $0x4000, $0x38;
	[tilespmem:$0x10500] =	vst v63  }
0x16: {  	_ = 	snop  }
0x17: {  	[tilespmem:s13], [sflag:$0x2] =	stream.linear.gather [hbm4b:s7+s2], $0x4000, $0x38;
	[tilespmem:$0x10500] =	vst v63  }
0x18: {  	_ = 	snop  }
0x19: {  	[tilespmem:s14], [sflag:$0x2] =	stream.linear.gather [hbm4b:s8+s2], $0x200, $0x38;
	[tilespmem:$0x10500] =	vst v63  }
0x1a: {  	_ =	swait.ge [sflag:s15], $0x4000  }
0x1b: {  	[sflag:s15] =	ssyncset.done $0x0  }
0x1c: {  	[sflag:s15] =	ssyncadd.s32 $0xFFFFC000  }
0x1d: {  	_ =	swait.ge [sflag:s15], $0x4000  }
0x1e: {  	[sflag:s15] =	ssyncset.done $0x0  }
0x1f: {  	[sflag:s15] =	ssyncadd.s32 $0xFFFFC000  }
0x20: {  	_ =	swait.ge [sflag:s15], $0x200  }
0x21: {  	[sflag:s15] =	ssyncset.done $0x0  }
0x22: {  	s22 =	sor.u32 s2, s2;
	[sflag:s15] =	ssyncadd.s32 $0xFFFFFE00  }
0x23: {  	s23 =	sor.u32 $0x3380, s22;
	v0 =	vld [tilespmem:s20+$0x0]  }
0x24: {  	s21 =	sand.u32 $0x70, s2;
	s24 =	sand.u32 $0xC00, s2;
	v1 =	vld [tilespmem:s23+$0x0]  }
0x25: {  	s21 =	sor.u32 s21, s24;
	v2 =	vld [tilespmem:s23+$0x8000]  }
0x26: {  	v3 =	vld [tilespmem:s21+$0x3300]  }
0x27: {  	v4 =	vld [tilespmem:s21+$0xB300]  }
0x28: {  	v5 =	vld [tilespmem:s21+$0x3280]  }
0x29: {  	v6 =	vld [tilespmem:s21+$0xB280]  }
0x2a: {  	v8 =	vld [tilespmem:s21+$0x3200]  }
0x2b: {  	v9 =	vld [tilespmem:s21+$0xB200]  }
0x2c: {  	v12 =	vld [tilespmem:s21+$0x3100]  }
0x2d: {  	v13 =	vld [tilespmem:s21+$0xB100]  }
0x2e: {  	v11 =	vld [tilespmem:s21+$0x3080]  }
0x2f: {  	v14 =	vld [tilespmem:s21+$0xB080]  }
0x30: {  	v15 =	vld [tilespmem:s21+$0x3000]  }
0x31: {  	s25 =	sor.u32 $0x2380, s22;
	v16 =	vld [tilespmem:s21+$0xB000]  }
0x32: {  	v17 =	vld [tilespmem:s25+$0x0]  }
0x33: {  	v18 =	vld [tilespmem:s25+$0x8000]  }
0x34: {  	v19 =	vld [tilespmem:s21+$0x2300]  }
0x35: {  	v20 =	vld [tilespmem:s21+$0xA300]  }
0x36: {  	v21 =	vld [tilespmem:s21+$0x2280]  }
0x37: {  	v22 =	vld [tilespmem:s21+$0xA280]  }
0x38: {  	v23 =	vld [tilespmem:s21+$0x2200]  }
0x39: {  	v24 =	vld [tilespmem:s21+$0xA200]  }
0x3a: {  	v25 =	vld [tilespmem:s21+$0x2100]  }
0x3b: {  	v26 =	vld [tilespmem:s21+$0xA100]  }
0x3c: {  	v27 =	vld [tilespmem:s21+$0x2080]  }
0x3d: {  	v28 =	vld [tilespmem:s21+$0xA080]  }
0x3e: {  	v29 =	vld [tilespmem:s21+$0x2000]  }
0x3f: {  	s26 =	sor.u32 $0x1380, s22;
	v30 =	vld [tilespmem:s21+$0xA000]  }
0x40: {  	v31 =	vld [tilespmem:s26+$0x0]  }
0x41: {  	v32 =	vld [tilespmem:s26+$0x8000];
	v1 =	vsub.f32 v1, v2  }
0x42: {  	v35 =	vld [tilespmem:s21+$0x1280]  }
0x43: {  	v39 =	vld [tilespmem:s21+$0x1100];
	[tilespmem:$0x1FF00] =	vst v1;
	v1 =	vsub.f32 v5, v6  }
0x44: {  	s22 =	sor.u32 $0x380, s22;
	v40 =	vld [tilespmem:s21+$0x9100]  }
0x45: {  	v45 =	vld [tilespmem:s22+$0x0];
	[tilespmem:$0x1FF30] =	vst v1;
	v1 =	vsub.f32 v8, v9  }
0x46: {  	v46 =	vld [tilespmem:s22+$0x8000]  }
0x47: {  	v52 =	vld [tilespmem:s21+$0x200];
	v51 =	vshrl.u32 v0, $0x1E;
	v7 =	vshrl.u32 v0, $0x1F;
	[tilespmem:$0x1FF20] =	vst v1;
	v1 =	vsub.f32 v11, v14  }
0x48: {  	v53 =	vld [tilespmem:s21+$0x8200];
	v54 =	vshrl.u32 v0, $0x1B;
	v56 =	vshrl.u32 v0, $0x1C;
	v57 =	vshrl.u32 v0, $0x1D  }
0x49: {  	v55 =	vld [tilespmem:s21+$0x100];
	v58 =	vshrl.u32 v0, $0x1A;
	v59 =	vshrl.u32 v0, $0x17;
	[tilespmem:$0x1FF60] =	vst v1;
	v1 =	vsub.f32 v12, v13  }
0x4a: {  	v61 =	vld [tilespmem:s21+$0x8100];
	v60 =	vshrl.u32 v0, $0x18;
	v3 =	vsub.f32 v3, v4;
	v4 =	vshrl.u32 v0, $0x16;
	[tilespmem:$0x1FD90] =	vst v7  }
0x4b: {  	v62 =	vshrl.u32 v0, $0x19;
	v2 =	vld [tilespmem:s21+$0x80];
	v4 =	vand.u32 $0x1, v4;
	[tilespmem:$0x1FF10] =	vst v1;
	v1 =	vsub.f32 v15, v16  }
0x4c: {  	v63 =	vshrl.u32 v0, $0x14;
	v40 =	vsub.f32 v39, v40;
	[tilespmem:$0x1FEF0] =	vst v3;
	v6 =	vld [tilespmem:s21+$0x8080];
	v4 =	vcvt.s32.f32 v4  }
0x4d: {  	v36 =	vld [tilespmem:s21+$0x9280];
	v39 =	vshrl.u32 v0, $0xA;
	v3 =	vshrl.u32 v0, $0x11;
	[tilespmem:$0x1FF50] =	vst v1;
	v1 =	vsub.f32 v19, v20  }
0x4e: {  	s28 =	sand.u32 $0xFFFFFC00, s2;
	v33 =	vld [tilespmem:s21+$0x1300];
	v7 =	vshrl.u32 v0, $0x15;
	v5 =	vsub.f32 v52, v53;
	v3 =	vand.u32 $0x1, v3;
	[tilespmem:$0x1FE20] =	vst v4  }
0x4f: {  	v43 =	vld [tilespmem:s21+$0x1000];
	s22 =	sadd.s32 $0x0, s28;
	v8 =	vsub.f32 v55, v61;
	v4 =	vand.u32 $0x1, v39;
	[tilespmem:$0x1FF90] =	vst v1;
	v1 =	vsub.f32 v17, v18  }
0x50: {  	v44 =	vld [tilespmem:s21+$0x9000];
	s29 =	sor.u32 $0x3180, s22;
	v3 =	vcvt.s32.f32 v3;
	v14 =	vshrl.u32 v0, $0x12;
	v11 =	vsub.f32 v45, v46  }
0x51: {  	v45 =	vand.u32 $0x1, v58;
	v6 =	vsub.f32 v2, v6;
	v19 =	vld [tilespmem:s29+$0x8000];
	[tilespmem:$0x1FF40] =	vst v1;
	v1 =	vsub.f32 v21, v22  }
0x52: {  	v14 =	vand.u32 $0x1, v14;
	v13 =	vshrl.u32 v0, $0x13;
	v12 =	vsub.f32 v35, v36;
	v17 =	vld [tilespmem:s29+$0x0]  }
0x53: {  	v34 =	vld [tilespmem:s21+$0x9300];
	s30 =	sor.u32 $0x2180, s22;
	v35 =	vshrl.u32 v0, $0x7;
	v16 =	vshrl.u32 v0, $0xE;
	[tilespmem:$0x1FF80] =	vst v1;
	v1 =	vsub.f32 v23, v24  }
0x54: {  	v36 =	vshrl.u32 v0, $0x2;
	v58 =	vcvt.s32.f32 v14;
	v16 =	vand.u32 $0x1, v16;
	v22 =	vld [tilespmem:s30+$0x0]  }
0x55: {  	s31 =	sor.u32 $0x1180, s22;
	v20 =	vsub.f32 v43, v44;
	v44 =	vand.u32 $0x1, v0;
	v24 =	vld [tilespmem:s30+$0x8000];
	[tilespmem:$0x1FF70] =	vst v1;
	v1 =	vsub.f32 v27, v28  }
0x56: {  	[tilespmem:$0x1FE90] =	vst v3;
	v3 =	vcvt.s32.f32 v16;
	v18 =	vshrl.u32 v0, $0xF;
	v21 =	vshrl.u32 v0, $0x10;
	v28 =	vld [tilespmem:s31+$0x8000]  }
0x57: {  	s22 =	sor.u32 $0x180, s22;
	v23 =	vshrl.u32 v0, $0xB;
	v53 =	vsub.f32 v17, v19;
	[tilespmem:$0x1FFB0] =	vst v1;
	v1 =	vsub.f32 v25, v26;
	v26 =	vld [tilespmem:s31+$0x0]  }
0x58: {  	v43 =	vld [tilespmem:s22+$0x8000];
	v17 =	vand.u32 $0x1, v51;
	v51 =	vcvt.s32.f32 v45;
	v27 =	vshrl.u32 v0, $0xD  }
0x59: {  	v25 =	vshrl.u32 v0, $0xC;
	[tilespmem:$0x1FFC0] =	vst v1;
	v1 =	vsub.f32 v29, v30;
	v29 =	vshrl.u32 v0, $0x8;
	v30 =	vld [tilespmem:s22+$0x0]  }
0x5a: {  	[tilespmem:$0x1FEA0] =	vst v3;
	v61 =	vsub.f32 v22, v24;
	v22 =	vshrl.u32 v0, $0x4;
	v3 =	vand.u32 $0x1, v29  }
0x5b: {  	[tilespmem:$0x1FFA0] =	vst v1;
	v1 =	vsub.f32 v33, v34;
	v33 =	vshrl.u32 v0, $0x5;
	v34 =	vshrl.u32 v0, $0x6  }
0x5c: {  	[tilespmem:$0x1FE70] =	vst v58;
	v58 =	vcvt.s32.f32 v3;
	v55 =	vsub.f32 v26, v28;
	v26 =	vshrl.u32 v0, $0x3  }
0x5d: {  	v3 =	vand.u32 $0x1, v33;
	[tilespmem:$0x1FFD0] =	vst v1;
	v1 =	vsub.f32 v31, v32;
	v31 =	vshrl.u32 v0, $0x9  }
0x5e: {  	[tilespmem:$0x1FDF0] =	vst v51;
	v0 =	vshrl.u32 v0, $0x1;
	v51 =	vcvt.s32.f32 v3;
	v2 =	vsub.f32 v30, v43  }
0x5f: {  	v43 =	vcvt.s32.f32 v4;
	v4 =	vand.u32 $0x1, v36;
	v3 =	vand.u32 $0x1, v0  }
0x60: {  	v7 =	vand.u32 $0x1, v7;
	v0 =	vcvt.s32.f32 v4;
	v4 =	vcvt.s32.f32 v3;
	v3 =	vld [tilespmem:$0x1FEF0]  }
0x61: {  	v7 =	vcvt.s32.f32 v7;
	_ =	sdelay $0x1  }
0x62: {  	[tilespmem:$0x1FE40] =	vst v7;
	v7 =	vand.u32 $0x1, v23  }
0x63: {  	v28 =	vand.u32 $0x1, v60;
	v23 =	vand.u32 $0x1, v34;
	v60 =	vand.u32 $0x1, v35  }
0x64: {  	v29 =	vcvt.s32.f32 v60;
	v60 =	vcvt.s32.f32 v23;
	v23 =	vand.u32 $0x7FFFFFFF, v3;
	v3 =	vld [tilespmem:$0x1FF00];
	_ =	sdelay $0x3  }
0x65: {  	v21 =	vand.u32 $0x1, v21  }
0x66: {  	v46 =	vand.u32 $0x1, v59;
	v59 =	vcvt.s32.f32 v21;
	v21 =	vand.u32 $0x7FFFFFFF, v3;
	v3 =	vld [tilespmem:$0x1FF10];
	_ =	sdelay $0x1  }
0x67: {  	v30 =	vand.u32 $0x1, v62  }
0x68: {  	[tilespmem:$0x1FDA0] =	vst v17;
	v17 =	vand.u32 $0x1, v54;
	v54 =	vcvt.s32.f32 v30;
	_ =	sdelay $0x1  }
0x69: {  	[tilespmem:$0x1FE10] =	vst v54;
	v54 =	vand.u32 $0x7FFFFFFF, v3;
	v3 =	vld [tilespmem:$0x1FF20];
	_ =	sdelay $0x1  }
0x6a: {  	v37 =	vld [tilespmem:s21+$0x1200]  }
0x6b: {  	v38 =	vld [tilespmem:s21+$0x9200];
	v52 =	vcvt.s32.f32 v28  }
0x6c: {  	v41 =	vld [tilespmem:s21+$0x1080]  }
0x6d: {  	[tilespmem:$0x1FE00] =	vst v52;
	v52 =	vand.u32 $0x7FFFFFFF, v3;
	v3 =	vld [tilespmem:$0x1FF30]  }
0x6e: {  	v42 =	vld [tilespmem:s21+$0x9080]  }
0x6f: {  	v47 =	vld [tilespmem:s21+$0x300]  }
0x70: {  	v48 =	vld [tilespmem:s21+$0x8300];
	_ =	sdelay $0x1  }
0x71: {  	v38 =	vsub.f32 v37, v38;
	v37 =	vand.u32 $0x7FFFFFFF, v3;
	v3 =	vld [tilespmem:$0x1FF40];
	_ =	sdelay $0x1  }
0x72: {  	v24 =	vand.u32 $0x1, v57  }
0x73: {  	v10 =	vsub.f32 v41, v42;
	v42 =	vsub.f32 v47, v48;
	v9 =	vld [tilespmem:s21+$0x0];
	v48 =	vcvt.s32.f32 v24  }
0x74: {  	v15 =	vld [tilespmem:s21+$0x8000]  }
0x75: {  	[tilespmem:$0x1FDC0] =	vst v48;
	v48 =	vand.u32 $0x7FFFFFFF, v3;
	v3 =	vld [tilespmem:$0x1FF50];
	_ =	sdelay $0x4  }
0x76: {  	v9 =	vsub.f32 v9, v15;
	v15 =	vcvt.s32.f32 v44;
	v44 =	vand.u32 $0x7FFFFFFF, v3;
	v3 =	vld [tilespmem:$0x1FF60];
	_ =	sdelay $0x3  }
0x77: {  	v47 =	vand.u32 $0x1, v63  }
0x78: {  	v57 =	vcvt.s32.f32 v47;
	v47 =	vand.u32 $0x7FFFFFFF, v3;
	v3 =	vld [tilespmem:$0x1FF70];
	_ =	sdelay $0x2  }
0x79: {  	v49 =	vld [tilespmem:s21+$0x280]  }
0x7a: {  	v50 =	vld [tilespmem:s21+$0x8280]  }
0x7b: {  	v41 =	vand.u32 $0x7FFFFFFF, v3;
	v3 =	vld [tilespmem:$0x1FF80];
	_ =	sdelay $0x3  }
0x7c: {  	v19 =	vand.u32 $0x1, v56  }
0x7d: {  	[tilespmem:$0x1FFE0] =	vst v1;
	v1 =	vsub.f32 v49, v50;
	v50 =	vcvt.s32.f32 v19;
	v19 =	vand.u32 $0x7FFFFFFF, v3;
	v3 =	vld [tilespmem:$0x1FF90];
	_ =	sdelay $0x2  }
0x7e: {  	v7 =	vcvt.s32.f32 v7  }
0x7f: {  	v25 =	vand.u32 $0x1, v25  }
0x80: {  	[tilespmem:$0x1FED0] =	vst v7;
	v7 =	vcvt.s32.f32 v25;
	v25 =	vand.u32 $0x7FFFFFFF, v3;
	v3 =	vld [tilespmem:$0x1FFA0];
	_ =	sdelay $0x4  }
0x81: {  	v45 =	vand.u32 $0x7FFFFFFF, v3;
	v3 =	vld [tilespmem:$0x1FFB0];
	_ =	sdelay $0x4  }
0x82: {  	v33 =	vand.u32 $0x7FFFFFFF, v3;
	v3 =	vld [tilespmem:$0x1FFC0];
	_ =	sdelay $0x1  }
0x83: {  	v13 =	vand.u32 $0x1, v13  }
0x84: {  	v13 =	vcvt.s32.f32 v13;
	_ =	sdelay $0x1  }
0x85: {  	[tilespmem:$0x1FE50] =	vst v13;
	v30 =	vand.u32 $0x7FFFFFFF, v3;
	v3 =	vld [tilespmem:$0x1FFD0]  }
0x86: {  	[tilespmem:$0x1FDB0] =	vst v15;
	v56 =	vcvt.s32.f32 v46  }
0x87: {  	[tilespmem:$0x1FE80] =	vst v59;
	v27 =	vand.u32 $0x1, v27  }
0x88: {  	[tilespmem:$0x1FE30] =	vst v56;
	v63 =	vcvt.s32.f32 v27  }
0x89: {  	v18 =	vand.u32 $0x1, v18;
	[tilespmem:$0x1FEE0] =	vst v7;
	v7 =	vand.u32 $0x1, v22  }
0x8a: {  	v46 =	vand.u32 $0x7FFFFFFF, v12;
	[tilespmem:$0x1FEC0] =	vst v63;
	v56 =	vcvt.s32.f32 v7;
	v35 =	vand.u32 $0x7FFFFFFF, v3;
	v3 =	vld [tilespmem:$0x1FFE0]  }
0x8b: {  	[tilespmem:$0x1FE60] =	vst v57;
	v7 =	vand.u32 $0x7FFFFFFF, v11;
	v11 =	vimm.f32 $0.0e+00;
	v62 =	vcvt.s32.f32 v18  }
0x8c: {  	v59 =	vand.u32 $0x7FFFFFFF, v40;
	v63 =	vand.u32 $0x7FFFFFFF, v10;
	v10 =	vand.u32 $0x7FFFFFFF, v42;
	[tilespmem:$0x1FFF0] =	vst v11  }
0x8d: {  	v16 =	vand.u32 $0x1, v26;
	v28 =	vand.u32 $0x1, v31;
	v49 =	vcvt.s32.f32 v17;
	[tilespmem:$0x1FEB0] =	vst v62  }
0x8e: {  	v57 =	vcvt.s32.f32 v28;
	v62 =	vcvt.s32.f32 v16;
	[tilespmem:$0x1FDE0] =	vst v50;
	v50 =	vand.u32 $0x7FFFFFFF, v38  }
0x8f: {  	s21 =	simm.s32 $0x10;
	s22 =	simm.s32 $0x0;
	[tilespmem:$0x1FDD0] =	vst v49;
	v38 =	vimm.f32 $0.0e+00;
	v31 =	vand.u32 $0x7FFFFFFF, v3;
	v3 =	vand.u32 $0x7FFFFFFF, v20  }
.LBB2_2:
0x90: {  	v36 =	vmin.f32 v25, $1.000000000e+00  }
0x91: {  	[tilespmem:$0x1FBE0] =	vst v47;
	v34 =	vmin.f32 v44, $1.000000000e+00;
	v18 =	vmin.f32 v46, $1.000000000e+00;
	v12 =	vmin.f32 v35, $1.000000000e+00  }
0x92: {  	[tilespmem:$0x1FC60] =	vst v21;
	v15 =	vand.u32 $0x7FFFFFFF, v1;
	v16 =	vand.u32 $0x7FFFFFFF, v9;
	v1 =	vmin.f32 v21, $1.000000000e+00  }
0x93: {  	v11 =	vmin.f32 v31, $1.000000000e+00;
	[tilespmem:$0x1FC50] =	vst v1;
	v1 =	vmin.f32 v52, $1.000000000e+00;
	v21 =	vmin.f32 v16, $1.000000000e+00  }
0x94: {  	v42 =	vmin.f32 v50, $1.000000000e+00;
	[tilespmem:$0x1FC00] =	vst v1;
	v1 =	vmin.f32 v37, $1.000000000e+00;
	v39 =	vmul.f32 $5.000000000e-01, v21  }
0x95: {  	v22 =	vmin.f32 v3, $1.000000000e+00;
	v17 =	vand.u32 $0x7FFFFFFF, v6;
	[tilespmem:$0x1FC20] =	vst v1;
	v1 =	vmin.f32 v23, $1.000000000e+00  }
0x96: {  	[tilespmem:$0x1FC30] =	vst v1;
	v1 =	vmin.f32 v47, $1.000000000e+00;
	v47 =	vmin.f32 v17, $1.000000000e+00;
	v16 =	vsub.f32 v16, v39  }
0x97: {  	[tilespmem:$0x1FC10] =	vst v52;
	v13 =	vand.u32 $0x7FFFFFFF, v8;
	v52 =	vand.u32 $0x7FFFFFFF, v2;
	v26 =	vmul.f32 $5.000000000e-01, v47  }
0x98: {  	v27 =	vmin.f32 v13, $1.000000000e+00;
	v16 =	vmul.f32 v16, v21;
	v21 =	vmin.f32 v52, $1.000000000e+00  }
0x99: {  	v28 =	vmul.f32 $5.000000000e-01, v27;
	v39 =	vld [tilespmem:$0x1FDB0];
	v17 =	vsub.f32 v17, v26;
	v26 =	vmul.f32 $5.000000000e-01, v21  }
0x9a: {  	[tilespmem:$0x1FBC0] =	vst v44;
	v44 =	vmin.f32 v63, $1.000000000e+00;
	v24 =	vmin.f32 v7, $1.000000000e+00;
	v14 =	vand.u32 $0x7FFFFFFF, v5  }
0x9b: {  	v5 =	vand.u32 $0x7FFFFFFF, v61;
	v13 =	vsub.f32 v13, v28;
	v26 =	vsub.f32 v52, v26;
	v52 =	vld [tilespmem:$0x1FFF0]  }
0x9c: {  	[tilespmem:$0x1FBB0] =	vst v25;
	v61 =	vmin.f32 v19, $1.000000000e+00;
	v9 =	vmin.f32 v45, $1.000000000e+00;
	v25 =	vmin.f32 v14, $1.000000000e+00  }
0x9d: {  	v40 =	vmovc v19;
	v19 =	vmin.f32 v59, $1.000000000e+00;
	v13 =	vmul.f32 v13, v27;
	v27 =	vmul.f32 $5.000000000e-01, v25  }
0x9e: {  	v20 =	vand.u32 $0x7FFFFFFF, v55;
	v16 =	vmul.f32 v39, v16;
	v17 =	vmul.f32 v17, v47  }
0x9f: {  	[tilespmem:$0x1FC40] =	vst v23;
	v49 =	vmin.f32 v15, $1.000000000e+00;
	v23 =	vmin.f32 v10, $1.000000000e+00;
	v38 =	vadd.f32 v39, v38  }
0xa0: {  	v14 =	vsub.f32 v14, v27;
	v17 =	vmul.f32 v4, v17;
	v16 =	vadd.f32 v16, v52  }
0xa1: {  	v21 =	vmul.f32 v26, v21;
	v26 =	vmul.f32 $5.000000000e-01, v49;
	v4 =	vadd.f32 v4, v38  }
0xa2: {  	v13 =	vmul.f32 v0, v13;
	v39 =	vmul.f32 $5.000000000e-01, v22;
	v16 =	vadd.f32 v17, v16  }
0xa3: {  	v14 =	vmul.f32 v14, v25;
	v15 =	vsub.f32 v15, v26;
	v0 =	vadd.f32 v0, v4  }
0xa4: {  	v4 =	vmul.f32 v62, v21;
	v17 =	vmul.f32 $5.000000000e-01, v23;
	v13 =	vadd.f32 v13, v16  }
0xa5: {  	v28 =	vmin.f32 v20, $1.000000000e+00;
	v38 =	vmul.f32 v56, v14;
	v15 =	vmul.f32 v15, v49  }
0xa6: {  	v10 =	vsub.f32 v10, v17;
	v16 =	vmul.f32 $5.000000000e-01, v24;
	v4 =	vadd.f32 v4, v13  }
0xa7: {  	v3 =	vsub.f32 v3, v39;
	v0 =	vadd.f32 v62, v0;
	v47 =	vmul.f32 v51, v15  }
0xa8: {  	v10 =	vmul.f32 v10, v23;
	v7 =	vsub.f32 v7, v16;
	v4 =	vadd.f32 v38, v4  }
0xa9: {  	v3 =	vmul.f32 v3, v22;
	v49 =	vmul.f32 $5.000000000e-01, v44;
	v0 =	vadd.f32 v56, v0  }
0xaa: {  	v7 =	vmul.f32 v7, v24;
	v10 =	vmul.f32 v60, v10;
	v4 =	vadd.f32 v47, v4  }
0xab: {  	v62 =	vmul.f32 $5.000000000e-01, v28;
	v52 =	vsub.f32 v63, v49;
	v0 =	vadd.f32 v51, v0  }
0xac: {  	v56 =	vmul.f32 $5.000000000e-01, v19;
	v7 =	vmul.f32 v29, v7;
	v4 =	vadd.f32 v10, v4  }
0xad: {  	v3 =	vmul.f32 v58, v3;
	v0 =	vadd.f32 v60, v0;
	v38 =	vmul.f32 $5.000000000e-01, v42  }
0xae: {  	v60 =	vsub.f32 v59, v56;
	v10 =	vmul.f32 v52, v44;
	v4 =	vadd.f32 v7, v4  }
0xaf: {  	v8 =	vmin.f32 v33, $1.000000000e+00;
	v63 =	vsub.f32 v20, v62;
	v39 =	vsub.f32 v50, v38;
	v50 =	vld [tilespmem:$0x1FED0]  }
0xb0: {  	v7 =	vmul.f32 v60, v19;
	v3 =	vadd.f32 v3, v4;
	v4 =	vmul.f32 v57, v10  }
0xb1: {  	v6 =	vmin.f32 v30, $1.000000000e+00;
	v56 =	vld [tilespmem:$0x1FEE0];
	v0 =	vadd.f32 v29, v0;
	v44 =	vmul.f32 $5.000000000e-01, v18  }
0xb2: {  	v10 =	vmul.f32 v63, v28;
	v3 =	vadd.f32 v4, v3;
	v4 =	vmul.f32 v43, v7  }
0xb3: {  	v49 =	vmul.f32 $5.000000000e-01, v12;
	v59 =	vld [tilespmem:$0x1FEC0];
	v0 =	vadd.f32 v58, v0;
	v47 =	vsub.f32 v46, v44  }
0xb4: {  	v7 =	vmul.f32 v39, v42;
	v3 =	vadd.f32 v4, v3;
	v4 =	vmul.f32 v50, v10  }
0xb5: {  	v62 =	vld [tilespmem:$0x1FEA0];
	v51 =	vsub.f32 v35, v49;
	v52 =	vmul.f32 $5.000000000e-01, v11;
	v0 =	vadd.f32 v57, v0  }
0xb6: {  	v10 =	vmul.f32 v47, v18;
	v3 =	vadd.f32 v4, v3;
	v4 =	vmul.f32 v56, v7  }
0xb7: {  	v58 =	vmul.f32 $5.000000000e-01, v9;
	v0 =	vadd.f32 v43, v0;
	v57 =	vsub.f32 v31, v52  }
0xb8: {  	v7 =	vmul.f32 v51, v12;
	v3 =	vadd.f32 v4, v3;
	v4 =	vmul.f32 v59, v10  }
0xb9: {  	v60 =	vmul.f32 $5.000000000e-01, v8;
	v10 =	vmul.f32 v57, v11;
	v11 =	vsub.f32 v45, v58  }
0xba: {  	v63 =	vld [tilespmem:$0x1FEB0];
	v0 =	vadd.f32 v50, v0;
	v3 =	vadd.f32 v4, v3;
	v4 =	vmul.f32 v62, v7  }
0xbb: {  	v7 =	vmul.f32 v11, v9;
	v9 =	vsub.f32 v33, v60;
	v11 =	vmul.f32 $5.000000000e-01, v6;
	_ =	sdelay $0x1  }
0xbc: {  	v0 =	vadd.f32 v56, v0;
	v8 =	vmul.f32 v9, v8;
	v9 =	vsub.f32 v30, v11;
	v11 =	vld [tilespmem:$0x1FE80]  }
0xbd: {  	v2 =	vmin.f32 v5, $1.000000000e+00  }
0xbe: {  	v0 =	vadd.f32 v59, v0;
	v3 =	vadd.f32 v4, v3;
	v4 =	vmul.f32 v63, v10  }
0xbf: {  	[tilespmem:$0x1FBD0] =	vst v1;
	v1 =	vmin.f32 v54, $1.000000000e+00;
	v10 =	vmul.f32 $5.000000000e-01, v2;
	v6 =	vmul.f32 v9, v6;
	v9 =	vld [tilespmem:$0x1FE90]  }
0xc0: {  	[tilespmem:$0x1FBF0] =	vst v1;
	v1 =	vmin.f32 v41, $1.000000000e+00;
	v0 =	vadd.f32 v62, v0  }
0xc1: {  	v3 =	vadd.f32 v4, v3;
	v5 =	vsub.f32 v5, v10;
	v4 =	vmul.f32 v11, v7  }
0xc2: {  	v7 =	vmul.f32 $5.000000000e-01, v1  }
0xc3: {  	v0 =	vadd.f32 v63, v0;
	v2 =	vmul.f32 v5, v2;
	v3 =	vadd.f32 v4, v3  }
0xc4: {  	v4 =	vmul.f32 v9, v8;
	v5 =	vsub.f32 v41, v7;
	v7 =	vmul.f32 $5.000000000e-01, v61;
	v8 =	vld [tilespmem:$0x1FE70]  }
0xc5: {  	v0 =	vadd.f32 v11, v0  }
0xc6: {  	v1 =	vmul.f32 v5, v1;
	v5 =	vsub.f32 v40, v7;
	v7 =	vld [tilespmem:$0x1FE50]  }
0xc7: {  	v0 =	vadd.f32 v9, v0;
	_ =	sdelay $0x1  }
0xc8: {  	s22 =	sadd.s32 $0x80, s22;
	v0 =	vadd.f32 v8, v0  }
0xc9: {  	s23 =	sand.u32 $0x70, s21;
	s26 =	sand.u32 $0xC00, s22;
	v3 =	vadd.f32 v4, v3;
	v4 =	vmul.f32 v8, v6  }
0xca: {  	s23 =	sor.u32 s23, s26;
	v2 =	vmul.f32 v7, v2;
	v0 =	vadd.f32 v7, v0;
	v7 =	vld [tilespmem:$0x1FE60]  }
0xcb: {  	v3 =	vadd.f32 v4, v3;
	v4 =	vld [tilespmem:s23+$0xB300];
	_ =	sdelay $0x3  }
0xcc: {  	v1 =	vmul.f32 v7, v1;
	v0 =	vadd.f32 v7, v0;
	v7 =	vld [tilespmem:$0x1FE40]  }
0xcd: {  	[tilespmem:$0x1FC70] =	vst v4;
	v4 =	vmul.f32 v5, v61;
	v5 =	vld [tilespmem:$0x1FBB0];
	_ =	sdelay $0x1  }
0xce: {  	v2 =	vadd.f32 v2, v3;
	v3 =	vld [tilespmem:s23+$0xB280]  }
0xcf: {  	v6 =	vmul.f32 $5.000000000e-01, v36  }
0xd0: {  	v32 =	vmin.f32 v48, $1.000000000e+00;
	v1 =	vadd.f32 v1, v2;
	v2 =	vmul.f32 v7, v4;
	v4 =	vld [tilespmem:s23+$0xB200]  }
0xd1: {  	v5 =	vsub.f32 v5, v6;
	v6 =	vmul.f32 $5.000000000e-01, v32  }
0xd2: {  	v0 =	vadd.f32 v7, v0;
	v7 =	vld [tilespmem:$0x1FE20]  }
0xd3: {  	[tilespmem:$0x1FC90] =	vst v3;
	v3 =	vmul.f32 v5, v36;
	v5 =	vsub.f32 v48, v6  }
0xd4: {  	v8 =	vld [tilespmem:s23+$0x3280]  }
0xd5: {  	[tilespmem:$0x1FCB0] =	vst v4;
	v4 =	vmul.f32 v5, v32;
	v5 =	vld [tilespmem:$0x1FBC0];
	_ =	sdelay $0x1  }
0xd6: {  	v1 =	vadd.f32 v2, v1;
	v2 =	vmul.f32 v7, v3;
	v3 =	vld [tilespmem:s23+$0xB100]  }
0xd7: {  	v6 =	vmul.f32 $5.000000000e-01, v34;
	v0 =	vadd.f32 v7, v0;
	v7 =	vld [tilespmem:$0x1FE30]  }
0xd8: {  	v9 =	vld [tilespmem:$0x1FBD0]  }
0xd9: {  	[tilespmem:$0x1FC80] =	vst v8;
	v8 =	vld [tilespmem:s23+$0x3200];
	v5 =	vsub.f32 v5, v6;
	_ =	sdelay $0x1  }
0xda: {  	[tilespmem:$0x1FCF0] =	vst v3;
	v3 =	vmul.f32 v5, v34;
	v5 =	vld [tilespmem:$0x1FBE0]  }
0xdb: {  	v1 =	vadd.f32 v2, v1;
	v2 =	vmul.f32 v7, v4;
	v4 =	vld [tilespmem:s23+$0xB080]  }
0xdc: {  	v0 =	vadd.f32 v7, v0;
	v7 =	vld [tilespmem:$0x1FE00]  }
0xdd: {  	[tilespmem:$0x1FCA0] =	vst v8;
	v8 =	vld [tilespmem:s23+$0x3100];
	v6 =	vmul.f32 $5.000000000e-01, v9;
	_ =	sdelay $0x1  }
0xde: {  	v5 =	vsub.f32 v5, v6;
	_ =	sdelay $0x1  }
0xdf: {  	s24 =	sor.u32 s21, s22;
	v1 =	vadd.f32 v2, v1;
	[tilespmem:$0x1FCD0] =	vst v4;
	v2 =	vmul.f32 v7, v3;
	v4 =	vmul.f32 v5, v9;
	v9 =	vld [tilespmem:s23+$0x3000]  }
0xe0: {  	s31 =	sor.u32 $0x2380, s24;
	[tilespmem:$0x1FCE0] =	vst v8;
	v8 =	vld [tilespmem:$0x1FBF0]  }
0xe1: {  	v2 =	vadd.f32 v2, v1;
	v1 =	vld [tilespmem:s31+$0x8000];
	_ =	sdelay $0x1  }
0xe2: {  	v3 =	vld [tilespmem:s23+$0xB000]  }
0xe3: {  	[tilespmem:$0x1FD00] =	vst v9;
	v9 =	vld [tilespmem:$0x1FC00]  }
0xe4: {  	v53 =	vand.u32 $0x7FFFFFFF, v53;
	v7 =	vadd.f32 v7, v0;
	v0 =	vld [tilespmem:$0x1FE10];
	v6 =	vmul.f32 $5.000000000e-01, v8  }
0xe5: {  	v55 =	vmin.f32 v53, $1.000000000e+00;
	[tilespmem:$0x1FD40] =	vst v1;
	v1 =	vld [tilespmem:$0x1FC10]  }
0xe6: {  	v5 =	vsub.f32 v54, v6;
	v6 =	vmul.f32 $5.000000000e-01, v55  }
0xe7: {  	v10 =	vld [tilespmem:s23+$0x3080]  }
0xe8: {  	[tilespmem:$0x1FD10] =	vst v3;
	v3 =	vmul.f32 v5, v8;
	v5 =	vsub.f32 v53, v6;
	v8 =	vld [tilespmem:s31+$0x0];
	v6 =	vmul.f32 $5.000000000e-01, v9  }
0xe9: {  	v7 =	vadd.f32 v0, v7;
	v4 =	vmul.f32 v0, v4;
	v0 =	vld [tilespmem:$0x1FDF0]  }
0xea: {  	v6 =	vsub.f32 v1, v6;
	v1 =	vld [tilespmem:$0x1FC20];
	_ =	sdelay $0x3  }
0xeb: {  	[tilespmem:$0x1FCC0] =	vst v10;
	v4 =	vadd.f32 v4, v2;
	v3 =	vmul.f32 v0, v3  }
0xec: {  	v10 =	vld [tilespmem:s23+$0x2300];
	[tilespmem:$0x1FD30] =	vst v8;
	v8 =	vmul.f32 $5.000000000e-01, v1  }
0xed: {  	v3 =	vadd.f32 v3, v4;
	v4 =	vadd.f32 v0, v7;
	v0 =	vld [tilespmem:$0x1FDD0]  }
0xee: {  	v11 =	vld [tilespmem:$0x1FC30];
	v8 =	vsub.f32 v37, v8  }
0xef: {  	v2 =	vld [tilespmem:s23+$0x2280]  }
0xf0: {  	v5 =	vmul.f32 v5, v55;
	v7 =	vmul.f32 v8, v1;
	v1 =	vld [tilespmem:$0x1FC40];
	_ =	sdelay $0x1  }
0xf1: {  	[tilespmem:$0x1FD20] =	vst v10;
	v5 =	vmul.f32 v0, v5;
	v10 =	vadd.f32 v0, v4;
	v0 =	vld [tilespmem:$0x1FDA0]  }
0xf2: {  	v6 =	vmul.f32 v6, v9;
	v9 =	vmul.f32 $5.000000000e-01, v11;
	_ =	sdelay $0x1  }
0xf3: {  	[tilespmem:$0x1FD50] =	vst v2;
	v2 =	vld [tilespmem:$0x1FC50];
	v8 =	vsub.f32 v1, v9;
	_ =	sdelay $0x1  }
0xf4: {  	v8 =	vmul.f32 v8, v11;
	v11 =	vcvt.s32.f32 v0;
	v0 =	vld [tilespmem:$0x1FC60];
	_ =	sdelay $0x2  }
0xf5: {  	v9 =	vmul.f32 $5.000000000e-01, v2;
	v1 =	vld [tilespmem:$0x1FDE0];
	_ =	sdelay $0x1  }
0xf6: {  	v9 =	vsub.f32 v0, v9;
	v0 =	vld [tilespmem:s23+$0x2100];
	_ =	sdelay $0x2  }
0xf7: {  	v6 =	vmul.f32 v1, v6;
	v30 =	vadd.f32 v1, v10;
	v1 =	vld [tilespmem:$0x1FDC0];
	_ =	sdelay $0x1  }
0xf8: {  	[tilespmem:$0x1FD60] =	vst v0;
	v0 =	vld [tilespmem:$0x1FD90]  }
0xf9: {  	v5 =	vadd.f32 v5, v3  }
0xfa: {  	s20 =	sadd.s32 $0x10, s20  }
0xfb: {  	v31 =	vld [tilespmem:s20+$0x0];
	v6 =	vadd.f32 v6, v5;
	v7 =	vmul.f32 v1, v7  }
0xfc: {  	v8 =	vmul.f32 v11, v8  }
0xfd: {  	v9 =	vmul.f32 v9, v2;
	v15 =	vadd.f32 v7, v6;
	v14 =	vcvt.s32.f32 v0;
	_ =	sdelay $0x1  }
0xfe: {  	v30 =	vadd.f32 v1, v30;
	v33 =	vadd.f32 v8, v15;
	v9 =	vmul.f32 v14, v9  }
0xff: {  	v0 =	vshrl.u32 v31, $0x1F  }
0x100: {  	v11 =	vadd.f32 v11, v30;
	[tilespmem:$0x1FD90] =	vst v0;
	v0 =	vadd.f32 v9, v33;
	_ =	sdelay $0x1  }
0x101: {  	[tilespmem:$0x1FFF0] =	vst v0;
	v0 =	vadd.f32 v14, v11;
	_ =	sdelay $0x1  }
0x102: {  	[tilespmem:$0x1FD80] =	vst v0;
	v0 =	vand.u32 $0x1, v31  }
0x103: {  	v45 =	vshrl.u32 v31, $0x1D;
	v0 =	vcvt.s32.f32 v0  }
0x104: {  	v45 =	vand.u32 $0x1, v45  }
0x105: {  	v46 =	vshrl.u32 v31, $0x1A;
	[tilespmem:$0x1FDB0] =	vst v0;
	v0 =	vcvt.s32.f32 v45  }
0x106: {  	v42 =	vshrl.u32 v31, $0x1E;
	v46 =	vand.u32 $0x1, v46  }
0x107: {  	v40 =	vld [tilespmem:s23+$0x3300];
	v2 =	vand.u32 $0x1, v42;
	[tilespmem:$0x1FDC0] =	vst v0;
	v0 =	vcvt.s32.f32 v46  }
0x108: {  	[tilespmem:$0x1FDA0] =	vst v2;
	v2 =	vld [tilespmem:s23+$0x1080]  }
0x109: {  	[tilespmem:$0x1FDF0] =	vst v0;
	v0 =	vld [tilespmem:$0x1FC70]  }
0x10a: {  	s25 =	sor.u32 $0x3380, s24  }
0x10b: {  	v35 =	vld [tilespmem:s25+$0x0]  }
0x10c: {  	v43 =	vld [tilespmem:s25+$0x8000]  }
0x10d: {  	v44 =	vshrl.u32 v31, $0x1C;
	v47 =	vshrl.u32 v31, $0x18;
	v41 =	vshrl.u32 v31, $0x1B;
	[tilespmem:$0x1FD70] =	vst v2;
	v2 =	vld [tilespmem:$0x1FC90]  }
0x10e: {  	v44 =	vand.u32 $0x1, v44;
	v41 =	vand.u32 $0x1, v41;
	v46 =	vsub.f32 v40, v0;
	v0 =	vld [tilespmem:$0x1FC80]  }
0x10f: {  	v48 =	vshrl.u32 v31, $0x19;
	v36 =	vcvt.s32.f32 v41;
	v41 =	vcvt.s32.f32 v44  }
0x110: {  	v47 =	vand.u32 $0x1, v47;
	v48 =	vand.u32 $0x1, v48  }
0x111: {  	[tilespmem:$0x1FDE0] =	vst v41;
	v41 =	vsub.f32 v35, v43;
	v43 =	vcvt.s32.f32 v47;
	v47 =	vcvt.s32.f32 v48;
	_ =	sdelay $0x1  }
0x112: {  	[tilespmem:$0x1FE10] =	vst v47;
	v47 =	vsub.f32 v0, v2;
	v0 =	vld [tilespmem:$0x1FCA0]  }
0x113: {  	v2 =	vld [tilespmem:$0x1FCB0]  }
0x114: {  	v32 =	vshrl.u32 v31, $0x17  }
0x115: {  	v32 =	vand.u32 $0x1, v32  }
0x116: {  	v32 =	vcvt.s32.f32 v32;
	_ =	sdelay $0x1  }
0x117: {  	[tilespmem:$0x1FE30] =	vst v32;
	v32 =	vsub.f32 v0, v2;
	v0 =	vld [tilespmem:$0x1FCC0]  }
0x118: {  	v2 =	vld [tilespmem:$0x1FCD0];
	_ =	sdelay $0x2  }
0x119: {  	v27 =	vld [tilespmem:s23+$0x2200];
	v34 =	vshrl.u32 v31, $0x16;
	v33 =	vshrl.u32 v31, $0x15  }
0x11a: {  	v25 =	vld [tilespmem:s23+$0xA200];
	v51 =	vand.u32 $0x1, v34;
	v50 =	vand.u32 $0x1, v33  }
0x11b: {  	v48 =	vcvt.s32.f32 v51;
	v51 =	vcvt.s32.f32 v50;
	v50 =	vsub.f32 v0, v2;
	v0 =	vld [tilespmem:$0x1FCE0]  }
0x11c: {  	v2 =	vld [tilespmem:$0x1FCF0]  }
0x11d: {  	v26 =	vld [tilespmem:s23+$0xA280]  }
0x11e: {  	v22 =	vld [tilespmem:s23+$0x2080]  }
0x11f: {  	v21 =	vld [tilespmem:s23+$0x2000];
	v49 =	vshrl.u32 v31, $0x14  }
0x120: {  	s26 =	sor.u32 $0x1380, s24;
	v20 =	vld [tilespmem:s23+$0xA080];
	v49 =	vand.u32 $0x1, v49  }
0x121: {  	v17 =	vld [tilespmem:s26+$0x8000];
	v40 =	vsub.f32 v0, v2;
	v2 =	vcvt.s32.f32 v49  }
0x122: {  	[tilespmem:$0x1FE40] =	vst v51;
	v51 =	vld [tilespmem:$0x1FD10]  }
0x123: {  	[tilespmem:$0x1FE60] =	vst v2;
	v2 =	vld [tilespmem:$0x1FD00]  }
0x124: {  	v23 =	vld [tilespmem:s23+$0xA100]  }
0x125: {  	v16 =	vld [tilespmem:s23+$0x1300]  }
0x126: {  	v13 =	vld [tilespmem:s23+$0x9200];
	v53 =	vshrl.u32 v31, $0x12  }
0x127: {  	v24 =	vld [tilespmem:s23+$0x1200];
	v53 =	vand.u32 $0x1, v53  }
0x128: {  	v19 =	vld [tilespmem:s26+$0x0];
	v49 =	vsub.f32 v2, v51;
	v2 =	vcvt.s32.f32 v53  }
0x129: {  	v28 =	vld [tilespmem:s23+$0xA300]  }
0x12a: {  	[tilespmem:$0x1FE70] =	vst v2;
	v2 =	vld [tilespmem:$0x1FD20]  }
0x12b: {  	v18 =	vld [tilespmem:s23+$0xA000]  }
0x12c: {  	v12 =	vld [tilespmem:s23+$0x9280]  }
0x12d: {  	v44 =	vld [tilespmem:s23+$0x8200]  }
0x12e: {  	v53 =	vld [tilespmem:$0x1FD40]  }
0x12f: {  	v28 =	vsub.f32 v2, v28;
	v2 =	vld [tilespmem:$0x1FD30]  }
0x130: {  	v34 =	vld [tilespmem:s23+$0x100];
	v54 =	vshrl.u32 v31, $0x13  }
0x131: {  	v54 =	vand.u32 $0x1, v54;
	[tilespmem:$0x1FDD0] =	vst v36;
	v36 =	vld [tilespmem:s23+$0x80]  }
0x132: {  	v57 =	vshrl.u32 v31, $0x10;
	v3 =	vld [tilespmem:s23+$0x8300];
	[tilespmem:$0x1FE20] =	vst v48;
	v48 =	vcvt.s32.f32 v54  }
0x133: {  	v57 =	vand.u32 $0x1, v57;
	v35 =	vld [tilespmem:s23+$0x8100]  }
0x134: {  	v52 =	vshrl.u32 v31, $0x11;
	v54 =	vld [tilespmem:s23+$0x0];
	[tilespmem:$0x1FE50] =	vst v48;
	v48 =	vsub.f32 v2, v53;
	v2 =	vcvt.s32.f32 v57  }
0x135: {  	v52 =	vand.u32 $0x1, v52;
	v10 =	vld [tilespmem:s23+$0x9100]  }
0x136: {  	v25 =	vsub.f32 v27, v25;
	v5 =	vld [tilespmem:s23+$0x300];
	[tilespmem:$0x1FE80] =	vst v2;
	v2 =	vcvt.s32.f32 v52  }
0x137: {  	v20 =	vsub.f32 v22, v20;
	v38 =	vshrl.u32 v31, $0x6;
	v29 =	vshrl.u32 v31, $0x7;
	v42 =	vld [tilespmem:s23+$0x9080]  }
0x138: {  	v39 =	vshrl.u32 v31, $0x3;
	v56 =	vshrl.u32 v31, $0xF;
	v38 =	vand.u32 $0x1, v38;
	[tilespmem:$0x1FE90] =	vst v2;
	v2 =	vld [tilespmem:$0x1FD50]  }
0x139: {  	s24 =	sor.u32 $0x380, s24;
	v29 =	vand.u32 $0x1, v29;
	v39 =	vand.u32 $0x1, v39;
	v56 =	vand.u32 $0x1, v56;
	v7 =	vld [tilespmem:s23+$0x9000]  }
0x13a: {  	v29 =	vcvt.s32.f32 v29;
	v58 =	vshrl.u32 v31, $0xB;
	v30 =	vshrl.u32 v31, $0x2;
	v6 =	vld [tilespmem:s24+$0x8000]  }
0x13b: {  	v59 =	vshrl.u32 v31, $0xC;
	v55 =	vshrl.u32 v31, $0xE;
	v4 =	vand.u32 $0x1, v30;
	v30 =	vld [tilespmem:s23+$0x8280]  }
0x13c: {  	v59 =	vand.u32 $0x1, v59;
	v58 =	vand.u32 $0x1, v58;
	v55 =	vand.u32 $0x1, v55;
	v15 =	vld [tilespmem:s23+$0x1280]  }
0x13d: {  	v60 =	vshrl.u32 v31, $0xD;
	v8 =	vld [tilespmem:s24+$0x0];
	v26 =	vsub.f32 v2, v26;
	v2 =	vcvt.s32.f32 v55  }
0x13e: {  	v18 =	vsub.f32 v21, v18;
	v62 =	vshrl.u32 v31, $0x9;
	v60 =	vand.u32 $0x1, v60;
	v14 =	vld [tilespmem:s23+$0x9300]  }
0x13f: {  	v62 =	vand.u32 $0x1, v62;
	v63 =	vshrl.u32 v31, $0xA;
	v11 =	vld [tilespmem:s23+$0x1100];
	[tilespmem:$0x1FEA0] =	vst v2;
	v2 =	vcvt.s32.f32 v56  }
0x140: {  	v63 =	vand.u32 $0x1, v63;
	v61 =	vshrl.u32 v31, $0x8;
	v37 =	vshrl.u32 v31, $0x4;
	v9 =	vld [tilespmem:s23+$0x1000]  }
0x141: {  	s28 =	sand.u32 $0xFFFFFC00, s22;
	v61 =	vand.u32 $0x1, v61;
	v37 =	vand.u32 $0x1, v37;
	v45 =	vld [tilespmem:s23+$0x200];
	[tilespmem:$0x1FEB0] =	vst v2;
	v2 =	vcvt.s32.f32 v60  }
0x142: {  	[tilespmem:$0x1FE00] =	vst v43;
	v43 =	vcvt.s32.f32 v63;
	v1 =	vshrl.u32 v31, $0x5;
	v3 =	vsub.f32 v5, v3;
	s24 =	sadd.s32 s28, s21;
	v33 =	vld [tilespmem:s23+$0x280]  }
0x143: {  	v1 =	vand.u32 $0x1, v1;
	s31 =	sor.u32 $0x1180, s24;
	v12 =	vsub.f32 v15, v12;
	v14 =	vsub.f32 v16, v14;
	[tilespmem:$0x1FEC0] =	vst v2;
	v2 =	vld [tilespmem:$0x1FD60]  }
0x144: {  	v15 =	vld [tilespmem:s31+$0x8000];
	v31 =	vshrl.u32 v31, $0x1;
	v16 =	vsub.f32 v19, v17;
	v10 =	vsub.f32 v11, v10  }
0x145: {  	v31 =	vand.u32 $0x1, v31;
	v11 =	vsub.f32 v24, v13;
	v24 =	vsub.f32 v9, v7;
	v53 =	vld [tilespmem:s23+$0x8000]  }
0x146: {  	s30 =	sor.u32 $0x2180, s24;
	v19 =	vld [tilespmem:s31+$0x0];
	v5 =	vsub.f32 v45, v44;
	v45 =	vand.u32 $0x7FFFFFFF, v18;
	v51 =	vcvt.s32.f32 v1  }
0x147: {  	v21 =	vld [tilespmem:s30+$0x0];
	v1 =	vsub.f32 v33, v30;
	v33 =	vand.u32 $0x7FFFFFFF, v20;
	v44 =	vand.u32 $0x7FFFFFFF, v49  }
0x148: {  	s29 =	sor.u32 $0x3180, s24;
	v17 =	vld [tilespmem:s30+$0x8000];
	v57 =	vcvt.s32.f32 v62;
	v22 =	vsub.f32 v2, v23;
	v2 =	vcvt.s32.f32 v58  }
0x149: {  	s24 =	sor.u32 $0x180, s24;
	v27 =	vld [tilespmem:s29+$0x0];
	v62 =	vcvt.s32.f32 v39;
	v52 =	vand.u32 $0x7FFFFFFF, v32;
	v48 =	vand.u32 $0x7FFFFFFF, v48  }
0x14a: {  	v13 =	vld [tilespmem:s24+$0x0];
	v9 =	vsub.f32 v54, v53;
	v54 =	vand.u32 $0x7FFFFFFF, v40;
	[tilespmem:$0x1FED0] =	vst v2;
	v2 =	vcvt.s32.f32 v59  }
0x14b: {  	v55 =	vsub.f32 v19, v15;
	v56 =	vcvt.s32.f32 v37;
	v37 =	vand.u32 $0x7FFFFFFF, v47;
	v23 =	vld [tilespmem:s29+$0x8000]  }
0x14c: {  	v47 =	vand.u32 $0x7FFFFFFF, v50;
	v19 =	vand.u32 $0x7FFFFFFF, v26;
	v50 =	vand.u32 $0x7FFFFFFF, v11;
	[tilespmem:$0x1FEE0] =	vst v2;
	v2 =	vld [tilespmem:$0x1FD70]  }
0x14d: {  	v0 =	vld [tilespmem:s23+$0x8080];
	v60 =	vcvt.s32.f32 v38;
	v58 =	vcvt.s32.f32 v61;
	v61 =	vsub.f32 v21, v17  }
0x14e: {  	v38 =	vld [tilespmem:s24+$0x8000];
	v21 =	vand.u32 $0x7FFFFFFF, v41;
	v41 =	vand.u32 $0x7FFFFFFF, v25;
	v25 =	vand.u32 $0x7FFFFFFF, v28  }
0x14f: {  	p0 =	sne.s32 s21, $0x1F0;
	v30 =	vand.u32 $0x7FFFFFFF, v22;
	v59 =	vand.u32 $0x7FFFFFFF, v10;
	v10 =	vand.u32 $0x7FFFFFFF, v3  }
.Ltmp0:
0x150: {  	v3 =	vand.u32 $0x7FFFFFFF, v24;
	v53 =	vsub.f32 v27, v23;
	v23 =	vand.u32 $0x7FFFFFFF, v46;
	(pc) =	sbr.rel @p0 .LBB2_2-.Ltmp0, $4  }
0x151: {  	v46 =	vand.u32 $0x7FFFFFFF, v12;
	v7 =	vsub.f32 v2, v42;
	v42 =	vsub.f32 v8, v6  }
0x152: {  	v6 =	vsub.f32 v36, v0;
	v8 =	vsub.f32 v34, v35;
	v0 =	vcvt.s32.f32 v4  }
0x153: {  	v4 =	vcvt.s32.f32 v31;
	v2 =	vsub.f32 v13, v38;
	v35 =	vand.u32 $0x7FFFFFFF, v14  }
0x154: {  	s21 =	sadd.s32 $0x10, s21;
	v38 =	vld [tilespmem:$0x1FD80];
	v31 =	vand.u32 $0x7FFFFFFF, v16;
	v63 =	vand.u32 $0x7FFFFFFF, v7;
	v7 =	vand.u32 $0x7FFFFFFF, v42  }
0x155: {  	v9 =	vand.u32 $0x7FFFFFFF, v9  }
0x156: {  	v6 =	vand.u32 $0x7FFFFFFF, v6;
	v11 =	vmin.f32 v9, $1.000000000e+00  }
0x157: {  	v49 =	vmin.f32 v6, $1.000000000e+00;
	v12 =	vmul.f32 $5.000000000e-01, v11  }
0x158: {  	v8 =	vand.u32 $0x7FFFFFFF, v8;
	v32 =	vld [tilespmem:$0x1FDB0];
	v14 =	vmul.f32 $5.000000000e-01, v49  }
0x159: {  	v13 =	vmin.f32 v8, $1.000000000e+00;
	v9 =	vsub.f32 v9, v12  }
0x15a: {  	v39 =	vld [tilespmem:$0x1FFF0];
	v15 =	vmul.f32 $5.000000000e-01, v13;
	v6 =	vsub.f32 v6, v14  }
0x15b: {  	v2 =	vand.u32 $0x7FFFFFFF, v2;
	v5 =	vand.u32 $0x7FFFFFFF, v5;
	v9 =	vmul.f32 v9, v11  }
0x15c: {  	v8 =	vsub.f32 v8, v15;
	v11 =	vmin.f32 v2, $1.000000000e+00;
	v6 =	vmul.f32 v6, v49  }
0x15d: {  	v36 =	vmin.f32 v5, $1.000000000e+00;
	v34 =	vmul.f32 $5.000000000e-01, v11;
	v9 =	vmul.f32 v32, v9  }
0x15e: {  	v40 =	vmul.f32 $5.000000000e-01, v36;
	v8 =	vmul.f32 v8, v13  }
0x15f: {  	v6 =	vmul.f32 v4, v6;
	v2 =	vsub.f32 v2, v34;
	v9 =	vadd.f32 v9, v39  }
0x160: {  	v1 =	vand.u32 $0x7FFFFFFF, v1;
	v5 =	vsub.f32 v5, v40;
	v42 =	vadd.f32 v32, v38  }
0x161: {  	v8 =	vmul.f32 v0, v8;
	v2 =	vmul.f32 v2, v11;
	v6 =	vadd.f32 v6, v9  }
0x162: {  	v5 =	vmul.f32 v5, v36;
	v4 =	vadd.f32 v4, v42;
	v11 =	vmin.f32 v1, $1.000000000e+00  }
0x163: {  	v9 =	vmul.f32 $5.000000000e-01, v11;
	v2 =	vmul.f32 v62, v2;
	v6 =	vadd.f32 v8, v6  }
0x164: {  	v49 =	vmin.f32 v10, $1.000000000e+00;
	v5 =	vmul.f32 v56, v5;
	v0 =	vadd.f32 v0, v4  }
0x165: {  	v4 =	vmin.f32 v7, $1.000000000e+00;
	v1 =	vsub.f32 v1, v9;
	v2 =	vadd.f32 v2, v6  }
0x166: {  	v0 =	vadd.f32 v62, v0;
	v8 =	vmul.f32 $5.000000000e-01, v49;
	v6 =	vmul.f32 $5.000000000e-01, v4  }
0x167: {  	v1 =	vmul.f32 v1, v11;
	v2 =	vadd.f32 v5, v2;
	v5 =	vmin.f32 v3, $1.000000000e+00  }
0x168: {  	v8 =	vsub.f32 v10, v8;
	v6 =	vsub.f32 v7, v6;
	v7 =	vmul.f32 $5.000000000e-01, v5  }
0x169: {  	_ =	swait.ge [sflag:s16], $0x4000;
	v0 =	vadd.f32 v56, v0  }
0x16a: {  	[sflag:s16] =	ssyncset.done $0x0;
	v8 =	vmul.f32 v8, v49;
	v1 =	vmul.f32 v51, v1;
	v3 =	vsub.f32 v3, v7  }
0x16b: {  	[sflag:s16] =	ssyncadd.s32 $0xFFFFC000;
	v0 =	vadd.f32 v51, v0;
	v4 =	vmul.f32 v6, v4  }
0x16c: {  	_ =	swait.ge [sflag:s16], $0x4000;
	v1 =	vadd.f32 v1, v2;
	v3 =	vmul.f32 v3, v5;
	v5 =	vmul.f32 v60, v8  }
0x16d: {  	[sflag:s16] =	ssyncset.done $0x0  }
0x16e: {  	[sflag:s16] =	ssyncadd.s32 $0xFFFFC000;
	v0 =	vadd.f32 v60, v0;
	v4 =	vmul.f32 v29, v4;
	v1 =	vadd.f32 v5, v1  }
0x16f: {  	s20 =	simm.s32 $0x0;
	_ =	swait.ge [sflag:s16], $0x200  }
0x170: {  	s23 =	sor.u32 s20, s20;
	[sflag:s16] =	ssyncset.done $0x0;
	v0 =	vadd.f32 v29, v0;
	v3 =	vmul.f32 v58, v3;
	v1 =	vadd.f32 v4, v1  }
0x171: {  	s24 =	sor.u32 $0x3380, s23;
	[sflag:s16] =	ssyncadd.s32 $0xFFFFFE00  }
0x172: {  	v1 =	vadd.f32 v3, v1;
	v3 =	vadd.f32 v58, v0;
	v0 =	vld [tilespmem:s24+$0x4000];
	_ =	sdelay $0x2  }
0x173: {  	v6 =	vmin.f32 v63, $1.000000000e+00  }
0x174: {  	v2 =	vmul.f32 $5.000000000e-01, v6  }
0x175: {  	v7 =	vmin.f32 v59, $1.000000000e+00;
	[tilespmem:$0x1F9A0] =	vst v0;
	v0 =	vld [tilespmem:s24+$0xC000]  }
0x176: {  	v2 =	vsub.f32 v63, v2;
	v5 =	vmul.f32 $5.000000000e-01, v7  }
0x177: {  	v8 =	vand.u32 $0x7FFFFFFF, v55  }
0x178: {  	v2 =	vmul.f32 v2, v6;
	v6 =	vmin.f32 v8, $1.000000000e+00;
	v5 =	vsub.f32 v59, v5  }
0x179: {  	v4 =	vmul.f32 $5.000000000e-01, v6  }
0x17a: {  	v17 =	vmin.f32 v50, $1.000000000e+00;
	v5 =	vmul.f32 v5, v7;
	[tilespmem:$0x1F9B0] =	vst v0;
	v0 =	vld [tilespmem:$0x1FED0]  }
0x17b: {  	v4 =	vsub.f32 v8, v4;
	v7 =	vmul.f32 $5.000000000e-01, v17;
	v3 =	vadd.f32 v57, v3  }
0x17c: {  	v38 =	vmin.f32 v21, $1.000000000e+00  }
0x17d: {  	v4 =	vmul.f32 v4, v6;
	v6 =	vsub.f32 v50, v7;
	v50 =	vmovc v21;
	v21 =	vadd.f32 v43, v3;
	_ =	sdelay $0x1  }
0x17e: {  	v4 =	vmul.f32 v0, v4;
	v21 =	vadd.f32 v0, v21;
	v0 =	vld [tilespmem:$0x1FEE0]  }
0x17f: {  	v20 =	vmin.f32 v31, $1.000000000e+00;
	v2 =	vmul.f32 v57, v2;
	v8 =	vmin.f32 v46, $1.000000000e+00  }
0x180: {  	v13 =	vmin.f32 v23, $1.000000000e+00;
	v36 =	vmovc v19;
	v19 =	vmin.f32 v35, $1.000000000e+00;
	v7 =	vmul.f32 $5.000000000e-01, v8  }
0x181: {  	v2 =	vadd.f32 v2, v1;
	v5 =	vmul.f32 v43, v5;
	v1 =	vld [tilespmem:$0x1FEC0];
	v6 =	vmul.f32 v6, v17  }
0x182: {  	v56 =	vmul.f32 $5.000000000e-01, v19;
	v57 =	vmul.f32 $5.000000000e-01, v20;
	v7 =	vsub.f32 v46, v7  }
0x183: {  	v5 =	vadd.f32 v5, v2;
	v6 =	vmul.f32 v0, v6;
	v21 =	vadd.f32 v0, v21;
	v0 =	vld [tilespmem:$0x1FEA0]  }
0x184: {  	v49 =	vmovc v23;
	v23 =	vmin.f32 v33, $1.000000000e+00;
	v7 =	vmul.f32 v7, v8;
	v8 =	vsub.f32 v35, v56  }
0x185: {  	s22 =	sand.u32 $0x70, s20;
	s25 =	sand.u32 $0xC00, s20;
	v55 =	vmin.f32 v45, $1.000000000e+00;
	v17 =	vsub.f32 v31, v57;
	v5 =	vadd.f32 v4, v5  }
0x186: {  	s22 =	sor.u32 s22, s25;
	v8 =	vmul.f32 v8, v19;
	v19 =	vmul.f32 $5.000000000e-01, v55;
	v21 =	vadd.f32 v1, v21  }
0x187: {  	v17 =	vmul.f32 v17, v20;
	v20 =	vmul.f32 $5.000000000e-01, v23;
	v6 =	vadd.f32 v6, v5;
	v5 =	vld [tilespmem:s22+$0x7100]  }
0x188: {  	v19 =	vsub.f32 v45, v19;
	v8 =	vmul.f32 v0, v8;
	v21 =	vadd.f32 v0, v21;
	v0 =	vld [tilespmem:$0x1FEB0];
	_ =	sdelay $0x1  }
0x189: {  	v12 =	vmul.f32 v19, v55;
	v19 =	vsub.f32 v33, v20  }
0x18a: {  	v10 =	vand.u32 $0x7FFFFFFF, v61  }
0x18b: {  	v28 =	vmin.f32 v10, $1.000000000e+00;
	v19 =	vmul.f32 v19, v23;
	[tilespmem:$0x1F9C0] =	vst v5;
	v5 =	vld [tilespmem:$0x1FE90]  }
0x18c: {  	v23 =	vmul.f32 $5.000000000e-01, v28;
	v17 =	vmul.f32 v0, v17;
	v21 =	vadd.f32 v0, v21;
	v0 =	vld [tilespmem:$0x1FE80]  }
0x18d: {  	v11 =	vmin.f32 v41, $1.000000000e+00  }
0x18e: {  	v29 =	vmul.f32 $5.000000000e-01, v11;
	v7 =	vmul.f32 v1, v7;
	v23 =	vsub.f32 v10, v23;
	_ =	sdelay $0x1  }
0x18f: {  	v23 =	vmul.f32 v23, v28;
	v28 =	vsub.f32 v41, v29;
	v7 =	vadd.f32 v7, v6  }
0x190: {  	v59 =	vmul.f32 v5, v19;
	v12 =	vmul.f32 v0, v12;
	v19 =	vadd.f32 v0, v21;
	v0 =	vld [tilespmem:$0x1FE70]  }
0x191: {  	v26 =	vmin.f32 v30, $1.000000000e+00  }
0x192: {  	v20 =	vmul.f32 $5.000000000e-01, v26;
	v28 =	vmul.f32 v28, v11;
	v11 =	vld [tilespmem:$0x1FE50];
	v24 =	vadd.f32 v8, v7  }
0x193: {  	v34 =	vadd.f32 v5, v19  }
0x194: {  	v20 =	vsub.f32 v30, v20;
	v17 =	vadd.f32 v17, v24  }
0x195: {  	v34 =	vadd.f32 v0, v34  }
0x196: {  	v26 =	vmul.f32 v20, v26;
	v12 =	vadd.f32 v12, v17  }
0x197: {  	v23 =	vmul.f32 v11, v23;
	v34 =	vadd.f32 v11, v34;
	v11 =	vld [tilespmem:$0x1FE60]  }
0x198: {  	v12 =	vadd.f32 v59, v12;
	v60 =	vmul.f32 v0, v26;
	_ =	sdelay $0x1  }
0x199: {  	v40 =	vadd.f32 v60, v12;
	_ =	sdelay $0x1  }
0x19a: {  	v32 =	vld [tilespmem:s22+$0x7280];
	v58 =	vmin.f32 v36, $1.000000000e+00;
	v23 =	vadd.f32 v23, v40;
	v28 =	vmul.f32 v11, v28  }
0x19b: {  	v27 =	vld [tilespmem:s22+$0xF080];
	v29 =	vmul.f32 $5.000000000e-01, v58  }
0x19c: {  	v23 =	vadd.f32 v28, v23;
	v28 =	vadd.f32 v11, v34;
	v11 =	vld [tilespmem:$0x1FE40]  }
0x19d: {  	v16 =	vand.u32 $0x7FFFFFFF, v53;
	v53 =	vmin.f32 v25, $1.000000000e+00;
	s21 =	simm.s32 $0x10200;
	v42 =	vmovc v25;
	v25 =	vld [tilespmem:s22+$0xF000];
	v29 =	vsub.f32 v36, v29  }
0x19e: {  	v39 =	vld [tilespmem:s21+$0x0]  }
0x19f: {  	v14 =	vmin.f32 v37, $1.000000000e+00;
	v62 =	vmov v37;
	v37 =	vld [tilespmem:s22+$0x7300];
	v29 =	vmul.f32 v29, v58  }
0x1a0: {  	v61 =	vmul.f32 $5.000000000e-01, v53;
	v2 =	vld [tilespmem:s22+$0xF300]  }
0x1a1: {  	v29 =	vmul.f32 v11, v29;
	v28 =	vadd.f32 v11, v28;
	v11 =	vld [tilespmem:$0x1FE20]  }
0x1a2: {  	v3 =	vld [tilespmem:s22+$0xF280];
	v45 =	vsub.f32 v42, v61  }
0x1a3: {  	v31 =	vld [tilespmem:s22+$0xF100]  }
0x1a4: {  	v9 =	vmin.f32 v48, $1.000000000e+00;
	v43 =	vld [tilespmem:s22+$0xE080];
	v33 =	vmul.f32 v45, v53  }
0x1a5: {  	v46 =	vmul.f32 $5.000000000e-01, v9;
	v35 =	vld [tilespmem:s22+$0xF200]  }
0x1a6: {  	v23 =	vadd.f32 v29, v23;
	v29 =	vmul.f32 v11, v33;
	v28 =	vadd.f32 v11, v28;
	v11 =	vld [tilespmem:$0x1FE30]  }
0x1a7: {  	v18 =	vmin.f32 v47, $1.000000000e+00;
	v2 =	vsub.f32 v37, v2;
	v37 =	vld [tilespmem:s22+$0x4080];
	v36 =	vsub.f32 v48, v46  }
0x1a8: {  	s26 =	sor.u32 $0x1380, s23;
	v42 =	vld [tilespmem:s22+$0xD280];
	v55 =	vmul.f32 $5.000000000e-01, v18  }
0x1a9: {  	v45 =	vld [tilespmem:s26+$0xC000];
	v9 =	vmul.f32 v36, v9  }
0x1aa: {  	v30 =	vld [tilespmem:s22+$0xE280];
	v56 =	vsub.f32 v47, v55  }
0x1ab: {  	v47 =	vld [tilespmem:s22+$0xD200];
	v26 =	vmin.f32 v44, $1.000000000e+00;
	v23 =	vadd.f32 v29, v23;
	v9 =	vmul.f32 v11, v9  }
0x1ac: {  	v10 =	vld [tilespmem:s22+$0xE300];
	v51 =	vmul.f32 $5.000000000e-01, v26  }
0x1ad: {  	v9 =	vadd.f32 v9, v23;
	v23 =	vadd.f32 v11, v28;
	v11 =	vld [tilespmem:$0x1FE00]  }
0x1ae: {  	v55 =	vmul.f32 $5.000000000e-01, v38;
	v18 =	vmul.f32 v56, v18;
	v56 =	vld [tilespmem:$0x1FDE0];
	v53 =	vsub.f32 v44, v51  }
0x1af: {  	v4 =	vld [tilespmem:s22+$0x7200]  }
0x1b0: {  	v41 =	vsub.f32 v50, v55;
	v50 =	vld [tilespmem:s22+$0xD000];
	v26 =	vmul.f32 v53, v26  }
0x1b1: {  	v46 =	vld [tilespmem:s22+$0xD300]  }
0x1b2: {  	v3 =	vsub.f32 v32, v3;
	v26 =	vmul.f32 v11, v26;
	v23 =	vadd.f32 v11, v23;
	v11 =	vld [tilespmem:$0x1FE10]  }
0x1b3: {  	v6 =	vld [tilespmem:s22+$0x7080]  }
0x1b4: {  	[tilespmem:$0x1FB50] =	vst v3;
	v48 =	vld [tilespmem:s22+$0xD100];
	v3 =	vsub.f32 v4, v35  }
0x1b5: {  	v1 =	vld [tilespmem:s22+$0x6300]  }
0x1b6: {  	[tilespmem:$0x1FB40] =	vst v3;
	v3 =	vld [tilespmem:s22+$0xC080]  }
0x1b7: {  	v15 =	vmin.f32 v54, $1.000000000e+00;
	v7 =	vld [tilespmem:s22+$0x7000];
	v9 =	vadd.f32 v26, v9;
	v18 =	vmul.f32 v11, v18  }
0x1b8: {  	v57 =	vmul.f32 $5.000000000e-01, v15;
	v4 =	vsub.f32 v6, v27;
	v6 =	vld [tilespmem:$0x1F9C0]  }
0x1b9: {  	s25 =	sor.u32 $0x2380, s23;
	v9 =	vadd.f32 v18, v9;
	v18 =	vadd.f32 v11, v23;
	v11 =	vld [tilespmem:$0x1FDF0]  }
0x1ba: {  	v58 =	vsub.f32 v54, v57;
	v8 =	vld [tilespmem:s25+$0x4000]  }
0x1bb: {  	v27 =	vld [tilespmem:s22+$0x4000]  }
0x1bc: {  	v63 =	vmin.f32 v16, $1.000000000e+00;
	v15 =	vmul.f32 v58, v15;
	v24 =	vld [tilespmem:s25+$0xC000]  }
0x1bd: {  	v6 =	vsub.f32 v6, v31;
	v31 =	vld [tilespmem:s22+$0xC000];
	v59 =	vmul.f32 $5.000000000e-01, v63  }
0x1be: {  	v15 =	vmul.f32 v11, v15;
	v53 =	vadd.f32 v11, v18;
	v11 =	vld [tilespmem:$0x1FDD0]  }
0x1bf: {  	v21 =	vld [tilespmem:s22+$0x6280];
	v16 =	vsub.f32 v16, v59  }
0x1c0: {  	v5 =	vld [tilespmem:s22+$0x6200]  }
0x1c1: {  	v22 =	vmin.f32 v52, $1.000000000e+00;
	v19 =	vld [tilespmem:s22+$0xE200];
	v16 =	vmul.f32 v16, v63  }
0x1c2: {  	v17 =	vld [tilespmem:s22+$0x6100];
	v60 =	vmul.f32 $5.000000000e-01, v22  }
0x1c3: {  	v9 =	vadd.f32 v15, v9;
	v16 =	vmul.f32 v11, v16;
	v15 =	vadd.f32 v11, v53;
	v11 =	vld [tilespmem:$0x1FDA0]  }
0x1c4: {  	v61 =	vmul.f32 $5.000000000e-01, v14;
	v0 =	vld [tilespmem:s22+$0xE100]  }
0x1c5: {  	v59 =	vld [tilespmem:$0x1FDC0];
	v36 =	vsub.f32 v52, v60  }
0x1c6: {  	s23 =	sor.u32 $0x380, s23;
	v44 =	vld [tilespmem:s22+$0xE000];
	v63 =	vsub.f32 v62, v61  }
0x1c7: {  	v51 =	vld [tilespmem:s23+$0x4000];
	v52 =	vmul.f32 $5.000000000e-01, v13;
	v22 =	vmul.f32 v36, v22  }
0x1c8: {  	v14 =	vmul.f32 v63, v14;
	v58 =	vcvt.s32.f32 v11;
	v11 =	vld [tilespmem:$0x1FD90]  }
0x1c9: {  	v54 =	vsub.f32 v49, v52;
	v57 =	vmul.f32 v56, v22;
	v34 =	vld [tilespmem:s22+$0x6000];
	v9 =	vadd.f32 v16, v9  }
0x1ca: {  	v40 =	vld [tilespmem:s22+$0x6080];
	v60 =	vmul.f32 v41, v38  }
0x1cb: {  	v41 =	vld [tilespmem:s23+$0xC000];
	v14 =	vmul.f32 v59, v14;
	v13 =	vmul.f32 v54, v13;
	v9 =	vadd.f32 v57, v9  }
0x1cc: {  	s28 =	sand.u32 $0xFFFFFC00, s20;
	[tilespmem:$0x1FB10] =	vst v2;
	v2 =	vshrl.u32 v39, $0x14;
	v36 =	vld [tilespmem:s22+$0x4280];
	v15 =	vadd.f32 v56, v15  }
0x1cd: {  	s23 =	sadd.s32 $0x0, s28;
	v22 =	vld [tilespmem:s22+$0x5000];
	v9 =	vadd.f32 v14, v9;
	v13 =	vmul.f32 v58, v13;
	v61 =	vcvt.s32.f32 v11  }
0x1ce: {  	v2 =	vand.u32 $0x1, v2;
	v1 =	vsub.f32 v1, v10;
	s30 =	sor.u32 $0x2180, s23;
	v54 =	vld [tilespmem:s22+$0xC280];
	v20 =	vsub.f32 v34, v44  }
0x1cf: {  	v34 =	vld [tilespmem:s30+$0x4000];
	v62 =	vadd.f32 v59, v15;
	v9 =	vadd.f32 v13, v9;
	v16 =	vmul.f32 v61, v60  }
0x1d0: {  	v32 =	vshrl.u32 v39, $0x15;
	v2 =	vcvt.s32.f32 v2;
	v55 =	vshrl.u32 v39, $0x1B;
	[tilespmem:$0x1FB90] =	vst v1;
	v33 =	vld [tilespmem:s26+$0x4000]  }
0x1d1: {  	v1 =	vshrl.u32 v39, $0x12;
	[tilespmem:$0x1FB70] =	vst v4;
	v29 =	vld [tilespmem:s22+$0x5300];
	v63 =	vadd.f32 v58, v62;
	v9 =	vadd.f32 v16, v9  }
0x1d2: {  	v1 =	vand.u32 $0x1, v1;
	v4 =	vshrl.u32 v39, $0x16;
	[tilespmem:$0x1FB30] =	vst v6;
	v6 =	vsub.f32 v7, v25;
	v23 =	vld [tilespmem:s22+$0x5100]  }
0x1d3: {  	v1 =	vcvt.s32.f32 v1;
	v4 =	vand.u32 $0x1, v4;
	v28 =	vld [tilespmem:s22+$0x5280];
	[tilespmem:$0x1F970] =	vst v9;
	v9 =	vadd.f32 v61, v63  }
0x1d4: {  	v4 =	vcvt.s32.f32 v4;
	v25 =	vshrl.u32 v39, $0x11;
	v24 =	vsub.f32 v8, v24;
	[tilespmem:$0x1FB60] =	vst v6;
	v26 =	vld [tilespmem:s22+$0x5200]  }
0x1d5: {  	v8 =	vsub.f32 v27, v31;
	v6 =	vsub.f32 v21, v30;
	v11 =	vld [tilespmem:$0x1F9B0];
	[tilespmem:$0x1F980] =	vst v9;
	v9 =	vshrl.u32 v39, $0x1F  }
0x1d6: {  	v27 =	vshrl.u32 v39, $0x6;
	v21 =	vsub.f32 v17, v0;
	v46 =	vsub.f32 v29, v46;
	[tilespmem:$0x1F990] =	vst v9;
	v9 =	vld [tilespmem:$0x1F9A0]  }
0x1d7: {  	[tilespmem:$0x1FAA0] =	vst v1;
	v1 =	vand.u32 $0x1, v27;
	s31 =	sor.u32 $0x1180, s23;
	v12 =	vsub.f32 v23, v48;
	v15 =	vsub.f32 v33, v45;
	v33 =	vld [tilespmem:s30+$0xC000]  }
0x1d8: {  	v17 =	vshrl.u32 v39, $0xE;
	v23 =	vld [tilespmem:s31+$0x4000];
	v16 =	vsub.f32 v5, v19;
	v5 =	vsub.f32 v40, v43  }
0x1d9: {  	v29 =	vshrl.u32 v39, $0xF;
	v10 =	vsub.f32 v28, v42;
	v28 =	vshrl.u32 v39, $0x10;
	v59 =	vld [tilespmem:s22+$0x4100]  }
0x1da: {  	v28 =	vand.u32 $0x1, v28;
	v57 =	vshrl.u32 v39, $0x1D;
	v63 =	vld [tilespmem:s22+$0xC100];
	[tilespmem:$0x1FBA0] =	vst v5;
	v5 =	vsub.f32 v37, v3  }
0x1db: {  	v60 =	vshrl.u32 v39, $0x17;
	v9 =	vsub.f32 v9, v11;
	v11 =	vsub.f32 v22, v50;
	v22 =	vld [tilespmem:s31+$0xC000]  }
0x1dc: {  	[tilespmem:$0x1FA90] =	vst v2;
	v38 =	vld [tilespmem:s22+$0xC200];
	v37 =	vsub.f32 v34, v33;
	v33 =	vand.u32 $0x1, v57;
	v57 =	vand.u32 $0x1, v60  }
0x1dd: {  	[tilespmem:$0x1FA50] =	vst v4;
	v49 =	vld [tilespmem:s22+$0xD080];
	v42 =	vsub.f32 v36, v54;
	v2 =	vcvt.s32.f32 v28;
	v4 =	vcvt.s32.f32 v57  }
0x1de: {  	v0 =	vsub.f32 v26, v47;
	v18 =	vld [tilespmem:s22+$0x5080];
	v48 =	vshrl.u32 v39, $0xA;
	v14 =	vshrl.u32 v39, $0x1E  }
0x1df: {  	s29 =	sor.u32 $0x3180, s23;
	v52 =	vld [tilespmem:s22+$0x4300];
	v47 =	vshrl.u32 v39, $0x2;
	v14 =	vand.u32 $0x1, v14;
	[tilespmem:$0x1FA60] =	vst v4;
	v4 =	vand.u32 $0x1, v48  }
0x1e0: {  	s23 =	sor.u32 $0x180, s23;
	v30 =	vld [tilespmem:s29+$0x4000];
	v7 =	vsub.f32 v59, v63;
	v59 =	vsub.f32 v23, v22;
	v23 =	vshrl.u32 v39, $0x7  }
0x1e1: {  	v35 =	vld [tilespmem:s23+$0xC000];
	[tilespmem:$0x1FAB0] =	vst v2;
	v48 =	vcvt.s32.f32 v1;
	v1 =	vand.u32 $0x1, v47;
	v2 =	vand.u32 $0x1, v23  }
0x1e2: {  	[tilespmem:$0x1F9D0] =	vst v14;
	v14 =	vand.u32 $0x1, v55;
	v55 =	vcvt.s32.f32 v2;
	v2 =	vcvt.s32.f32 v1;
	v1 =	vld [tilespmem:$0x1FB10]  }
0x1e3: {  	[tilespmem:$0x1FB80] =	vst v6;
	v36 =	vshrl.u32 v39, $0x8;
	v26 =	vshrl.u32 v39, $0xB;
	v6 =	vsub.f32 v18, v49;
	v13 =	vld [tilespmem:s22+$0x4200]  }
0x1e4: {  	v44 =	vld [tilespmem:s23+$0x4000];
	v18 =	vshrl.u32 v39, $0xC;
	v49 =	vshrl.u32 v39, $0x5;
	v56 =	vshrl.u32 v39, $0x1C  }
0x1e5: {  	v45 =	vsub.f32 v51, v41;
	v51 =	vshrl.u32 v39, $0xD;
	v58 =	vshrl.u32 v39, $0x1A;
	v43 =	vld [tilespmem:s29+$0xC000]  }
0x1e6: {  	v53 =	vld [tilespmem:s22+$0xC300];
	v62 =	vshrl.u32 v39, $0x19;
	v61 =	vshrl.u32 v39, $0x18;
	[tilespmem:$0x1FB20] =	vst v9;
	v22 =	vand.u32 $0x1, v56  }
0x1e7: {  	v34 =	vand.u32 $0x1, v61;
	v61 =	vcvt.s32.f32 v22;
	v22 =	vand.u32 $0x7FFFFFFF, v1;
	v1 =	vld [tilespmem:$0x1FB20]  }
0x1e8: {  	v19 =	vshrl.u32 v39, $0x13;
	v40 =	vsub.f32 v13, v38;
	v38 =	vshrl.u32 v39, $0x9  }
0x1e9: {  	v13 =	vand.u32 $0x1, v39;
	v3 =	vsub.f32 v44, v35;
	v44 =	vshrl.u32 v39, $0x4  }
0x1ea: {  	v63 =	vsub.f32 v30, v43;
	v30 =	vshrl.u32 v39, $0x3;
	v50 =	vand.u32 $0x1, v58  }
0x1eb: {  	v9 =	vsub.f32 v52, v53;
	v52 =	vshrl.u32 v39, $0x1;
	v39 =	vand.u32 $0x1, v62  }
0x1ec: {  	v62 =	vcvt.s32.f32 v50;
	v50 =	vcvt.s32.f32 v39;
	v39 =	vand.u32 $0x7FFFFFFF, v1;
	v1 =	vld [tilespmem:$0x1FB30];
	_ =	sdelay $0x2  }
0x1ed: {  	v60 =	vcvt.s32.f32 v14  }
0x1ee: {  	v43 =	vand.u32 $0x1, v29  }
0x1ef: {  	[tilespmem:$0x1FA00] =	vst v60;
	v60 =	vcvt.s32.f32 v43;
	v43 =	vand.u32 $0x7FFFFFFF, v1;
	v1 =	vld [tilespmem:$0x1FB40];
	_ =	sdelay $0x3  }
0x1f0: {  	v58 =	vcvt.s32.f32 v33;
	v33 =	vand.u32 $0x1, v51  }
0x1f1: {  	[tilespmem:$0x1FA10] =	vst v61;
	v61 =	vcvt.s32.f32 v33;
	v33 =	vand.u32 $0x7FFFFFFF, v1;
	v1 =	vld [tilespmem:$0x1FB50];
	_ =	sdelay $0x4  }
0x1f2: {  	v28 =	vand.u32 $0x7FFFFFFF, v1;
	v1 =	vld [tilespmem:$0x1FB60];
	_ =	sdelay $0x2  }
0x1f3: {  	v41 =	vcvt.s32.f32 v34;
	_ =	sdelay $0x1  }
0x1f4: {  	[tilespmem:$0x1FA30] =	vst v41;
	v41 =	vand.u32 $0x7FFFFFFF, v1;
	v1 =	vld [tilespmem:$0x1FB70];
	_ =	sdelay $0x2  }
0x1f5: {  	v4 =	vcvt.s32.f32 v4;
	_ =	sdelay $0x1  }
0x1f6: {  	[tilespmem:$0x1FB00] =	vst v4;
	v4 =	vand.u32 $0x1, v44;
	v44 =	vand.u32 $0x7FFFFFFF, v24;
	v24 =	vand.u32 $0x7FFFFFFF, v1;
	v1 =	vld [tilespmem:$0x1FB80];
	_ =	sdelay $0x1  }
0x1f7: {  	v25 =	vand.u32 $0x1, v25  }
0x1f8: {  	v54 =	vcvt.s32.f32 v25;
	v26 =	vand.u32 $0x1, v26  }
0x1f9: {  	v18 =	vand.u32 $0x1, v18;
	v13 =	vcvt.s32.f32 v13;
	v35 =	vand.u32 $0x1, v32  }
0x1fa: {  	v32 =	vand.u32 $0x1, v17;
	v57 =	vcvt.s32.f32 v35;
	v31 =	vand.u32 $0x7FFFFFFF, v1;
	v1 =	vld [tilespmem:$0x1FB90]  }
0x1fb: {  	v19 =	vand.u32 $0x1, v19;
	[tilespmem:$0x1F9E0] =	vst v13;
	v14 =	vcvt.s32.f32 v32;
	v35 =	vand.u32 $0x7FFFFFFF, v20  }
0x1fc: {  	v20 =	vand.u32 $0x7FFFFFFF, v45;
	v34 =	vand.u32 $0x7FFFFFFF, v16;
	[tilespmem:$0x1FA70] =	vst v57;
	v57 =	vcvt.s32.f32 v4  }
0x1fd: {  	v51 =	vand.u32 $0x1, v38;
	[tilespmem:$0x1FAD0] =	vst v60;
	v38 =	vcvt.s32.f32 v18;
	v18 =	vand.u32 $0x1, v49  }
0x1fe: {  	v49 =	vand.u32 $0x7FFFFFFF, v46;
	[tilespmem:$0x1FA20] =	vst v62;
	v62 =	vcvt.s32.f32 v26;
	v26 =	vand.u32 $0x1, v30  }
0x1ff: {  	v46 =	vand.u32 $0x7FFFFFFF, v15;
	[tilespmem:$0x1FAE0] =	vst v61;
	v61 =	vcvt.s32.f32 v26;
	v26 =	vand.u32 $0x7FFFFFFF, v1;
	v1 =	vld [tilespmem:$0x1FBA0]  }
0x200: {  	v60 =	vcvt.s32.f32 v51;
	[tilespmem:$0x1F9F0] =	vst v58;
	v58 =	vcvt.s32.f32 v19;
	v4 =	vand.u32 $0x1, v52  }
0x201: {  	[tilespmem:$0x1FAC0] =	vst v14;
	v53 =	vcvt.s32.f32 v18;
	v52 =	vand.u32 $0x7FFFFFFF, v10;
	v4 =	vcvt.s32.f32 v4  }
0x202: {  	[tilespmem:$0x1FA80] =	vst v58;
	v9 =	vand.u32 $0x7FFFFFFF, v9;
	v56 =	vand.u32 $0x7FFFFFFF, v0;
	v23 =	vand.u32 $0x1, v36  }
0x203: {  	v36 =	vand.u32 $0x7FFFFFFF, v21;
	v58 =	vcvt.s32.f32 v23;
	[tilespmem:$0x1FAF0] =	vst v62;
	v62 =	vand.u32 $0x7FFFFFFF, v12  }
0x204: {  	s22 =	simm.s32 $0x10;
	[tilespmem:$0x1FA40] =	vst v50;
	v32 =	vand.u32 $0x7FFFFFFF, v1;
	v1 =	vand.u32 $0x7FFFFFFF, v6;
	v6 =	vand.u32 $0x7FFFFFFF, v11  }
.LBB2_4:
0x205: {  	[tilespmem:$0x1F7C0] =	vst v44;
	v0 =	vmin.f32 v39, $1.000000000e+00  }
0x206: {  	[tilespmem:$0x1F870] =	vst v39;
	v30 =	vmin.f32 v44, $1.000000000e+00;
	v12 =	vand.u32 $0x7FFFFFFF, v7;
	v13 =	vand.u32 $0x7FFFFFFF, v40  }
0x207: {  	v15 =	vand.u32 $0x7FFFFFFF, v8;
	v16 =	vand.u32 $0x7FFFFFFF, v5;
	[tilespmem:$0x1F860] =	vst v0;
	v0 =	vmin.f32 v33, $1.000000000e+00  }
0x208: {  	[tilespmem:$0x1F810] =	vst v33;
	v40 =	vmin.f32 v24, $1.000000000e+00;
	v39 =	vand.u32 $0x7FFFFFFF, v63;
	v33 =	vmin.f32 v26, $1.000000000e+00  }
0x209: {  	[tilespmem:$0x1F7D0] =	vst v24;
	v5 =	vand.u32 $0x7FFFFFFF, v37;
	v45 =	vmin.f32 v15, $1.000000000e+00;
	v24 =	vmin.f32 v16, $1.000000000e+00  }
0x20a: {  	[tilespmem:$0x1F830] =	vst v28;
	v37 =	vmovc v26;
	v27 =	vmin.f32 v12, $1.000000000e+00;
	v50 =	vmul.f32 $5.000000000e-01, v45;
	v26 =	vmul.f32 $5.000000000e-01, v24  }
0x20b: {  	v44 =	vmovc v54;
	v54 =	vand.u32 $0x7FFFFFFF, v3;
	[tilespmem:$0x1F800] =	vst v0;
	v0 =	vmin.f32 v28, $1.000000000e+00;
	v28 =	vmul.f32 $5.000000000e-01, v27  }
0x20c: {  	v15 =	vsub.f32 v15, v50;
	v16 =	vsub.f32 v16, v26;
	v26 =	vmin.f32 v54, $1.000000000e+00  }
0x20d: {  	[tilespmem:$0x1F7F0] =	vst v39;
	v50 =	vmin.f32 v39, $1.000000000e+00;
	v12 =	vsub.f32 v12, v28;
	v39 =	vld [tilespmem:$0x1F9E0];
	v28 =	vmul.f32 $5.000000000e-01, v26;
	_ =	sdelay $0x1  }
0x20e: {  	v12 =	vmul.f32 v12, v27;
	v27 =	vsub.f32 v54, v28;
	v54 =	vld [tilespmem:$0x1F970]  }
0x20f: {  	v15 =	vmul.f32 v15, v45;
	_ =	sdelay $0x1  }
0x210: {  	v15 =	vmul.f32 v39, v15;
	_ =	sdelay $0x1  }
0x211: {  	v15 =	vadd.f32 v15, v54;
	v54 =	vld [tilespmem:$0x1F980];
	_ =	sdelay $0x2  }
0x212: {  	v19 =	vmin.f32 v6, $1.000000000e+00;
	v47 =	vmin.f32 v9, $1.000000000e+00;
	v23 =	vmin.f32 v20, $1.000000000e+00  }
0x213: {  	v14 =	vand.u32 $0x7FFFFFFF, v42;
	[tilespmem:$0x1F820] =	vst v0;
	v0 =	vmin.f32 v22, $1.000000000e+00;
	v16 =	vmul.f32 v16, v24  }
0x214: {  	v25 =	vmin.f32 v13, $1.000000000e+00;
	[tilespmem:$0x1F840] =	vst v0;
	v0 =	vmin.f32 v43, $1.000000000e+00;
	v45 =	vmovc v43;
	v43 =	vadd.f32 v39, v54  }
0x215: {  	v51 =	vmin.f32 v14, $1.000000000e+00;
	v28 =	vmul.f32 $5.000000000e-01, v25;
	v16 =	vmul.f32 v4, v16  }
0x216: {  	v26 =	vmul.f32 v27, v26;
	v27 =	vmul.f32 $5.000000000e-01, v51;
	v4 =	vadd.f32 v4, v43  }
0x217: {  	v42 =	vmin.f32 v62, $1.000000000e+00;
	v59 =	vand.u32 $0x7FFFFFFF, v59;
	v13 =	vsub.f32 v13, v28  }
0x218: {  	v12 =	vmul.f32 v2, v12;
	v14 =	vsub.f32 v14, v27;
	v2 =	vadd.f32 v2, v4  }
0x219: {  	[tilespmem:$0x1F850] =	vst v22;
	v22 =	vmin.f32 v1, $1.000000000e+00;
	v24 =	vmin.f32 v59, $1.000000000e+00;
	v15 =	vadd.f32 v16, v15  }
0x21a: {  	v13 =	vmul.f32 v13, v25;
	v14 =	vmul.f32 v14, v51;
	v2 =	vadd.f32 v61, v2  }
0x21b: {  	v12 =	vadd.f32 v12, v15;
	v43 =	vmul.f32 $5.000000000e-01, v47;
	v4 =	vmul.f32 v61, v26  }
0x21c: {  	v51 =	vmul.f32 $5.000000000e-01, v23;
	v39 =	vmul.f32 $5.000000000e-01, v19;
	v2 =	vadd.f32 v57, v2  }
0x21d: {  	v54 =	vmul.f32 v57, v13;
	v9 =	vsub.f32 v9, v43;
	v4 =	vadd.f32 v4, v12  }
0x21e: {  	v6 =	vsub.f32 v6, v39;
	v43 =	vmul.f32 v53, v14;
	v2 =	vadd.f32 v53, v2  }
0x21f: {  	v9 =	vmul.f32 v9, v47;
	v61 =	vsub.f32 v20, v51;
	v4 =	vadd.f32 v54, v4  }
0x220: {  	v6 =	vmul.f32 v6, v19;
	v47 =	vmul.f32 $5.000000000e-01, v22;
	v2 =	vadd.f32 v48, v2  }
0x221: {  	v13 =	vmul.f32 v61, v23;
	v9 =	vmul.f32 v48, v9;
	v4 =	vadd.f32 v43, v4  }
0x222: {  	v51 =	vmul.f32 $5.000000000e-01, v42;
	v1 =	vsub.f32 v1, v47;
	v2 =	vadd.f32 v55, v2  }
0x223: {  	v6 =	vmul.f32 v58, v6;
	v4 =	vadd.f32 v9, v4;
	v9 =	vmul.f32 v55, v13  }
0x224: {  	v1 =	vmul.f32 v1, v22;
	v53 =	vmul.f32 $5.000000000e-01, v24;
	v2 =	vadd.f32 v58, v2;
	v58 =	vld [tilespmem:$0x1FB00]  }
0x225: {  	v18 =	vmin.f32 v56, $1.000000000e+00;
	v12 =	vsub.f32 v62, v51;
	v4 =	vadd.f32 v9, v4  }
0x226: {  	v61 =	vld [tilespmem:$0x1FAF0];
	v54 =	vsub.f32 v59, v53;
	v1 =	vmul.f32 v60, v1;
	v55 =	vmul.f32 $5.000000000e-01, v18  }
0x227: {  	v9 =	vmul.f32 v12, v42;
	v4 =	vadd.f32 v6, v4;
	v2 =	vadd.f32 v60, v2  }
0x228: {  	v6 =	vmul.f32 v54, v24;
	v56 =	vsub.f32 v56, v55  }
0x229: {  	v1 =	vadd.f32 v1, v4;
	v4 =	vmul.f32 v58, v9;
	v2 =	vadd.f32 v58, v2  }
0x22a: {  	v17 =	vmin.f32 v52, $1.000000000e+00;
	v11 =	vmin.f32 v49, $1.000000000e+00;
	v9 =	vmul.f32 v56, v18  }
0x22b: {  	v1 =	vadd.f32 v4, v1;
	v4 =	vmul.f32 v61, v6;
	v2 =	vadd.f32 v61, v2  }
0x22c: {  	v57 =	vmul.f32 $5.000000000e-01, v17;
	v60 =	vmul.f32 $5.000000000e-01, v11  }
0x22d: {  	v1 =	vadd.f32 v4, v1;
	v4 =	vmul.f32 v38, v9;
	v2 =	vadd.f32 v38, v2;
	v38 =	vld [tilespmem:$0x1FAE0]  }
0x22e: {  	v10 =	vmin.f32 v46, $1.000000000e+00;
	v59 =	vsub.f32 v52, v57  }
0x22f: {  	v16 =	vmul.f32 $5.000000000e-01, v10;
	v39 =	vld [tilespmem:$0x1FAC0];
	v62 =	vsub.f32 v49, v60  }
0x230: {  	v21 =	vmin.f32 v35, $1.000000000e+00;
	v8 =	vmin.f32 v32, $1.000000000e+00;
	v6 =	vmul.f32 v59, v17  }
0x231: {  	v42 =	vld [tilespmem:$0x1FAD0];
	v17 =	vmul.f32 $5.000000000e-01, v21;
	v9 =	vmul.f32 v62, v11;
	v11 =	vsub.f32 v46, v16  }
0x232: {  	v7 =	vmin.f32 v36, $1.000000000e+00;
	v1 =	vadd.f32 v4, v1;
	v4 =	vmul.f32 v38, v6  }
0x233: {  	v6 =	vmul.f32 v11, v10;
	v10 =	vsub.f32 v35, v17;
	v11 =	vmul.f32 $5.000000000e-01, v8  }
0x234: {  	v3 =	vmin.f32 v5, $1.000000000e+00;
	v1 =	vadd.f32 v4, v1;
	v4 =	vmul.f32 v39, v9  }
0x235: {  	v9 =	vmul.f32 v10, v21;
	v10 =	vsub.f32 v32, v11;
	v11 =	vmul.f32 $5.000000000e-01, v7  }
0x236: {  	v2 =	vadd.f32 v38, v2;
	v1 =	vadd.f32 v4, v1;
	v4 =	vmul.f32 v42, v6  }
0x237: {  	v6 =	vmul.f32 v10, v8;
	v8 =	vsub.f32 v36, v11;
	v10 =	vmul.f32 $5.000000000e-01, v3;
	v11 =	vld [tilespmem:$0x1FAB0];
	_ =	sdelay $0x1  }
0x238: {  	[tilespmem:$0x1F7E0] =	vst v0;
	v0 =	vmin.f32 v34, $1.000000000e+00;
	v2 =	vadd.f32 v39, v2;
	v5 =	vsub.f32 v5, v10  }
0x239: {  	v63 =	vmin.f32 v31, $1.000000000e+00;
	v7 =	vmul.f32 v8, v7;
	v8 =	vmul.f32 $5.000000000e-01, v0  }
0x23a: {  	v2 =	vadd.f32 v42, v2;
	v1 =	vadd.f32 v4, v1;
	v3 =	vmul.f32 v5, v3  }
0x23b: {  	v5 =	vsub.f32 v34, v8;
	v8 =	vmul.f32 $5.000000000e-01, v63;
	v4 =	vmul.f32 v11, v9;
	v9 =	vld [tilespmem:$0x1FAA0]  }
0x23c: {  	v2 =	vadd.f32 v11, v2  }
0x23d: {  	v0 =	vmul.f32 v5, v0;
	v5 =	vsub.f32 v31, v8;
	v8 =	vld [tilespmem:$0x1FA80]  }
0x23e: {  	v2 =	vadd.f32 v44, v2;
	_ =	sdelay $0x1  }
0x23f: {  	v2 =	vadd.f32 v9, v2  }
0x240: {  	v6 =	vmul.f32 v44, v6  }
0x241: {  	v4 =	vadd.f32 v4, v1;
	v3 =	vmul.f32 v8, v3;
	v2 =	vadd.f32 v8, v2;
	v8 =	vld [tilespmem:$0x1FA90]  }
0x242: {  	s20 =	sadd.s32 $0x80, s20  }
0x243: {  	s23 =	sand.u32 $0x70, s22;
	s26 =	sand.u32 $0xC00, s20;
	v4 =	vadd.f32 v6, v4;
	v6 =	vmul.f32 v9, v7  }
0x244: {  	s23 =	sor.u32 s23, s26  }
0x245: {  	v4 =	vadd.f32 v6, v4;
	v6 =	vld [tilespmem:s23+$0xF300]  }
0x246: {  	v0 =	vmul.f32 v8, v0;
	v2 =	vadd.f32 v8, v2;
	v8 =	vld [tilespmem:$0x1FA70]  }
0x247: {  	v3 =	vadd.f32 v3, v4;
	v4 =	vld [tilespmem:s23+$0xF280]  }
0x248: {  	v7 =	vmul.f32 $5.000000000e-01, v33  }
0x249: {  	v5 =	vmul.f32 v5, v63  }
0x24a: {  	[tilespmem:$0x1F880] =	vst v6;
	v6 =	vsub.f32 v37, v7  }
0x24b: {  	v0 =	vadd.f32 v0, v3;
	v3 =	vmul.f32 v8, v5;
	v2 =	vadd.f32 v8, v2;
	v8 =	vld [tilespmem:$0x1FA50]  }
0x24c: {  	[tilespmem:$0x1F890] =	vst v4;
	v4 =	vmul.f32 v6, v33;
	v6 =	vld [tilespmem:$0x1F7C0];
	_ =	sdelay $0x1  }
0x24d: {  	v5 =	vld [tilespmem:s23+$0xF200]  }
0x24e: {  	v9 =	vld [tilespmem:s23+$0x7200];
	v7 =	vmul.f32 $5.000000000e-01, v30  }
0x24f: {  	v0 =	vadd.f32 v3, v0;
	v3 =	vmul.f32 v8, v4;
	v2 =	vadd.f32 v8, v2;
	v8 =	vld [tilespmem:$0x1FA60]  }
0x250: {  	v29 =	vmin.f32 v41, $1.000000000e+00;
	v6 =	vsub.f32 v6, v7;
	v4 =	vld [tilespmem:s23+$0xF100]  }
0x251: {  	v7 =	vmul.f32 $5.000000000e-01, v29  }
0x252: {  	v10 =	vld [tilespmem:s23+$0x7080];
	[tilespmem:$0x1F8B0] =	vst v5;
	v5 =	vmul.f32 v6, v30  }
0x253: {  	[tilespmem:$0x1F8A0] =	vst v9;
	v9 =	vld [tilespmem:$0x1F7E0];
	v6 =	vsub.f32 v41, v7  }
0x254: {  	v0 =	vadd.f32 v3, v0;
	v3 =	vmul.f32 v8, v5;
	v2 =	vadd.f32 v8, v2;
	v8 =	vld [tilespmem:$0x1FA30]  }
0x255: {  	[tilespmem:$0x1F8E0] =	vst v4;
	v4 =	vmul.f32 v6, v29;
	v6 =	vld [tilespmem:$0x1F7D0];
	_ =	sdelay $0x1  }
0x256: {  	v5 =	vld [tilespmem:s23+$0xF080]  }
0x257: {  	[tilespmem:$0x1F8C0] =	vst v10;
	v10 =	vld [tilespmem:s23+$0x7000];
	v7 =	vmul.f32 $5.000000000e-01, v40  }
0x258: {  	s24 =	sor.u32 s22, s20;
	v0 =	vadd.f32 v3, v0;
	v3 =	vmul.f32 v8, v4;
	v4 =	vld [tilespmem:s23+$0xF000]  }
0x259: {  	s31 =	sor.u32 $0x2380, s24;
	v6 =	vsub.f32 v6, v7;
	v7 =	vmul.f32 $5.000000000e-01, v9  }
0x25a: {  	v8 =	vadd.f32 v8, v2;
	v2 =	vld [tilespmem:s31+$0xC000]  }
0x25b: {  	[tilespmem:$0x1F8D0] =	vst v5;
	v5 =	vmul.f32 v6, v40;
	v6 =	vsub.f32 v45, v7  }
0x25c: {  	[tilespmem:$0x1F8F0] =	vst v10;
	v10 =	vld [tilespmem:$0x1F800]  }
0x25d: {  	[tilespmem:$0x1F900] =	vst v4;
	v4 =	vmul.f32 v6, v9;
	v6 =	vld [tilespmem:$0x1F7F0];
	_ =	sdelay $0x1  }
0x25e: {  	[tilespmem:$0x1F940] =	vst v2;
	v2 =	vld [tilespmem:$0x1F810]  }
0x25f: {  	v7 =	vmul.f32 $5.000000000e-01, v50;
	_ =	sdelay $0x1  }
0x260: {  	v6 =	vsub.f32 v6, v7;
	v7 =	vmul.f32 $5.000000000e-01, v10;
	_ =	sdelay $0x1  }
0x261: {  	v7 =	vsub.f32 v2, v7;
	v2 =	vld [tilespmem:s23+$0x6300];
	_ =	sdelay $0x1  }
0x262: {  	v3 =	vadd.f32 v3, v0;
	v0 =	vld [tilespmem:$0x1FA40]  }
0x263: {  	v28 =	vld [tilespmem:s23+$0x6200]  }
0x264: {  	v25 =	vld [tilespmem:s23+$0x5280]  }
0x265: {  	[tilespmem:$0x1F910] =	vst v2;
	v2 =	vld [tilespmem:s23+$0xE300]  }
0x266: {  	v11 =	vld [tilespmem:$0x1F820]  }
0x267: {  	v5 =	vmul.f32 v0, v5;
	v8 =	vadd.f32 v0, v8;
	v0 =	vld [tilespmem:$0x1FA20]  }
0x268: {  	v9 =	vld [tilespmem:s31+$0x4000]  }
0x269: {  	v15 =	vld [tilespmem:s23+$0xD300]  }
0x26a: {  	[tilespmem:$0x1F920] =	vst v2;
	v2 =	vld [tilespmem:$0x1F830]  }
0x26b: {  	v26 =	vld [tilespmem:s23+$0xE200]  }
0x26c: {  	v5 =	vadd.f32 v5, v3;
	v3 =	vld [tilespmem:s23+$0x6280];
	v4 =	vmul.f32 v0, v4  }
0x26d: {  	v19 =	vld [tilespmem:s23+$0xE080];
	[tilespmem:$0x1F930] =	vst v9;
	v9 =	vmul.f32 $5.000000000e-01, v11  }
0x26e: {  	v4 =	vadd.f32 v4, v5;
	v5 =	vadd.f32 v0, v8;
	v0 =	vld [tilespmem:$0x1FA00]  }
0x26f: {  	v9 =	vsub.f32 v2, v9;
	v2 =	vld [tilespmem:$0x1F840]  }
0x270: {  	v14 =	vld [tilespmem:s23+$0x5200]  }
0x271: {  	v6 =	vmul.f32 v6, v50;
	[tilespmem:$0x1F950] =	vst v3;
	v3 =	vld [tilespmem:$0x1F850]  }
0x272: {  	v23 =	vld [tilespmem:s23+$0x6080]  }
0x273: {  	v6 =	vmul.f32 v0, v6;
	v5 =	vadd.f32 v0, v5;
	v0 =	vld [tilespmem:$0x1FA10]  }
0x274: {  	v22 =	vld [tilespmem:s23+$0x6000];
	v7 =	vmul.f32 v7, v10;
	v10 =	vmul.f32 $5.000000000e-01, v2  }
0x275: {  	v13 =	vld [tilespmem:s23+$0xD200]  }
0x276: {  	v12 =	vld [tilespmem:s23+$0x5100];
	v8 =	vmul.f32 v9, v11;
	v9 =	vsub.f32 v3, v10  }
0x277: {  	v24 =	vld [tilespmem:s23+$0xE100]  }
0x278: {  	s26 =	sor.u32 $0x1380, s24;
	v4 =	vadd.f32 v6, v4;
	v6 =	vmul.f32 v0, v7;
	v7 =	vmul.f32 v9, v2;
	v2 =	vld [tilespmem:$0x1F9D0]  }
0x279: {  	s21 =	sadd.s32 $0x10, s21;
	v18 =	vld [tilespmem:s26+$0x4000]  }
0x27a: {  	v1 =	vld [tilespmem:s21+$0x0]  }
0x27b: {  	v3 =	vld [tilespmem:$0x1F860]  }
0x27c: {  	v16 =	vld [tilespmem:s23+$0xD280]  }
0x27d: {  	s25 =	sor.u32 $0x3380, s24;
	v9 =	vcvt.s32.f32 v2;
	v2 =	vld [tilespmem:$0x1F870]  }
0x27e: {  	v35 =	vld [tilespmem:s25+$0xC000]  }
0x27f: {  	v38 =	vld [tilespmem:s23+$0x7300]  }
0x280: {  	v17 =	vld [tilespmem:s23+$0xE000];
	v44 =	vshrl.u32 v1, $0x18;
	v10 =	vmul.f32 $5.000000000e-01, v3  }
0x281: {  	v32 =	vld [tilespmem:s25+$0x4000];
	v44 =	vand.u32 $0x1, v44  }
0x282: {  	v48 =	vshrl.u32 v1, $0x16;
	v44 =	vcvt.s32.f32 v44;
	v10 =	vsub.f32 v2, v10;
	v2 =	vld [tilespmem:s23+$0x6100]  }
0x283: {  	v48 =	vand.u32 $0x1, v48;
	v37 =	vld [tilespmem:s23+$0x7280]  }
0x284: {  	v47 =	vshrl.u32 v1, $0x15;
	v41 =	vld [tilespmem:s23+$0x7100];
	[tilespmem:$0x1FA30] =	vst v44;
	v44 =	vcvt.s32.f32 v48  }
0x285: {  	v47 =	vand.u32 $0x1, v47;
	v30 =	vld [tilespmem:s23+$0xC300]  }
0x286: {  	v51 =	vshrl.u32 v1, $0x13;
	v29 =	vld [tilespmem:s23+$0x4300];
	[tilespmem:$0x1FA50] =	vst v44;
	v44 =	vcvt.s32.f32 v47  }
0x287: {  	v51 =	vand.u32 $0x1, v51;
	[tilespmem:$0x1F960] =	vst v2;
	v2 =	vld [tilespmem:$0x1F9F0]  }
0x288: {  	[tilespmem:$0x1FA70] =	vst v44;
	v44 =	vcvt.s32.f32 v51;
	v50 =	vshrl.u32 v1, $0x12;
	v20 =	vadd.f32 v0, v5;
	v0 =	vld [tilespmem:$0x1F990]  }
0x289: {  	s24 =	sor.u32 $0x380, s24;
	v26 =	vsub.f32 v28, v26;
	v47 =	vld [tilespmem:$0x1F8C0];
	v50 =	vand.u32 $0x1, v50  }
0x28a: {  	v34 =	vshrl.u32 v1, $0x1E;
	v36 =	vshrl.u32 v1, $0x1B;
	[tilespmem:$0x1FA80] =	vst v44;
	v40 =	vld [tilespmem:s24+$0x4000];
	v44 =	vcvt.s32.f32 v50  }
0x28b: {  	v39 =	vshrl.u32 v1, $0x1C;
	v42 =	vshrl.u32 v1, $0x1D;
	v51 =	vld [tilespmem:$0x1F900];
	v5 =	vand.u32 $0x1, v34  }
0x28c: {  	[tilespmem:$0x1FAA0] =	vst v44;
	v44 =	vld [tilespmem:$0x1F930];
	v34 =	vand.u32 $0x1, v36;
	v6 =	vadd.f32 v6, v4;
	v8 =	vmul.f32 v2, v8  }
0x28d: {  	v50 =	vld [tilespmem:$0x1F920];
	v36 =	vand.u32 $0x1, v39;
	v39 =	vand.u32 $0x1, v42;
	v21 =	vcvt.s32.f32 v0  }
0x28e: {  	v42 =	vld [tilespmem:s23+$0xD080];
	v43 =	vmul.f32 v9, v7;
	v10 =	vmul.f32 v10, v3;
	v8 =	vadd.f32 v8, v6  }
0x28f: {  	s28 =	sand.u32 $0xFFFFFC00, s20;
	v19 =	vsub.f32 v23, v19;
	v13 =	vsub.f32 v14, v13;
	v31 =	vcvt.s32.f32 v39;
	v39 =	vld [tilespmem:s23+$0x4200]  }
0x290: {  	v7 =	vld [tilespmem:s24+$0xC000];
	s24 =	sadd.s32 s28, s22;
	v10 =	vmul.f32 v21, v10;
	v20 =	vadd.f32 v2, v20;
	v33 =	vadd.f32 v43, v8  }
0x291: {  	v16 =	vsub.f32 v25, v16;
	v17 =	vsub.f32 v22, v17;
	v0 =	vshrl.u32 v1, $0x1F;
	v11 =	vld [tilespmem:s23+$0x5080];
	s29 =	sor.u32 $0x3180, s24  }
0x292: {  	v46 =	vshrl.u32 v1, $0x14;
	[tilespmem:$0x1F990] =	vst v0;
	s30 =	sor.u32 $0x2180, s24;
	s31 =	sor.u32 $0x1180, s24;
	s24 =	sor.u32 $0x180, s24;
	v28 =	vld [tilespmem:s29+$0x4000];
	v9 =	vadd.f32 v9, v20;
	v0 =	vadd.f32 v10, v33  }
0x293: {  	v49 =	vshrl.u32 v1, $0x11;
	v52 =	vshrl.u32 v1, $0xE;
	v53 =	vshrl.u32 v1, $0xF;
	v14 =	vld [tilespmem:s24+$0x4000];
	[tilespmem:$0x1F9F0] =	vst v31  }
0x294: {  	v54 =	vshrl.u32 v1, $0x10;
	v31 =	vcvt.s32.f32 v34;
	v34 =	vld [tilespmem:s23+$0xC200];
	[tilespmem:$0x1F970] =	vst v0;
	v0 =	vadd.f32 v21, v9  }
0x295: {  	v55 =	vshrl.u32 v1, $0xB;
	v56 =	vshrl.u32 v1, $0xC;
	[tilespmem:$0x1F9D0] =	vst v5;
	v23 =	vld [tilespmem:$0x1F960];
	v2 =	vshrl.u32 v1, $0x4  }
0x296: {  	v3 =	vand.u32 $0x1, v1;
	v5 =	vand.u32 $0x1, v2;
	v2 =	vld [tilespmem:s23+$0x4280];
	[tilespmem:$0x1F980] =	vst v0;
	v0 =	vshrl.u32 v1, $0x3  }
0x297: {  	v20 =	vld [tilespmem:s26+$0xC000];
	v33 =	vshrl.u32 v1, $0x17;
	v6 =	vand.u32 $0x1, v0;
	v0 =	vcvt.s32.f32 v3  }
0x298: {  	v57 =	vshrl.u32 v1, $0xD;
	v58 =	vshrl.u32 v1, $0x8;
	v8 =	vld [tilespmem:s23+$0xD000];
	v33 =	vand.u32 $0x1, v33  }
0x299: {  	v59 =	vshrl.u32 v1, $0x9;
	v60 =	vshrl.u32 v1, $0xA;
	v48 =	vcvt.s32.f32 v33;
	[tilespmem:$0x1F9E0] =	vst v0;
	v0 =	vld [tilespmem:$0x1F880]  }
0x29a: {  	v61 =	vshrl.u32 v1, $0x5;
	v62 =	vshrl.u32 v1, $0x6;
	v63 =	vshrl.u32 v1, $0x7;
	[tilespmem:$0x1FA00] =	vst v31;
	v10 =	vld [tilespmem:s23+$0xD100]  }
0x29b: {  	v46 =	vand.u32 $0x1, v46;
	v31 =	vcvt.s32.f32 v36;
	v43 =	vshrl.u32 v1, $0x1A;
	[tilespmem:$0x1FA60] =	vst v48;
	v48 =	vld [tilespmem:$0x1F8D0]  }
0x29c: {  	v53 =	vand.u32 $0x1, v53;
	v54 =	vand.u32 $0x1, v54;
	v43 =	vand.u32 $0x1, v43;
	v21 =	vld [tilespmem:s23+$0x5300]  }
0x29d: {  	v49 =	vand.u32 $0x1, v49;
	v56 =	vand.u32 $0x1, v56;
	[tilespmem:$0x1FA10] =	vst v31;
	v31 =	vcvt.s32.f32 v43;
	v9 =	vld [tilespmem:s23+$0x5000]  }
0x29e: {  	v57 =	vand.u32 $0x1, v57;
	v45 =	vshrl.u32 v1, $0x19;
	v43 =	vsub.f32 v38, v0;
	v0 =	vld [tilespmem:$0x1F890]  }
0x29f: {  	v52 =	vand.u32 $0x1, v52;
	v59 =	vand.u32 $0x1, v59;
	v45 =	vand.u32 $0x1, v45;
	[tilespmem:$0x1FA20] =	vst v31;
	v31 =	vld [tilespmem:s23+$0x4100]  }
0x2a0: {  	v4 =	vshrl.u32 v1, $0x2;
	v47 =	vsub.f32 v47, v48;
	v48 =	vld [tilespmem:$0x1F8F0];
	v38 =	vcvt.s32.f32 v45  }
0x2a1: {  	v60 =	vand.u32 $0x1, v60;
	v55 =	vand.u32 $0x1, v55;
	v3 =	vand.u32 $0x1, v4;
	v4 =	vld [tilespmem:s23+$0xC280]  }
0x2a2: {  	v62 =	vand.u32 $0x1, v62;
	v63 =	vand.u32 $0x1, v63;
	v58 =	vand.u32 $0x1, v58;
	[tilespmem:$0x1FA40] =	vst v38;
	v38 =	vld [tilespmem:$0x1F8B0]  }
0x2a3: {  	v46 =	vcvt.s32.f32 v46;
	v29 =	vsub.f32 v29, v30;
	v45 =	vsub.f32 v37, v0;
	v37 =	vld [tilespmem:$0x1F8A0]  }
0x2a4: {  	v61 =	vand.u32 $0x1, v61;
	v30 =	vsub.f32 v40, v7;
	v10 =	vsub.f32 v12, v10;
	v12 =	vld [tilespmem:s31+$0xC000]  }
0x2a5: {  	v60 =	vcvt.s32.f32 v60;
	[tilespmem:$0x1FA90] =	vst v46;
	v36 =	vsub.f32 v32, v35;
	v46 =	vsub.f32 v48, v51;
	v48 =	vld [tilespmem:$0x1F910]  }
0x2a6: {  	v58 =	vcvt.s32.f32 v58;
	v23 =	vsub.f32 v23, v24;
	v15 =	vsub.f32 v21, v15;
	v21 =	vld [tilespmem:s31+$0x4000]  }
0x2a7: {  	[tilespmem:$0x1FB00] =	vst v60;
	v60 =	vcvt.s32.f32 v59;
	v25 =	vsub.f32 v9, v8;
	v9 =	vsub.f32 v11, v42;
	v11 =	vld [tilespmem:s24+$0xC000]  }
0x2a8: {  	v40 =	vsub.f32 v39, v34;
	v39 =	vand.u32 $0x7FFFFFFF, v36;
	v33 =	vsub.f32 v37, v38;
	v38 =	vld [tilespmem:$0x1F8E0]  }
0x2a9: {  	v34 =	vand.u32 $0x7FFFFFFF, v26;
	v36 =	vand.u32 $0x7FFFFFFF, v23;
	v1 =	vshrl.u32 v1, $0x1;
	v0 =	vld [tilespmem:s23+$0xC100]  }
0x2aa: {  	v18 =	vsub.f32 v18, v20;
	v1 =	vand.u32 $0x1, v1;
	v50 =	vsub.f32 v48, v50;
	v48 =	vld [tilespmem:$0x1F940]  }
0x2ab: {  	v22 =	vld [tilespmem:s30+$0x4000];
	v42 =	vsub.f32 v2, v4;
	v2 =	vcvt.s32.f32 v3;
	v4 =	vcvt.s32.f32 v1  }
0x2ac: {  	v35 =	vld [tilespmem:s23+$0x4080];
	v1 =	vand.u32 $0x7FFFFFFF, v9;
	v9 =	vand.u32 $0x7FFFFFFF, v29;
	v59 =	vsub.f32 v21, v12  }
0x2ad: {  	v24 =	vld [tilespmem:s29+$0xC000];
	v3 =	vsub.f32 v14, v11;
	v32 =	vsub.f32 v41, v38;
	v38 =	vcvt.s32.f32 v54  }
0x2ae: {  	v20 =	vld [tilespmem:s30+$0xC000];
	v26 =	vand.u32 $0x7FFFFFFF, v50;
	v7 =	vsub.f32 v31, v0;
	v54 =	vcvt.s32.f32 v49  }
0x2af: {  	v37 =	vld [tilespmem:s23+$0xC080];
	v41 =	vsub.f32 v44, v48;
	v48 =	vcvt.s32.f32 v62;
	[tilespmem:$0x1FAB0] =	vst v38;
	v38 =	vcvt.s32.f32 v52  }
0x2b0: {  	v27 =	vld [tilespmem:s23+$0xE280];
	v33 =	vand.u32 $0x7FFFFFFF, v33;
	v52 =	vcvt.s32.f32 v53;
	v53 =	vcvt.s32.f32 v57  }
0x2b1: {  	v51 =	vld [tilespmem:s23+$0x4000];
	v62 =	vand.u32 $0x7FFFFFFF, v10;
	v57 =	vcvt.s32.f32 v55;
	v55 =	vcvt.s32.f32 v63;
	[tilespmem:$0x1FAC0] =	vst v38  }
0x2b2: {  	v49 =	vld [tilespmem:$0x1F950];
	v63 =	vsub.f32 v28, v24;
	v28 =	vand.u32 $0x7FFFFFFF, v45;
	[tilespmem:$0x1FAE0] =	vst v53;
	v38 =	vcvt.s32.f32 v56  }
0x2b3: {  	v44 =	vld [tilespmem:s23+$0xC000];
	v24 =	vand.u32 $0x7FFFFFFF, v47;
	[tilespmem:$0x1FAF0] =	vst v57;
	v53 =	vcvt.s32.f32 v61;
	v57 =	vcvt.s32.f32 v5  }
0x2b4: {  	p0 =	sne.s32 s22, $0x1F0;
	v5 =	vsub.f32 v35, v37;
	v61 =	vcvt.s32.f32 v6;
	v37 =	vsub.f32 v22, v20  }
.Ltmp1:
0x2b5: {  	v22 =	vand.u32 $0x7FFFFFFF, v43;
	v43 =	vand.u32 $0x7FFFFFFF, v32;
	v35 =	vand.u32 $0x7FFFFFFF, v17;
	(pc) =	sbr.rel @p0 .LBB2_4-.Ltmp1, $4  }
0x2b6: {  	[tilespmem:$0x1FAD0] =	vst v52;
	v32 =	vand.u32 $0x7FFFFFFF, v19;
	v52 =	vand.u32 $0x7FFFFFFF, v16;
	v56 =	vand.u32 $0x7FFFFFFF, v13  }
0x2b7: {  	v20 =	vand.u32 $0x7FFFFFFF, v30;
	v6 =	vand.u32 $0x7FFFFFFF, v25;
	v27 =	vsub.f32 v49, v27  }
0x2b8: {  	v8 =	vsub.f32 v51, v44;
	v44 =	vand.u32 $0x7FFFFFFF, v41;
	v41 =	vand.u32 $0x7FFFFFFF, v46  }
0x2b9: {  	s22 =	sadd.s32 $0x10, s22;
	v49 =	vand.u32 $0x7FFFFFFF, v15;
	v46 =	vand.u32 $0x7FFFFFFF, v18;
	v31 =	vand.u32 $0x7FFFFFFF, v27  }
0x2ba: {  	v8 =	vand.u32 $0x7FFFFFFF, v8;
	v7 =	vand.u32 $0x7FFFFFFF, v7;
	v5 =	vand.u32 $0x7FFFFFFF, v5  }
0x2bb: {  	v3 =	vand.u32 $0x7FFFFFFF, v3;
	v30 =	vand.u32 $0x7FFFFFFF, v40;
	v45 =	vand.u32 $0x7FFFFFFF, v42  }
0x2bc: {  	v18 =	vmin.f32 v9, $1.000000000e+00;
	v42 =	vmin.f32 v1, $1.000000000e+00;
	v59 =	vand.u32 $0x7FFFFFFF, v59  }
0x2bd: {  	v10 =	vmin.f32 v8, $1.000000000e+00;
	v25 =	vmin.f32 v5, $1.000000000e+00;
	v12 =	vmin.f32 v7, $1.000000000e+00  }
0x2be: {  	v27 =	vmin.f32 v3, $1.000000000e+00;
	v40 =	vmin.f32 v30, $1.000000000e+00;
	v19 =	vmul.f32 $5.000000000e-01, v18  }
0x2bf: {  	v51 =	vmin.f32 v45, $1.000000000e+00;
	v11 =	vmul.f32 $5.000000000e-01, v10;
	v13 =	vmul.f32 $5.000000000e-01, v25  }
0x2c0: {  	v14 =	vmul.f32 $5.000000000e-01, v12;
	v29 =	vmul.f32 $5.000000000e-01, v27;
	v23 =	vsub.f32 v9, v19  }
0x2c1: {  	v15 =	vld [tilespmem:$0x1F9E0];
	v47 =	vmul.f32 $5.000000000e-01, v40;
	v8 =	vsub.f32 v8, v11;
	v5 =	vsub.f32 v5, v13  }
0x2c2: {  	v50 =	vld [tilespmem:$0x1F980];
	v16 =	vmul.f32 $5.000000000e-01, v51;
	v7 =	vsub.f32 v7, v14;
	v3 =	vsub.f32 v3, v29  }
0x2c3: {  	v11 =	vsub.f32 v30, v47;
	v47 =	vmul.f32 $5.000000000e-01, v42;
	v8 =	vmul.f32 v8, v10  }
0x2c4: {  	v30 =	vmin.f32 v6, $1.000000000e+00;
	v5 =	vmul.f32 v5, v25;
	v7 =	vmul.f32 v7, v12  }
0x2c5: {  	v0 =	vld [tilespmem:$0x1F970];
	v3 =	vmul.f32 v3, v27;
	v11 =	vmul.f32 v11, v40;
	v25 =	vmin.f32 v20, $1.000000000e+00  }
0x2c6: {  	v40 =	vmul.f32 $5.000000000e-01, v30;
	v12 =	vmin.f32 v59, $1.000000000e+00;
	v27 =	vmul.f32 $5.000000000e-01, v25  }
0x2c7: {  	v14 =	vadd.f32 v15, v50;
	v13 =	vmul.f32 $5.000000000e-01, v12;
	v8 =	vmul.f32 v15, v8  }
0x2c8: {  	v19 =	vmin.f32 v49, $1.000000000e+00;
	v5 =	vmul.f32 v4, v5;
	v7 =	vmul.f32 v2, v7  }
0x2c9: {  	v17 =	vadd.f32 v4, v14;
	v3 =	vmul.f32 v61, v3;
	v29 =	vmul.f32 v57, v11  }
0x2ca: {  	v4 =	vmul.f32 v23, v18;
	v15 =	vmin.f32 v56, $1.000000000e+00;
	v8 =	vadd.f32 v8, v0  }
0x2cb: {  	v21 =	vadd.f32 v2, v17;
	v14 =	vsub.f32 v59, v13;
	v17 =	vmin.f32 v52, $1.000000000e+00  }
0x2cc: {  	v0 =	vsub.f32 v45, v16;
	v50 =	vmul.f32 v48, v4;
	v5 =	vadd.f32 v5, v8  }
0x2cd: {  	v45 =	vsub.f32 v6, v40;
	v16 =	vmul.f32 $5.000000000e-01, v15;
	v18 =	vmul.f32 $5.000000000e-01, v17  }
0x2ce: {  	v2 =	vadd.f32 v61, v21;
	v21 =	vmul.f32 $5.000000000e-01, v19;
	v5 =	vadd.f32 v7, v5  }
0x2cf: {  	v40 =	vmin.f32 v35, $1.000000000e+00;
	v0 =	vmul.f32 v0, v51;
	v51 =	vmul.f32 v45, v30  }
0x2d0: {  	v2 =	vadd.f32 v57, v2;
	v57 =	vmin.f32 v62, $1.000000000e+00;
	v3 =	vadd.f32 v3, v5  }
0x2d1: {  	v45 =	vmin.f32 v32, $1.000000000e+00;
	v0 =	vmul.f32 v53, v0;
	v61 =	vmul.f32 $5.000000000e-01, v57  }
0x2d2: {  	v4 =	vmul.f32 v58, v51;
	v5 =	vsub.f32 v20, v27;
	v3 =	vadd.f32 v29, v3  }
0x2d3: {  	v2 =	vadd.f32 v53, v2;
	v53 =	vsub.f32 v1, v47;
	v47 =	vmul.f32 $5.000000000e-01, v45  }
0x2d4: {  	v27 =	vsub.f32 v49, v21;
	v5 =	vmul.f32 v5, v25;
	v0 =	vadd.f32 v0, v3  }
0x2d5: {  	v21 =	vmin.f32 v44, $1.000000000e+00;
	v2 =	vadd.f32 v48, v2;
	v1 =	vmul.f32 v53, v42  }
0x2d6: {  	v42 =	vmul.f32 $5.000000000e-01, v40;
	v5 =	vmul.f32 v55, v5;
	v0 =	vadd.f32 v50, v0  }
0x2d7: {  	v20 =	vld [tilespmem:$0x1FB00];
	v51 =	vsub.f32 v32, v47;
	v53 =	vand.u32 $0x7FFFFFFF, v37;
	v2 =	vadd.f32 v55, v2  }
0x2d8: {  	v37 =	vand.u32 $0x7FFFFFFF, v63;
	v3 =	vsub.f32 v62, v61;
	v0 =	vadd.f32 v5, v0  }
0x2d9: {  	v47 =	vmin.f32 v33, $1.000000000e+00;
	v29 =	vmin.f32 v46, $1.000000000e+00;
	v2 =	vadd.f32 v58, v2  }
0x2da: {  	v23 =	vld [tilespmem:$0x1FAF0];
	v1 =	vmul.f32 v60, v1;
	v3 =	vmul.f32 v3, v57;
	v0 =	vadd.f32 v4, v0  }
0x2db: {  	v30 =	vmul.f32 $5.000000000e-01, v29;
	v62 =	vmin.f32 v34, $1.000000000e+00;
	v2 =	vadd.f32 v60, v2  }
0x2dc: {  	v11 =	vmul.f32 $5.000000000e-01, v62;
	v3 =	vmul.f32 v20, v3;
	v0 =	vadd.f32 v1, v0  }
0x2dd: {  	v5 =	vmul.f32 v14, v12;
	v2 =	vadd.f32 v20, v2;
	v4 =	vsub.f32 v56, v16  }
0x2de: {  	v12 =	vmin.f32 v31, $1.000000000e+00;
	v0 =	vadd.f32 v3, v0;
	v3 =	vsub.f32 v46, v30;
	v46 =	vld [tilespmem:$0x1FAE0]  }
0x2df: {  	v49 =	vld [tilespmem:$0x1FAC0];
	v25 =	vmul.f32 v23, v5;
	v4 =	vmul.f32 v4, v15;
	v1 =	vsub.f32 v52, v18  }
0x2e0: {  	v14 =	vmin.f32 v26, $1.000000000e+00;
	v13 =	vmul.f32 $5.000000000e-01, v12;
	v2 =	vadd.f32 v23, v2  }
0x2e1: {  	v1 =	vmul.f32 v1, v17;
	v4 =	vmul.f32 v38, v4;
	v0 =	vadd.f32 v25, v0  }
0x2e2: {  	v57 =	vld [tilespmem:$0x1FAD0];
	v5 =	vmul.f32 v27, v19;
	v56 =	vmin.f32 v53, $1.000000000e+00;
	v2 =	vadd.f32 v38, v2  }
0x2e3: {  	v16 =	vmul.f32 $5.000000000e-01, v14;
	v0 =	vadd.f32 v4, v0;
	v1 =	vmul.f32 v46, v1  }
0x2e4: {  	v59 =	vld [tilespmem:$0x1FAB0];
	v50 =	vmul.f32 v49, v5;
	v52 =	vmin.f32 v36, $1.000000000e+00;
	v48 =	vadd.f32 v46, v2  }
0x2e5: {  	v3 =	vmul.f32 v3, v29;
	v4 =	vsub.f32 v35, v42;
	v0 =	vadd.f32 v1, v0  }
0x2e6: {  	v58 =	vmul.f32 $5.000000000e-01, v56;
	v55 =	vmul.f32 $5.000000000e-01, v52;
	v1 =	vadd.f32 v49, v48  }
0x2e7: {  	v3 =	vmul.f32 v57, v3;
	v4 =	vmul.f32 v4, v40;
	v0 =	vadd.f32 v50, v0  }
0x2e8: {  	v5 =	vmul.f32 v51, v45;
	v15 =	vld [tilespmem:$0x1FAA0];
	v20 =	vsub.f32 v26, v16;
	v1 =	vadd.f32 v57, v1  }
0x2e9: {  	v17 =	vld [tilespmem:$0x1FA80];
	v2 =	vsub.f32 v36, v55;
	v60 =	vmul.f32 v59, v4;
	v0 =	vadd.f32 v3, v0  }
0x2ea: {  	v23 =	vmul.f32 $5.000000000e-01, v21;
	v61 =	vsub.f32 v53, v58;
	v1 =	vadd.f32 v59, v1  }
0x2eb: {  	v5 =	vmul.f32 v54, v5;
	v2 =	vmul.f32 v2, v52;
	v0 =	vadd.f32 v60, v0  }
0x2ec: {  	v26 =	vmin.f32 v41, $1.000000000e+00;
	v25 =	vld [tilespmem:$0x1FA90];
	v4 =	vmul.f32 v61, v56;
	v1 =	vadd.f32 v54, v1  }
0x2ed: {  	v2 =	vmul.f32 v15, v2;
	v3 =	vsub.f32 v34, v11;
	v0 =	vadd.f32 v5, v0  }
0x2ee: {  	v27 =	vmul.f32 $5.000000000e-01, v26;
	v30 =	vld [tilespmem:$0x1FA70];
	v18 =	vmul.f32 v17, v4;
	v1 =	vadd.f32 v15, v1  }
0x2ef: {  	v3 =	vmul.f32 v3, v62;
	v5 =	vsub.f32 v31, v13;
	v0 =	vadd.f32 v2, v0  }
0x2f0: {  	v29 =	vmin.f32 v24, $1.000000000e+00;
	v36 =	vmin.f32 v43, $1.000000000e+00;
	v1 =	vadd.f32 v17, v1  }
0x2f1: {  	v32 =	vld [tilespmem:$0x1FA50];
	v3 =	vmul.f32 v25, v3;
	v19 =	vmul.f32 v5, v12;
	v0 =	vadd.f32 v18, v0  }
0x2f2: {  	v55 =	vmin.f32 v39, $1.000000000e+00;
	v38 =	vmul.f32 $5.000000000e-01, v36;
	v1 =	vadd.f32 v25, v1  }
0x2f3: {  	v4 =	vmul.f32 v30, v19;
	v0 =	vadd.f32 v3, v0;
	v3 =	vsub.f32 v41, v27;
	v41 =	vld [tilespmem:$0x1FA60]  }
0x2f4: {  	v5 =	vmul.f32 v20, v14;
	v2 =	vsub.f32 v44, v23;
	v1 =	vadd.f32 v30, v1  }
0x2f5: {  	v31 =	vmul.f32 $5.000000000e-01, v29;
	v0 =	vadd.f32 v4, v0;
	v4 =	vsub.f32 v43, v38;
	v43 =	vld [tilespmem:$0x1FA30]  }
0x2f6: {  	v40 =	vmin.f32 v37, $1.000000000e+00;
	v2 =	vmul.f32 v2, v21;
	v34 =	vmul.f32 v32, v5  }
0x2f7: {  	v42 =	vmul.f32 $5.000000000e-01, v40;
	v49 =	vld [tilespmem:$0x1FA40];
	v35 =	vsub.f32 v24, v31;
	v1 =	vadd.f32 v32, v1  }
0x2f8: {  	v3 =	vmul.f32 v3, v26;
	v0 =	vadd.f32 v34, v0;
	v2 =	vmul.f32 v41, v2  }
0x2f9: {  	v53 =	vld [tilespmem:$0x1FA20];
	v48 =	vmul.f32 $5.000000000e-01, v47;
	v52 =	vmin.f32 v22, $1.000000000e+00;
	v1 =	vadd.f32 v41, v1  }
0x2fa: {  	v56 =	vld [tilespmem:$0x1FA00];
	v5 =	vmul.f32 v35, v29;
	v0 =	vadd.f32 v2, v0;
	v44 =	vmul.f32 v43, v3  }
0x2fb: {  	v46 =	vsub.f32 v37, v42;
	v50 =	vmin.f32 v28, $1.000000000e+00;
	v1 =	vadd.f32 v43, v1  }
0x2fc: {  	v5 =	vmul.f32 v49, v5;
	v45 =	vmul.f32 v4, v36;
	v0 =	vadd.f32 v44, v0  }
0x2fd: {  	v58 =	vld [tilespmem:$0x1FA10];
	v51 =	vmul.f32 $5.000000000e-01, v50;
	v4 =	vmul.f32 v46, v40;
	v1 =	vadd.f32 v49, v1  }
0x2fe: {  	v61 =	vld [tilespmem:$0x1F9D0];
	v2 =	vsub.f32 v33, v48;
	v3 =	vmul.f32 v53, v45;
	v0 =	vadd.f32 v5, v0  }
0x2ff: {  	v54 =	vmul.f32 $5.000000000e-01, v52;
	v62 =	vld [tilespmem:$0x1F9F0];
	v4 =	vmul.f32 v56, v4;
	v1 =	vadd.f32 v53, v1  }
0x300: {  	v2 =	vmul.f32 v2, v47;
	v5 =	vsub.f32 v28, v51;
	v0 =	vadd.f32 v3, v0  }
0x301: {  	v63 =	vld [tilespmem:$0x1F990];
	v57 =	vmul.f32 $5.000000000e-01, v55;
	v6 =	vsub.f32 v22, v54;
	v1 =	vadd.f32 v56, v1  }
0x302: {  	v2 =	vmul.f32 v58, v2;
	v5 =	vmul.f32 v5, v50;
	v0 =	vadd.f32 v4, v0  }
0x303: {  	v60 =	vsub.f32 v39, v57;
	v59 =	vmul.f32 v6, v52;
	v1 =	vadd.f32 v58, v1  }
0x304: {  	v5 =	vmul.f32 v62, v5;
	v0 =	vadd.f32 v2, v0;
	v2 =	vcvt.s32.f32 v61  }
0x305: {  	v3 =	vmul.f32 v60, v55;
	v1 =	vadd.f32 v62, v1  }
0x306: {  	v0 =	vadd.f32 v5, v0;
	v5 =	vcvt.s32.f32 v63;
	v4 =	vmul.f32 v2, v59  }
0x307: {  	v1 =	vadd.f32 v2, v1  }
0x308: {  	v0 =	vadd.f32 v4, v0;
	v3 =	vmul.f32 v5, v3  }
0x309: {  	v1 =	vadd.f32 v5, v1  }
0x30a: {  	s19 =	sadd.s32 $0x1, s19;
	v0 =	vadd.f32 v3, v0  }
0x30b: {  	p0 =	sne.s32 s19, s10;
	[tilespmem:$0x10480] =	vst v1  }
.Ltmp2:
0x30c: {  	[tilespmem:$0x10400] =	vst v0;
	(pc) =	sbr.rel @p0 .LBB2_1-.Ltmp2, $4  }
0x30d: {  	[hbm4b:s9+s2] =	stream.linear.scatter [tilespmem:s17], [sflag:$0x3], $0x100, $0x38;
	[tilespmem:$0x10500] =	vst v63  }
0x30e: {  	_ =	swait.ge [sflag:s18], $0x100  }
0x30f: {  	[sflag:s18] =	ssyncset.done $0x0  }
0x310: {  	[sflag:s18] =	ssyncadd.s32 $0xFFFFFF00  }
0x311: {  	_ =	sfence.sel $0x180000  }
0x312: {  	[bflag:$0x0] =	sbarrier.arrive $0xFFFF  }
0x313: {  	p0 =	sne.s32 s0, $0x0;
	_ =	strace $0x90000047  }
0x314: {  	s0 =	sadd.s32 @!p0 $0x100000, s1;
	[bflag:$0x2] =	sbarrier.arrive $0xFFFF  }
0x315: {  	[sflag:s0] =	ssyncadd.tile.s32 @!p0 $0x1;
	_ =	shalt  }
.Lfunc_end2:
_tile_overlayer_lowered:
.L_overlay_start_2:
0x316: {  	(tag) =	ssettag $0x2  }
0x317: {  	s0 =	rddreg [dreg:$0x0];
	s2 =	stileid.u32  }
0x318: {  	s1 =	rddreg [dreg:$0x1];
	p0 =	sne.s32 s2, $0x0  }
0x319: {  	s3 =	rddreg [dreg:$0x2];
	[bflag:$0x3] =	sbarrier.arrive $0xFFFF;
	s2 =	simm.s32 @!p0 $0x1C03  }
0x31a: {  	[timem:s3], [sflag:s2] =	dma.local @!p0 [hbm:s0], s1  }
0x31b: {  	s0 =	simm.s32 @!p0 $0x3  }
0x31c: {  	_ =	swait.ge @!p0 [sflag:s0], s1  }
0x31d: {  	s1 =	ssub.s32 @!p0 $0x0, s1;
	[sflag:s0] =	ssyncset.done @!p0 $0x0  }
0x31e: {  	[sflag:s0] =	ssyncadd.s32 @!p0 s1  }
0x31f: {  	[bflag:$0x3] =	sbarrier.arrive $0xFFFF  }
0x320: {  	_ =	shalt  }

</sc_bundles>
